<compile_context>
chip_gen: v7x
topology: tpu7x:2x2x1
jax: 0.10.2.dev20260603
libtpu: 0.0.44.dev20260713+nightly
codegen_flags: <defaults>
</compile_context>

<pallas_src>
import functools

import jax
import jax.numpy as jnp
from jax import lax
from jax.experimental import pallas as pl
from jax.experimental.pallas import tpu as pltpu
from jax.experimental.pallas import tpu_sc as plsc

BEAT = 32
BARS = 1024
EMB = 64
NROWS = BEAT * BARS


def _build_combined(beat_ref, bar_ref, out_ref):
    out_ref[...] = bar_ref[...][:, None, :] + beat_ref[...][None, :, :]


def _make_sc_gather(total_rows, chunk_rows, sub_rows):
    info = plsc.get_sparse_core_info()
    nw = info.num_cores * info.num_subcores
    assert total_rows % (nw * 2 * chunk_rows) == 0
    rows_per_w = total_rows // nw
    n_steps = rows_per_w // (2 * chunk_rows)
    n_sub = chunk_rows // sub_rows
    mesh = plsc.VectorSubcoreMesh(core_axis_name="c", subcore_axis_name="s")

    @functools.partial(
        pl.kernel,
        out_type=jax.ShapeDtypeStruct((total_rows, EMB), jnp.float32),
        mesh=mesh,
        scratch_types=[
            pltpu.VMEM((2 * n_sub, sub_rows), jnp.int32),
            pltpu.VMEM((2 * chunk_rows, EMB), jnp.float32),
            pltpu.SemaphoreType.DMA,
            pltpu.SemaphoreType.DMA,
            pltpu.SemaphoreType.DMA,
            pltpu.SemaphoreType.DMA,
        ],
        compiler_params=pltpu.CompilerParams(use_tc_tiling_on_sc=False),
    )
    def gather_kernel(comb_hbm, idx_hbm, out_hbm, idx_v, rows_v, g0, g1, o0, o1):
        sems_g = (g0, g1)
        sems_o = (o0, o1)
        wid = lax.axis_index("s") * info.num_cores + lax.axis_index("c")
        base = wid * rows_per_w

        def rows_buf(b):
            return rows_v.at[pl.ds(b * chunk_rows, chunk_rows)]

        def step(i, carry):
            off0 = pl.multiple_of(base + i * 2 * chunk_rows, 2 * chunk_rows)
            idx_off = pl.multiple_of(off0 // sub_rows, 2 * n_sub)
            pltpu.sync_copy(idx_hbm.at[pl.ds(idx_off, 2 * n_sub)], idx_v)
            handles = []
            for b in range(2):
                @pl.when(i > 0)
                def _(b=b):
                    pltpu.make_async_copy(
                        rows_buf(b),
                        out_hbm.at[pl.ds(off0, chunk_rows)],
                        sems_o[b],
                    ).wait()

                handles.append([
                    pltpu.async_copy(
                        comb_hbm.at[idx_v.at[b * n_sub + j]],
                        rows_v.at[pl.ds(b * chunk_rows + j * sub_rows, sub_rows)],
                        sems_g[b],
                    )
                    for j in range(n_sub)
                ])
            for b in range(2):
                for h in handles[b]:
                    h.wait()
                off = pl.multiple_of(off0 + b * chunk_rows, chunk_rows)
                pltpu.async_copy(
                    rows_buf(b), out_hbm.at[pl.ds(off, chunk_rows)], sems_o[b]
                )
            return carry

        lax.fori_loop(0, n_steps, step, 0)
        for b in range(2):
            pltpu.make_async_copy(
                rows_buf(b),
                out_hbm.at[pl.ds(base, chunk_rows)],
                sems_o[b],
            ).wait()

    return gather_kernel


def _transpose_block(x_ref, o_ref):
    for t2 in range(100):
        blk = x_ref[pl.Slice(t2, 128, 100), :]
        tb = blk.T
        o_ref[2 * t2, :, :] = tb[:EMB, :]
        o_ref[2 * t2 + 1, :, :] = tb[EMB:, :]


def kernel(pos, beat_table, bar_table):
    b, t = pos.shape
    total = b * t

    comb3 = pl.pallas_call(
        _build_combined,
        out_shape=jax.ShapeDtypeStruct((BARS, BEAT, EMB), jnp.float32),
    )(beat_table, bar_table)
    comb = comb3.reshape(NROWS, EMB)

    sub_rows = 128
    chunk_rows = 512
    idx2d = pos.reshape(total // sub_rows, sub_rows)
    gather = _make_sc_gather(total, chunk_rows, sub_rows)
    x2 = gather(comb, idx2d)

    xv = x2.reshape(total * EMB // 128, 128)
    y = pl.pallas_call(
        _transpose_block,
        grid=(b // 128,),
        in_specs=[pl.BlockSpec((128 * t * EMB // 128, 128), lambda i: (i, 0))],
        out_specs=pl.BlockSpec((t, EMB, 128), lambda i: (0, 0, i)),
        out_shape=jax.ShapeDtypeStruct((t, EMB, b), jnp.float32),
    )(xv)
    return jnp.transpose(y, (2, 0, 1))

# --- scband reference (transcript-rebuilt; emitter-appended) ---
"""Pipeline reference for scband-beat-position-encoder-89618787598773 (READ-ONLY COPY).

The authoritative reference and input builder live on the scoring server;
editing this copy changes nothing except your own understanding.
"""

import jax, jax.numpy as jnp
import numpy as np

BEAT_LEN = 32
MAX_BAR_LEN = 1024
EMB_SZ = 64


def setup_inputs(seed: int = 0) -> dict:
    key = jax.random.key(seed)
    k1, k2, k3 = jax.random.split(key, 3)
    pos = jax.random.randint(k1, (4096, 200), 0, BEAT_LEN * MAX_BAR_LEN, dtype=jnp.int32)
    beat_table = jax.random.normal(k2, (BEAT_LEN, EMB_SZ), dtype=jnp.float32) * 0.02
    beat_table = beat_table.at[0].set(0.0)  # padding_idx=0
    bar_table = jax.random.normal(k3, (MAX_BAR_LEN, EMB_SZ), dtype=jnp.float32) * 0.02
    bar_table = bar_table.at[0].set(0.0)  # padding_idx=0
    return {"pos": pos, "beat_table": beat_table, "bar_table": bar_table}


def reference(pos, beat_table, bar_table):
    beat_enc = jnp.take(beat_table, pos % BEAT_LEN, axis=0)
    bar_pos = (pos // BEAT_LEN) % MAX_BAR_LEN
    bar_pos = jnp.where(bar_pos >= MAX_BAR_LEN, MAX_BAR_LEN - 1, bar_pos)
    bar_enc = jnp.take(bar_table, bar_pos, axis=0)
    return beat_enc + bar_enc

if __name__ == "__main__":
    import jax
    _d = setup_inputs()
    print(jax.jit(kernel)(*tuple(_d.values())))

</pallas_src>

<mosaic_0001>
#map = affine_map<(d0, d1) -> (0, 0)>
module attributes {stable_mosaic.version = 14 : i64} {
  func.func @gather_kernel(%arg0: i32, %arg1: i32, %arg2: memref<32768x64xf32, #tpu.memory_space<hbm>>, %arg3: memref<6400x128xi32, #tpu.memory_space<hbm>>, %arg4: memref<819200x64xf32, #tpu.memory_space<hbm>>, %arg5: memref<8x128xi32, #tpu.memory_space<vmem>>, %arg6: memref<1024x64xf32, #tpu.memory_space<vmem>>, %arg7: memref<!tpu.dma_semaphore, #tpu.memory_space<semaphore_mem>>, %arg8: memref<!tpu.dma_semaphore, #tpu.memory_space<semaphore_mem>>, %arg9: memref<!tpu.dma_semaphore, #tpu.memory_space<semaphore_mem>>, %arg10: memref<!tpu.dma_semaphore, #tpu.memory_space<semaphore_mem>>) attributes {dimension_semantics = [#tpu.dimension_semantics<core_parallel>, #tpu.dimension_semantics<subcore_parallel>], iteration_bounds = array<i64: 2, 16>, scalar_prefetch = 0 : i64, scratch_operands = 6 : i64, tpu.core_type = #tpu.core_type<sc_vector_subcore>, window_params = [{transform_indices = #map}, {transform_indices = #map}, {transform_indices = #map}]} {
    %mul3A = arith.constant 2 : i32
    %mul3A_0 = arith.muli %arg1, %mul3A : i32
    %add3A = arith.addi %mul3A_0, %arg0 : i32
    %mul3A_1 = arith.constant 25600 : i32
    %mul3A_2 = arith.muli %add3A, %mul3A_1 : i32
    %scan3A = arith.constant 0 : i32
    %scan3A_3 = arith.constant 0 : i32
    %scan3A_4 = arith.constant 25 : i32
    %scan3A_5 = arith.addi %scan3A_3, %scan3A_4 : i32
    %scan3A_6 = arith.constant 1 : i32
    scf.for %scan3A_27 = %scan3A_3 to %scan3A_5 step %scan3A_6  : i32 {
      %mul3A_28 = arith.constant 2 : i32
      %mul3A_29 = arith.muli %scan3A_27, %mul3A_28 : i32
      %mul3A_30 = arith.constant 512 : i32
      %mul3A_31 = arith.muli %mul3A_29, %mul3A_30 : i32
      %add3A_32 = arith.addi %mul3A_2, %mul3A_31 : i32
      %multiple_of3A = tpu.assume_multiple %add3A_32, 1024 : i32
      %jit3A = arith.constant 128 : i32
      %div3A = arith.divsi %multiple_of3A, %jit3A : i32
      %sign3A = arith.constant 0 : i32
      %sign3A_33 = arith.cmpi sgt, %multiple_of3A, %sign3A : i32
      %sign3A_34 = arith.extui %sign3A_33 : i1 to i32
      %sign3A_35 = arith.constant 0 : i32
      %sign3A_36 = arith.cmpi slt, %multiple_of3A, %sign3A_35 : i32
      %sign3A_37 = arith.extui %sign3A_36 : i1 to i32
      %sign3A_38 = arith.subi %sign3A_34, %sign3A_37 : i32
      %sign3A_39 = arith.constant 0 : i32
      %sign3A_40 = arith.cmpi sgt, %jit3A, %sign3A_39 : i32
      %sign3A_41 = arith.extui %sign3A_40 : i1 to i32
      %sign3A_42 = arith.constant 0 : i32
      %sign3A_43 = arith.cmpi slt, %jit3A, %sign3A_42 : i32
      %sign3A_44 = arith.extui %sign3A_43 : i1 to i32
      %sign3A_45 = arith.subi %sign3A_41, %sign3A_44 : i32
      %ne3A = arith.cmpi ne, %sign3A_38, %sign3A_45 : i32
      %rem3A = arith.remsi %multiple_of3A, %jit3A : i32
      %ne3A_46 = arith.constant 0 : i32
      %ne3A_47 = arith.cmpi ne, %rem3A, %ne3A_46 : i32
      %and3A = arith.andi %ne3A, %ne3A_47 : i1
      %sub3A = arith.constant 1 : i32
      %sub3A_48 = arith.subi %div3A, %sub3A : i32
      %select_n3A = arith.select %and3A, %sub3A_48, %div3A : i32
      %multiple_of3A_49 = tpu.assume_multiple %select_n3A, 8 : i32
      "tpu.region"() ({
        %run_scoped3A = tpu.sem_alloc : memref<!tpu.dma_semaphore, #tpu.memory_space<semaphore_mem>>
        %dma_start3A_242 = arith.constant 0 : i32
        %dma_start3A_243 = tpu.memref_slice %arg3[%multiple_of3A_49, %dma_start3A_242] : memref<6400x128xi32, #tpu.memory_space<hbm>> -> memref<8x128xi32, #tpu.memory_space<hbm>>
        %dma_start3A_244 = arith.constant 0 : i32
        %dma_start3A_245 = tpu.memref_slice %arg3[%multiple_of3A_49, %dma_start3A_244] : memref<6400x128xi32, #tpu.memory_space<hbm>> -> memref<8x128xi32, #tpu.memory_space<hbm>>
        tpu.enqueue_dma source(%dma_start3A_245 : memref<8x128xi32, #tpu.memory_space<hbm>>) target(%arg5 : memref<8x128xi32, #tpu.memory_space<vmem>>) target_semaphore(%run_scoped3A : memref<!tpu.dma_semaphore, #tpu.memory_space<semaphore_mem>>)
        %dma_wait3A_246 = arith.constant 0 : i32
        %dma_wait3A_247 = tpu.memref_slice %arg3[%multiple_of3A_49, %dma_wait3A_246] : memref<6400x128xi32, #tpu.memory_space<hbm>> -> memref<8x128xi32, #tpu.memory_space<hbm>>
        %dma_wait3A_248 = arith.constant 0 : i32
        %dma_wait3A_249 = tpu.memref_slice %arg3[%multiple_of3A_49, %dma_wait3A_248] : memref<6400x128xi32, #tpu.memory_space<hbm>> -> memref<8x128xi32, #tpu.memory_space<hbm>>
        tpu.wait_dma2 semaphore(%run_scoped3A : memref<!tpu.dma_semaphore, #tpu.memory_space<semaphore_mem>>) src(%dma_wait3A_249 : memref<8x128xi32, #tpu.memory_space<hbm>>) dst(%arg5 : memref<8x128xi32, #tpu.memory_space<vmem>>)
        tpu.yield
      }) : () -> ()
      %gt3A = arith.constant 0 : i32
      %gt3A_50 = arith.cmpi sgt, %scan3A_27, %gt3A : i32
      %convert_element_type3A = arith.extui %gt3A_50 : i1 to i32
      %cond3A = arith.constant 0 : i32
      %cond3A_51 = arith.cmpi ne, %convert_element_type3A, %cond3A : i32
      scf.if %cond3A_51 {
        %dma_wait3A_242 = arith.constant 0 : i32
        %dma_wait3A_243 = arith.constant 0 : i32
        %dma_wait3A_244 = tpu.memref_slice %arg6[%dma_wait3A_242, %dma_wait3A_243] : memref<1024x64xf32, #tpu.memory_space<vmem>> -> memref<512x64xf32, #tpu.memory_space<vmem>>
        %dma_wait3A_245 = arith.constant 0 : i32
        %dma_wait3A_246 = tpu.memref_slice %arg4[%multiple_of3A, %dma_wait3A_245] : memref<819200x64xf32, #tpu.memory_space<hbm>> -> memref<512x64xf32, #tpu.memory_space<hbm>>
        %dma_wait3A_247 = arith.constant 0 : i32
        %dma_wait3A_248 = tpu.memref_slice %arg4[%multiple_of3A, %dma_wait3A_247] : memref<819200x64xf32, #tpu.memory_space<hbm>> -> memref<512x64xf32, #tpu.memory_space<hbm>>
        %dma_wait3A_249 = arith.constant 0 : i32
        %dma_wait3A_250 = arith.constant 0 : i32
        %dma_wait3A_251 = tpu.memref_slice %arg6[%dma_wait3A_249, %dma_wait3A_250] : memref<1024x64xf32, #tpu.memory_space<vmem>> -> memref<512x64xf32, #tpu.memory_space<vmem>>
        tpu.wait_dma2 semaphore(%arg9 : memref<!tpu.dma_semaphore, #tpu.memory_space<semaphore_mem>>) src(%dma_wait3A_251 : memref<512x64xf32, #tpu.memory_space<vmem>>) dst(%dma_wait3A_248 : memref<512x64xf32, #tpu.memory_space<hbm>>)
      } else {
      }
      %dma_start3A = arith.constant 0 : i32
      %dma_start3A_52 = arith.constant 0 : i32
      %dma_start3A_53 = arith.constant 0 : i32
      %dma_start3A_54 = tpu.memref_slice %arg6[%dma_start3A_52, %dma_start3A_53] : memref<1024x64xf32, #tpu.memory_space<vmem>> -> memref<128x64xf32, #tpu.memory_space<vmem>>
      %dma_start3A_55 = arith.constant 0 : i32
      %dma_start3A_56 = tpu.memref_slice %arg5[%dma_start3A, %dma_start3A_55] : memref<8x128xi32, #tpu.memory_space<vmem>> -> memref<1x128xi32, #tpu.memory_space<vmem>>
      %dma_start3A_57 = tpu.memref_squeeze %dma_start3A_56 : memref<1x128xi32, #tpu.memory_space<vmem>> -> memref<128xi32, #tpu.memory_space<vmem>>
      %dma_start3A_58 = arith.constant 0 : i32
      %dma_start3A_59 = arith.constant 0 : i32
      %dma_start3A_60 = tpu.memref_slice %arg2[%dma_start3A_58, %dma_start3A_59] : memref<32768x64xf32, #tpu.memory_space<hbm>> -> memref<32768x64xf32, #tpu.memory_space<hbm>>
      tpu.enqueue_indirect_dma source(%dma_start3A_60 : memref<32768x64xf32, #tpu.memory_space<hbm>>) target(%dma_start3A_54 : memref<128x64xf32, #tpu.memory_space<vmem>>) offsets(%dma_start3A_57 : memref<128xi32, #tpu.memory_space<vmem>>) semaphore(%arg7 : memref<!tpu.dma_semaphore, #tpu.memory_space<semaphore_mem>>)
      %dma_start3A_61 = arith.constant 1 : i32
      %dma_start3A_62 = arith.constant 128 : i32
      %dma_start3A_63 = arith.constant 0 : i32
      %dma_start3A_64 = tpu.memref_slice %arg6[%dma_start3A_62, %dma_start3A_63] : memref<1024x64xf32, #tpu.memory_space<vmem>> -> memref<128x64xf32, #tpu.memory_space<vmem>>
      %dma_start3A_65 = arith.constant 0 : i32
      %dma_start3A_66 = tpu.memref_slice %arg5[%dma_start3A_61, %dma_start3A_65] : memref<8x128xi32, #tpu.memory_space<vmem>> -> memref<1x128xi32, #tpu.memory_space<vmem>>
      %dma_start3A_67 = tpu.memref_squeeze %dma_start3A_66 : memref<1x128xi32, #tpu.memory_space<vmem>> -> memref<128xi32, #tpu.memory_space<vmem>>
      %dma_start3A_68 = arith.constant 0 : i32
      %dma_start3A_69 = arith.constant 0 : i32
      %dma_start3A_70 = tpu.memref_slice %arg2[%dma_start3A_68, %dma_start3A_69] : memref<32768x64xf32, #tpu.memory_space<hbm>> -> memref<32768x64xf32, #tpu.memory_space<hbm>>
      tpu.enqueue_indirect_dma source(%dma_start3A_70 : memref<32768x64xf32, #tpu.memory_space<hbm>>) target(%dma_start3A_64 : memref<128x64xf32, #tpu.memory_space<vmem>>) offsets(%dma_start3A_67 : memref<128xi32, #tpu.memory_space<vmem>>) semaphore(%arg7 : memref<!tpu.dma_semaphore, #tpu.memory_space<semaphore_mem>>)
      %dma_start3A_71 = arith.constant 2 : i32
      %dma_start3A_72 = arith.constant 256 : i32
      %dma_start3A_73 = arith.constant 0 : i32
      %dma_start3A_74 = tpu.memref_slice %arg6[%dma_start3A_72, %dma_start3A_73] : memref<1024x64xf32, #tpu.memory_space<vmem>> -> memref<128x64xf32, #tpu.memory_space<vmem>>
      %dma_start3A_75 = arith.constant 0 : i32
      %dma_start3A_76 = tpu.memref_slice %arg5[%dma_start3A_71, %dma_start3A_75] : memref<8x128xi32, #tpu.memory_space<vmem>> -> memref<1x128xi32, #tpu.memory_space<vmem>>
      %dma_start3A_77 = tpu.memref_squeeze %dma_start3A_76 : memref<1x128xi32, #tpu.memory_space<vmem>> -> memref<128xi32, #tpu.memory_space<vmem>>
      %dma_start3A_78 = arith.constant 0 : i32
      %dma_start3A_79 = arith.constant 0 : i32
      %dma_start3A_80 = tpu.memref_slice %arg2[%dma_start3A_78, %dma_start3A_79] : memref<32768x64xf32, #tpu.memory_space<hbm>> -> memref<32768x64xf32, #tpu.memory_space<hbm>>
      tpu.enqueue_indirect_dma source(%dma_start3A_80 : memref<32768x64xf32, #tpu.memory_space<hbm>>) target(%dma_start3A_74 : memref<128x64xf32, #tpu.memory_space<vmem>>) offsets(%dma_start3A_77 : memref<128xi32, #tpu.memory_space<vmem>>) semaphore(%arg7 : memref<!tpu.dma_semaphore, #tpu.memory_space<semaphore_mem>>)
      %dma_start3A_81 = arith.constant 3 : i32
      %dma_start3A_82 = arith.constant 384 : i32
      %dma_start3A_83 = arith.constant 0 : i32
      %dma_start3A_84 = tpu.memref_slice %arg6[%dma_start3A_82, %dma_start3A_83] : memref<1024x64xf32, #tpu.memory_space<vmem>> -> memref<128x64xf32, #tpu.memory_space<vmem>>
      %dma_start3A_85 = arith.constant 0 : i32
      %dma_start3A_86 = tpu.memref_slice %arg5[%dma_start3A_81, %dma_start3A_85] : memref<8x128xi32, #tpu.memory_space<vmem>> -> memref<1x128xi32, #tpu.memory_space<vmem>>
      %dma_start3A_87 = tpu.memref_squeeze %dma_start3A_86 : memref<1x128xi32, #tpu.memory_space<vmem>> -> memref<128xi32, #tpu.memory_space<vmem>>
      %dma_start3A_88 = arith.constant 0 : i32
      %dma_start3A_89 = arith.constant 0 : i32
      %dma_start3A_90 = tpu.memref_slice %arg2[%dma_start3A_88, %dma_start3A_89] : memref<32768x64xf32, #tpu.memory_space<hbm>> -> memref<32768x64xf32, #tpu.memory_space<hbm>>
      tpu.enqueue_indirect_dma source(%dma_start3A_90 : memref<32768x64xf32, #tpu.memory_space<hbm>>) target(%dma_start3A_84 : memref<128x64xf32, #tpu.memory_space<vmem>>) offsets(%dma_start3A_87 : memref<128xi32, #tpu.memory_space<vmem>>) semaphore(%arg7 : memref<!tpu.dma_semaphore, #tpu.memory_space<semaphore_mem>>)
      %gt3A_91 = arith.constant 0 : i32
      %gt3A_92 = arith.cmpi sgt, %scan3A_27, %gt3A_91 : i32
      %convert_element_type3A_93 = arith.extui %gt3A_92 : i1 to i32
      %cond3A_94 = arith.constant 0 : i32
      %cond3A_95 = arith.cmpi ne, %convert_element_type3A_93, %cond3A_94 : i32
      scf.if %cond3A_95 {
        %dma_wait3A_242 = arith.constant 512 : i32
        %dma_wait3A_243 = arith.constant 0 : i32
        %dma_wait3A_244 = tpu.memref_slice %arg6[%dma_wait3A_242, %dma_wait3A_243] : memref<1024x64xf32, #tpu.memory_space<vmem>> -> memref<512x64xf32, #tpu.memory_space<vmem>>
        %dma_wait3A_245 = arith.constant 0 : i32
        %dma_wait3A_246 = tpu.memref_slice %arg4[%multiple_of3A, %dma_wait3A_245] : memref<819200x64xf32, #tpu.memory_space<hbm>> -> memref<512x64xf32, #tpu.memory_space<hbm>>
        %dma_wait3A_247 = arith.constant 0 : i32
        %dma_wait3A_248 = tpu.memref_slice %arg4[%multiple_of3A, %dma_wait3A_247] : memref<819200x64xf32, #tpu.memory_space<hbm>> -> memref<512x64xf32, #tpu.memory_space<hbm>>
        %dma_wait3A_249 = arith.constant 512 : i32
        %dma_wait3A_250 = arith.constant 0 : i32
        %dma_wait3A_251 = tpu.memref_slice %arg6[%dma_wait3A_249, %dma_wait3A_250] : memref<1024x64xf32, #tpu.memory_space<vmem>> -> memref<512x64xf32, #tpu.memory_space<vmem>>
        tpu.wait_dma2 semaphore(%arg10 : memref<!tpu.dma_semaphore, #tpu.memory_space<semaphore_mem>>) src(%dma_wait3A_251 : memref<512x64xf32, #tpu.memory_space<vmem>>) dst(%dma_wait3A_248 : memref<512x64xf32, #tpu.memory_space<hbm>>)
      } else {
      }
      %dma_start3A_96 = arith.constant 4 : i32
      %dma_start3A_97 = arith.constant 512 : i32
      %dma_start3A_98 = arith.constant 0 : i32
      %dma_start3A_99 = tpu.memref_slice %arg6[%dma_start3A_97, %dma_start3A_98] : memref<1024x64xf32, #tpu.memory_space<vmem>> -> memref<128x64xf32, #tpu.memory_space<vmem>>
      %dma_start3A_100 = arith.constant 0 : i32
      %dma_start3A_101 = tpu.memref_slice %arg5[%dma_start3A_96, %dma_start3A_100] : memref<8x128xi32, #tpu.memory_space<vmem>> -> memref<1x128xi32, #tpu.memory_space<vmem>>
      %dma_start3A_102 = tpu.memref_squeeze %dma_start3A_101 : memref<1x128xi32, #tpu.memory_space<vmem>> -> memref<128xi32, #tpu.memory_space<vmem>>
      %dma_start3A_103 = arith.constant 0 : i32
      %dma_start3A_104 = arith.constant 0 : i32
      %dma_start3A_105 = tpu.memref_slice %arg2[%dma_start3A_103, %dma_start3A_104] : memref<32768x64xf32, #tpu.memory_space<hbm>> -> memref<32768x64xf32, #tpu.memory_space<hbm>>
      tpu.enqueue_indirect_dma source(%dma_start3A_105 : memref<32768x64xf32, #tpu.memory_space<hbm>>) target(%dma_start3A_99 : memref<128x64xf32, #tpu.memory_space<vmem>>) offsets(%dma_start3A_102 : memref<128xi32, #tpu.memory_space<vmem>>) semaphore(%arg8 : memref<!tpu.dma_semaphore, #tpu.memory_space<semaphore_mem>>)
      %dma_start3A_106 = arith.constant 5 : i32
      %dma_start3A_107 = arith.constant 640 : i32
      %dma_start3A_108 = arith.constant 0 : i32
      %dma_start3A_109 = tpu.memref_slice %arg6[%dma_start3A_107, %dma_start3A_108] : memref<1024x64xf32, #tpu.memory_space<vmem>> -> memref<128x64xf32, #tpu.memory_space<vmem>>
      %dma_start3A_110 = arith.constant 0 : i32
      %dma_start3A_111 = tpu.memref_slice %arg5[%dma_start3A_106, %dma_start3A_110] : memref<8x128xi32, #tpu.memory_space<vmem>> -> memref<1x128xi32, #tpu.memory_space<vmem>>
      %dma_start3A_112 = tpu.memref_squeeze %dma_start3A_111 : memref<1x128xi32, #tpu.memory_space<vmem>> -> memref<128xi32, #tpu.memory_space<vmem>>
      %dma_start3A_113 = arith.constant 0 : i32
      %dma_start3A_114 = arith.constant 0 : i32
      %dma_start3A_115 = tpu.memref_slice %arg2[%dma_start3A_113, %dma_start3A_114] : memref<32768x64xf32, #tpu.memory_space<hbm>> -> memref<32768x64xf32, #tpu.memory_space<hbm>>
      tpu.enqueue_indirect_dma source(%dma_start3A_115 : memref<32768x64xf32, #tpu.memory_space<hbm>>) target(%dma_start3A_109 : memref<128x64xf32, #tpu.memory_space<vmem>>) offsets(%dma_start3A_112 : memref<128xi32, #tpu.memory_space<vmem>>) semaphore(%arg8 : memref<!tpu.dma_semaphore, #tpu.memory_space<semaphore_mem>>)
      %dma_start3A_116 = arith.constant 6 : i32
      %dma_start3A_117 = arith.constant 768 : i32
      %dma_start3A_118 = arith.constant 0 : i32
      %dma_start3A_119 = tpu.memref_slice %arg6[%dma_start3A_117, %dma_start3A_118] : memref<1024x64xf32, #tpu.memory_space<vmem>> -> memref<128x64xf32, #tpu.memory_space<vmem>>
      %dma_start3A_120 = arith.constant 0 : i32
      %dma_start3A_121 = tpu.memref_slice %arg5[%dma_start3A_116, %dma_start3A_120] : memref<8x128xi32, #tpu.memory_space<vmem>> -> memref<1x128xi32, #tpu.memory_space<vmem>>
      %dma_start3A_122 = tpu.memref_squeeze %dma_start3A_121 : memref<1x128xi32, #tpu.memory_space<vmem>> -> memref<128xi32, #tpu.memory_space<vmem>>
      %dma_start3A_123 = arith.constant 0 : i32
      %dma_start3A_124 = arith.constant 0 : i32
      %dma_start3A_125 = tpu.memref_slice %arg2[%dma_start3A_123, %dma_start3A_124] : memref<32768x64xf32, #tpu.memory_space<hbm>> -> memref<32768x64xf32, #tpu.memory_space<hbm>>
      tpu.enqueue_indirect_dma source(%dma_start3A_125 : memref<32768x64xf32, #tpu.memory_space<hbm>>) target(%dma_start3A_119 : memref<128x64xf32, #tpu.memory_space<vmem>>) offsets(%dma_start3A_122 : memref<128xi32, #tpu.memory_space<vmem>>) semaphore(%arg8 : memref<!tpu.dma_semaphore, #tpu.memory_space<semaphore_mem>>)
      %dma_start3A_126 = arith.constant 7 : i32
      %dma_start3A_127 = arith.constant 896 : i32
      %dma_start3A_128 = arith.constant 0 : i32
      %dma_start3A_129 = tpu.memref_slice %arg6[%dma_start3A_127, %dma_start3A_128] : memref<1024x64xf32, #tpu.memory_space<vmem>> -> memref<128x64xf32, #tpu.memory_space<vmem>>
      %dma_start3A_130 = arith.constant 0 : i32
      %dma_start3A_131 = tpu.memref_slice %arg5[%dma_start3A_126, %dma_start3A_130] : memref<8x128xi32, #tpu.memory_space<vmem>> -> memref<1x128xi32, #tpu.memory_space<vmem>>
      %dma_start3A_132 = tpu.memref_squeeze %dma_start3A_131 : memref<1x128xi32, #tpu.memory_space<vmem>> -> memref<128xi32, #tpu.memory_space<vmem>>
      %dma_start3A_133 = arith.constant 0 : i32
      %dma_start3A_134 = arith.constant 0 : i32
      %dma_start3A_135 = tpu.memref_slice %arg2[%dma_start3A_133, %dma_start3A_134] : memref<32768x64xf32, #tpu.memory_space<hbm>> -> memref<32768x64xf32, #tpu.memory_space<hbm>>
      tpu.enqueue_indirect_dma source(%dma_start3A_135 : memref<32768x64xf32, #tpu.memory_space<hbm>>) target(%dma_start3A_129 : memref<128x64xf32, #tpu.memory_space<vmem>>) offsets(%dma_start3A_132 : memref<128xi32, #tpu.memory_space<vmem>>) semaphore(%arg8 : memref<!tpu.dma_semaphore, #tpu.memory_space<semaphore_mem>>)
      %dma_wait3A_136 = arith.constant 0 : i32
      %dma_wait3A_137 = arith.constant 0 : i32
      %dma_wait3A_138 = arith.constant 0 : i32
      %dma_wait3A_139 = tpu.memref_slice %arg6[%dma_wait3A_137, %dma_wait3A_138] : memref<1024x64xf32, #tpu.memory_space<vmem>> -> memref<128x64xf32, #tpu.memory_space<vmem>>
      %dma_wait3A_140 = arith.constant 0 : i32
      %dma_wait3A_141 = tpu.memref_slice %arg5[%dma_wait3A_136, %dma_wait3A_140] : memref<8x128xi32, #tpu.memory_space<vmem>> -> memref<1x128xi32, #tpu.memory_space<vmem>>
      %dma_wait3A_142 = tpu.memref_squeeze %dma_wait3A_141 : memref<1x128xi32, #tpu.memory_space<vmem>> -> memref<128xi32, #tpu.memory_space<vmem>>
      %dma_wait3A_143 = arith.constant 0 : i32
      %dma_wait3A_144 = arith.constant 0 : i32
      %dma_wait3A_145 = tpu.memref_slice %arg2[%dma_wait3A_143, %dma_wait3A_144] : memref<32768x64xf32, #tpu.memory_space<hbm>> -> memref<32768x64xf32, #tpu.memory_space<hbm>>
      tpu.wait_indirect_dma semaphore(%arg7 : memref<!tpu.dma_semaphore, #tpu.memory_space<semaphore_mem>>) src(%dma_wait3A_145 : memref<32768x64xf32, #tpu.memory_space<hbm>>) dst(%dma_wait3A_139 : memref<128x64xf32, #tpu.memory_space<vmem>>)
      %dma_wait3A_146 = arith.constant 1 : i32
      %dma_wait3A_147 = arith.constant 128 : i32
      %dma_wait3A_148 = arith.constant 0 : i32
      %dma_wait3A_149 = tpu.memref_slice %arg6[%dma_wait3A_147, %dma_wait3A_148] : memref<1024x64xf32, #tpu.memory_space<vmem>> -> memref<128x64xf32, #tpu.memory_space<vmem>>
      %dma_wait3A_150 = arith.constant 0 : i32
      %dma_wait3A_151 = tpu.memref_slice %arg5[%dma_wait3A_146, %dma_wait3A_150] : memref<8x128xi32, #tpu.memory_space<vmem>> -> memref<1x128xi32, #tpu.memory_space<vmem>>
      %dma_wait3A_152 = tpu.memref_squeeze %dma_wait3A_151 : memref<1x128xi32, #tpu.memory_space<vmem>> -> memref<128xi32, #tpu.memory_space<vmem>>
      %dma_wait3A_153 = arith.constant 0 : i32
      %dma_wait3A_154 = arith.constant 0 : i32
      %dma_wait3A_155 = tpu.memref_slice %arg2[%dma_wait3A_153, %dma_wait3A_154] : memref<32768x64xf32, #tpu.memory_space<hbm>> -> memref<32768x64xf32, #tpu.memory_space<hbm>>
      tpu.wait_indirect_dma semaphore(%arg7 : memref<!tpu.dma_semaphore, #tpu.memory_space<semaphore_mem>>) src(%dma_wait3A_155 : memref<32768x64xf32, #tpu.memory_space<hbm>>) dst(%dma_wait3A_149 : memref<128x64xf32, #tpu.memory_space<vmem>>)
      %dma_wait3A_156 = arith.constant 2 : i32
      %dma_wait3A_157 = arith.constant 256 : i32
      %dma_wait3A_158 = arith.constant 0 : i32
      %dma_wait3A_159 = tpu.memref_slice %arg6[%dma_wait3A_157, %dma_wait3A_158] : memref<1024x64xf32, #tpu.memory_space<vmem>> -> memref<128x64xf32, #tpu.memory_space<vmem>>
      %dma_wait3A_160 = arith.constant 0 : i32
      %dma_wait3A_161 = tpu.memref_slice %arg5[%dma_wait3A_156, %dma_wait3A_160] : memref<8x128xi32, #tpu.memory_space<vmem>> -> memref<1x128xi32, #tpu.memory_space<vmem>>
      %dma_wait3A_162 = tpu.memref_squeeze %dma_wait3A_161 : memref<1x128xi32, #tpu.memory_space<vmem>> -> memref<128xi32, #tpu.memory_space<vmem>>
      %dma_wait3A_163 = arith.constant 0 : i32
      %dma_wait3A_164 = arith.constant 0 : i32
      %dma_wait3A_165 = tpu.memref_slice %arg2[%dma_wait3A_163, %dma_wait3A_164] : memref<32768x64xf32, #tpu.memory_space<hbm>> -> memref<32768x64xf32, #tpu.memory_space<hbm>>
      tpu.wait_indirect_dma semaphore(%arg7 : memref<!tpu.dma_semaphore, #tpu.memory_space<semaphore_mem>>) src(%dma_wait3A_165 : memref<32768x64xf32, #tpu.memory_space<hbm>>) dst(%dma_wait3A_159 : memref<128x64xf32, #tpu.memory_space<vmem>>)
      %dma_wait3A_166 = arith.constant 3 : i32
      %dma_wait3A_167 = arith.constant 384 : i32
      %dma_wait3A_168 = arith.constant 0 : i32
      %dma_wait3A_169 = tpu.memref_slice %arg6[%dma_wait3A_167, %dma_wait3A_168] : memref<1024x64xf32, #tpu.memory_space<vmem>> -> memref<128x64xf32, #tpu.memory_space<vmem>>
      %dma_wait3A_170 = arith.constant 0 : i32
      %dma_wait3A_171 = tpu.memref_slice %arg5[%dma_wait3A_166, %dma_wait3A_170] : memref<8x128xi32, #tpu.memory_space<vmem>> -> memref<1x128xi32, #tpu.memory_space<vmem>>
      %dma_wait3A_172 = tpu.memref_squeeze %dma_wait3A_171 : memref<1x128xi32, #tpu.memory_space<vmem>> -> memref<128xi32, #tpu.memory_space<vmem>>
      %dma_wait3A_173 = arith.constant 0 : i32
      %dma_wait3A_174 = arith.constant 0 : i32
      %dma_wait3A_175 = tpu.memref_slice %arg2[%dma_wait3A_173, %dma_wait3A_174] : memref<32768x64xf32, #tpu.memory_space<hbm>> -> memref<32768x64xf32, #tpu.memory_space<hbm>>
      tpu.wait_indirect_dma semaphore(%arg7 : memref<!tpu.dma_semaphore, #tpu.memory_space<semaphore_mem>>) src(%dma_wait3A_175 : memref<32768x64xf32, #tpu.memory_space<hbm>>) dst(%dma_wait3A_169 : memref<128x64xf32, #tpu.memory_space<vmem>>)
      %add3A_176 = arith.constant 0 : i32
      %add3A_177 = arith.addi %multiple_of3A, %add3A_176 : i32
      %multiple_of3A_178 = tpu.assume_multiple %add3A_177, 512 : i32
      %dma_start3A_179 = arith.constant 0 : i32
      %dma_start3A_180 = arith.constant 0 : i32
      %dma_start3A_181 = tpu.memref_slice %arg6[%dma_start3A_179, %dma_start3A_180] : memref<1024x64xf32, #tpu.memory_space<vmem>> -> memref<512x64xf32, #tpu.memory_space<vmem>>
      %dma_start3A_182 = arith.constant 0 : i32
      %dma_start3A_183 = tpu.memref_slice %arg4[%multiple_of3A_178, %dma_start3A_182] : memref<819200x64xf32, #tpu.memory_space<hbm>> -> memref<512x64xf32, #tpu.memory_space<hbm>>
      %dma_start3A_184 = arith.constant 0 : i32
      %dma_start3A_185 = tpu.memref_slice %arg4[%multiple_of3A_178, %dma_start3A_184] : memref<819200x64xf32, #tpu.memory_space<hbm>> -> memref<512x64xf32, #tpu.memory_space<hbm>>
      %dma_start3A_186 = arith.constant 0 : i32
      %dma_start3A_187 = arith.constant 0 : i32
      %dma_start3A_188 = tpu.memref_slice %arg6[%dma_start3A_186, %dma_start3A_187] : memref<1024x64xf32, #tpu.memory_space<vmem>> -> memref<512x64xf32, #tpu.memory_space<vmem>>
      tpu.enqueue_dma source(%dma_start3A_188 : memref<512x64xf32, #tpu.memory_space<vmem>>) target(%dma_start3A_185 : memref<512x64xf32, #tpu.memory_space<hbm>>) target_semaphore(%arg9 : memref<!tpu.dma_semaphore, #tpu.memory_space<semaphore_mem>>)
      %dma_wait3A_189 = arith.constant 4 : i32
      %dma_wait3A_190 = arith.constant 512 : i32
      %dma_wait3A_191 = arith.constant 0 : i32
      %dma_wait3A_192 = tpu.memref_slice %arg6[%dma_wait3A_190, %dma_wait3A_191] : memref<1024x64xf32, #tpu.memory_space<vmem>> -> memref<128x64xf32, #tpu.memory_space<vmem>>
      %dma_wait3A_193 = arith.constant 0 : i32
      %dma_wait3A_194 = tpu.memref_slice %arg5[%dma_wait3A_189, %dma_wait3A_193] : memref<8x128xi32, #tpu.memory_space<vmem>> -> memref<1x128xi32, #tpu.memory_space<vmem>>
      %dma_wait3A_195 = tpu.memref_squeeze %dma_wait3A_194 : memref<1x128xi32, #tpu.memory_space<vmem>> -> memref<128xi32, #tpu.memory_space<vmem>>
      %dma_wait3A_196 = arith.constant 0 : i32
      %dma_wait3A_197 = arith.constant 0 : i32
      %dma_wait3A_198 = tpu.memref_slice %arg2[%dma_wait3A_196, %dma_wait3A_197] : memref<32768x64xf32, #tpu.memory_space<hbm>> -> memref<32768x64xf32, #tpu.memory_space<hbm>>
      tpu.wait_indirect_dma semaphore(%arg8 : memref<!tpu.dma_semaphore, #tpu.memory_space<semaphore_mem>>) src(%dma_wait3A_198 : memref<32768x64xf32, #tpu.memory_space<hbm>>) dst(%dma_wait3A_192 : memref<128x64xf32, #tpu.memory_space<vmem>>)
      %dma_wait3A_199 = arith.constant 5 : i32
      %dma_wait3A_200 = arith.constant 640 : i32
      %dma_wait3A_201 = arith.constant 0 : i32
      %dma_wait3A_202 = tpu.memref_slice %arg6[%dma_wait3A_200, %dma_wait3A_201] : memref<1024x64xf32, #tpu.memory_space<vmem>> -> memref<128x64xf32, #tpu.memory_space<vmem>>
      %dma_wait3A_203 = arith.constant 0 : i32
      %dma_wait3A_204 = tpu.memref_slice %arg5[%dma_wait3A_199, %dma_wait3A_203] : memref<8x128xi32, #tpu.memory_space<vmem>> -> memref<1x128xi32, #tpu.memory_space<vmem>>
      %dma_wait3A_205 = tpu.memref_squeeze %dma_wait3A_204 : memref<1x128xi32, #tpu.memory_space<vmem>> -> memref<128xi32, #tpu.memory_space<vmem>>
      %dma_wait3A_206 = arith.constant 0 : i32
      %dma_wait3A_207 = arith.constant 0 : i32
      %dma_wait3A_208 = tpu.memref_slice %arg2[%dma_wait3A_206, %dma_wait3A_207] : memref<32768x64xf32, #tpu.memory_space<hbm>> -> memref<32768x64xf32, #tpu.memory_space<hbm>>
      tpu.wait_indirect_dma semaphore(%arg8 : memref<!tpu.dma_semaphore, #tpu.memory_space<semaphore_mem>>) src(%dma_wait3A_208 : memref<32768x64xf32, #tpu.memory_space<hbm>>) dst(%dma_wait3A_202 : memref<128x64xf32, #tpu.memory_space<vmem>>)
      %dma_wait3A_209 = arith.constant 6 : i32
      %dma_wait3A_210 = arith.constant 768 : i32
      %dma_wait3A_211 = arith.constant 0 : i32
      %dma_wait3A_212 = tpu.memref_slice %arg6[%dma_wait3A_210, %dma_wait3A_211] : memref<1024x64xf32, #tpu.memory_space<vmem>> -> memref<128x64xf32, #tpu.memory_space<vmem>>
      %dma_wait3A_213 = arith.constant 0 : i32
      %dma_wait3A_214 = tpu.memref_slice %arg5[%dma_wait3A_209, %dma_wait3A_213] : memref<8x128xi32, #tpu.memory_space<vmem>> -> memref<1x128xi32, #tpu.memory_space<vmem>>
      %dma_wait3A_215 = tpu.memref_squeeze %dma_wait3A_214 : memref<1x128xi32, #tpu.memory_space<vmem>> -> memref<128xi32, #tpu.memory_space<vmem>>
      %dma_wait3A_216 = arith.constant 0 : i32
      %dma_wait3A_217 = arith.constant 0 : i32
      %dma_wait3A_218 = tpu.memref_slice %arg2[%dma_wait3A_216, %dma_wait3A_217] : memref<32768x64xf32, #tpu.memory_space<hbm>> -> memref<32768x64xf32, #tpu.memory_space<hbm>>
      tpu.wait_indirect_dma semaphore(%arg8 : memref<!tpu.dma_semaphore, #tpu.memory_space<semaphore_mem>>) src(%dma_wait3A_218 : memref<32768x64xf32, #tpu.memory_space<hbm>>) dst(%dma_wait3A_212 : memref<128x64xf32, #tpu.memory_space<vmem>>)
      %dma_wait3A_219 = arith.constant 7 : i32
      %dma_wait3A_220 = arith.constant 896 : i32
      %dma_wait3A_221 = arith.constant 0 : i32
      %dma_wait3A_222 = tpu.memref_slice %arg6[%dma_wait3A_220, %dma_wait3A_221] : memref<1024x64xf32, #tpu.memory_space<vmem>> -> memref<128x64xf32, #tpu.memory_space<vmem>>
      %dma_wait3A_223 = arith.constant 0 : i32
      %dma_wait3A_224 = tpu.memref_slice %arg5[%dma_wait3A_219, %dma_wait3A_223] : memref<8x128xi32, #tpu.memory_space<vmem>> -> memref<1x128xi32, #tpu.memory_space<vmem>>
      %dma_wait3A_225 = tpu.memref_squeeze %dma_wait3A_224 : memref<1x128xi32, #tpu.memory_space<vmem>> -> memref<128xi32, #tpu.memory_space<vmem>>
      %dma_wait3A_226 = arith.constant 0 : i32
      %dma_wait3A_227 = arith.constant 0 : i32
      %dma_wait3A_228 = tpu.memref_slice %arg2[%dma_wait3A_226, %dma_wait3A_227] : memref<32768x64xf32, #tpu.memory_space<hbm>> -> memref<32768x64xf32, #tpu.memory_space<hbm>>
      tpu.wait_indirect_dma semaphore(%arg8 : memref<!tpu.dma_semaphore, #tpu.memory_space<semaphore_mem>>) src(%dma_wait3A_228 : memref<32768x64xf32, #tpu.memory_space<hbm>>) dst(%dma_wait3A_222 : memref<128x64xf32, #tpu.memory_space<vmem>>)
      %add3A_229 = arith.constant 512 : i32
      %add3A_230 = arith.addi %multiple_of3A, %add3A_229 : i32
      %multiple_of3A_231 = tpu.assume_multiple %add3A_230, 512 : i32
      %dma_start3A_232 = arith.constant 512 : i32
      %dma_start3A_233 = arith.constant 0 : i32
      %dma_start3A_234 = tpu.memref_slice %arg6[%dma_start3A_232, %dma_start3A_233] : memref<1024x64xf32, #tpu.memory_space<vmem>> -> memref<512x64xf32, #tpu.memory_space<vmem>>
      %dma_start3A_235 = arith.constant 0 : i32
      %dma_start3A_236 = tpu.memref_slice %arg4[%multiple_of3A_231, %dma_start3A_235] : memref<819200x64xf32, #tpu.memory_space<hbm>> -> memref<512x64xf32, #tpu.memory_space<hbm>>
      %dma_start3A_237 = arith.constant 0 : i32
      %dma_start3A_238 = tpu.memref_slice %arg4[%multiple_of3A_231, %dma_start3A_237] : memref<819200x64xf32, #tpu.memory_space<hbm>> -> memref<512x64xf32, #tpu.memory_space<hbm>>
      %dma_start3A_239 = arith.constant 512 : i32
      %dma_start3A_240 = arith.constant 0 : i32
      %dma_start3A_241 = tpu.memref_slice %arg6[%dma_start3A_239, %dma_start3A_240] : memref<1024x64xf32, #tpu.memory_space<vmem>> -> memref<512x64xf32, #tpu.memory_space<vmem>>
      tpu.enqueue_dma source(%dma_start3A_241 : memref<512x64xf32, #tpu.memory_space<vmem>>) target(%dma_start3A_238 : memref<512x64xf32, #tpu.memory_space<hbm>>) target_semaphore(%arg10 : memref<!tpu.dma_semaphore, #tpu.memory_space<semaphore_mem>>)
    }
    %scan3A_7 = arith.constant 25 : i32
    %dma_wait3A = arith.constant 0 : i32
    %dma_wait3A_8 = arith.constant 0 : i32
    %dma_wait3A_9 = tpu.memref_slice %arg6[%dma_wait3A, %dma_wait3A_8] : memref<1024x64xf32, #tpu.memory_space<vmem>> -> memref<512x64xf32, #tpu.memory_space<vmem>>
    %dma_wait3A_10 = arith.constant 0 : i32
    %dma_wait3A_11 = tpu.memref_slice %arg4[%mul3A_2, %dma_wait3A_10] : memref<819200x64xf32, #tpu.memory_space<hbm>> -> memref<512x64xf32, #tpu.memory_space<hbm>>
    %dma_wait3A_12 = arith.constant 0 : i32
    %dma_wait3A_13 = tpu.memref_slice %arg4[%mul3A_2, %dma_wait3A_12] : memref<819200x64xf32, #tpu.memory_space<hbm>> -> memref<512x64xf32, #tpu.memory_space<hbm>>
    %dma_wait3A_14 = arith.constant 0 : i32
    %dma_wait3A_15 = arith.constant 0 : i32
    %dma_wait3A_16 = tpu.memref_slice %arg6[%dma_wait3A_14, %dma_wait3A_15] : memref<1024x64xf32, #tpu.memory_space<vmem>> -> memref<512x64xf32, #tpu.memory_space<vmem>>
    tpu.wait_dma2 semaphore(%arg9 : memref<!tpu.dma_semaphore, #tpu.memory_space<semaphore_mem>>) src(%dma_wait3A_16 : memref<512x64xf32, #tpu.memory_space<vmem>>) dst(%dma_wait3A_13 : memref<512x64xf32, #tpu.memory_space<hbm>>)
    %dma_wait3A_17 = arith.constant 512 : i32
    %dma_wait3A_18 = arith.constant 0 : i32
    %dma_wait3A_19 = tpu.memref_slice %arg6[%dma_wait3A_17, %dma_wait3A_18] : memref<1024x64xf32, #tpu.memory_space<vmem>> -> memref<512x64xf32, #tpu.memory_space<vmem>>
    %dma_wait3A_20 = arith.constant 0 : i32
    %dma_wait3A_21 = tpu.memref_slice %arg4[%mul3A_2, %dma_wait3A_20] : memref<819200x64xf32, #tpu.memory_space<hbm>> -> memref<512x64xf32, #tpu.memory_space<hbm>>
    %dma_wait3A_22 = arith.constant 0 : i32
    %dma_wait3A_23 = tpu.memref_slice %arg4[%mul3A_2, %dma_wait3A_22] : memref<819200x64xf32, #tpu.memory_space<hbm>> -> memref<512x64xf32, #tpu.memory_space<hbm>>
    %dma_wait3A_24 = arith.constant 512 : i32
    %dma_wait3A_25 = arith.constant 0 : i32
    %dma_wait3A_26 = tpu.memref_slice %arg6[%dma_wait3A_24, %dma_wait3A_25] : memref<1024x64xf32, #tpu.memory_space<vmem>> -> memref<512x64xf32, #tpu.memory_space<vmem>>
    tpu.wait_dma2 semaphore(%arg10 : memref<!tpu.dma_semaphore, #tpu.memory_space<semaphore_mem>>) src(%dma_wait3A_26 : memref<512x64xf32, #tpu.memory_space<vmem>>) dst(%dma_wait3A_23 : memref<512x64xf32, #tpu.memory_space<hbm>>)
    return
  }
}

module attributes {stable_mosaic.version = 14 : i64} {
  func.func @_build_combined(%arg0: memref<32x64xf32, #tpu.memory_space<vmem>>, %arg1: memref<1024x64xf32, #tpu.memory_space<vmem>>, %arg2: memref<1024x32x64xf32, #tpu.memory_space<vmem>>) attributes {dimension_semantics = [], scalar_prefetch = 0 : i64, scratch_operands = 0 : i64, tpu.core_type = #tpu.core_type<tc>} {
    %get3A = arith.constant 0 : index
    %get3A_0 = arith.constant 0 : index
    %get3A_1 = vector.load %arg1[%get3A, %get3A_0] : memref<1024x64xf32, #tpu.memory_space<vmem>>, vector<1024x64xf32>
    %broadcast_in_dim3A = vector.shape_cast %get3A_1 : vector<1024x64xf32> to vector<1024x1x64xf32>
    %get3A_2 = arith.constant 0 : index
    %get3A_3 = arith.constant 0 : index
    %get3A_4 = vector.load %arg0[%get3A_2, %get3A_3] : memref<32x64xf32, #tpu.memory_space<vmem>>, vector<32x64xf32>
    %broadcast_in_dim3A_5 = vector.shape_cast %get3A_4 : vector<32x64xf32> to vector<1x32x64xf32>
    %add3A = vector.broadcast %broadcast_in_dim3A : vector<1024x1x64xf32> to vector<1024x32x64xf32>
    %add3A_6 = vector.broadcast %broadcast_in_dim3A_5 : vector<1x32x64xf32> to vector<1024x32x64xf32>
    %add3A_7 = arith.addf %add3A, %add3A_6 : vector<1024x32x64xf32>
    %swap3A = arith.constant 0 : index
    %swap3A_8 = arith.constant 0 : index
    %swap3A_9 = arith.constant 0 : index
    %swap3A_10 = vector.load %arg2[%swap3A, %swap3A_8, %swap3A_9] : memref<1024x32x64xf32, #tpu.memory_space<vmem>>, vector<1024x32x64xf32>
    tpu.vector_store %arg2[%swap3A, %swap3A_8, %swap3A_9], %add3A_7 {strides = array<i32>} : memref<1024x32x64xf32, #tpu.memory_space<vmem>>, vector<1024x32x64xf32>,
    return
  }
}

module attributes {stable_mosaic.version = 14 : i64} {
  func.func @_transpose_block(%arg0: i32, %arg1: memref<12800x128xf32, #tpu.memory_space<vmem>>, %arg2: memref<200x64x128xf32, #tpu.memory_space<vmem>>) attributes {dimension_semantics = [#tpu.dimension_semantics<arbitrary>], iteration_bounds = array<i64: 32>, scalar_prefetch = 0 : i64, scratch_operands = 0 : i64, tpu.core_type = #tpu.core_type<tc>, window_params = [{transform_indices = @transform_0, window_bounds = array<i64: 12800, 128>}, {transform_indices = @transform_1, window_bounds = array<i64: 200, 64, 128>}]} {
    %get3A = arith.constant 0 : index
    %get3A_0 = arith.constant 0 : index
    %get3A_1 = tpu.strided_load %arg1[%get3A, %get3A_0] {strides = array<i32: 100, 1>} : memref<12800x128xf32, #tpu.memory_space<vmem>>, vector<128x128xf32>
    %transpose3A = tpu.transpose %get3A_1, [1, 0] : vector<128x128xf32> -> vector<128x128xf32>
    %slice3A = vector.extract_strided_slice %transpose3A {offsets = [0, 0], sizes = [64, 128], strides = [1, 1]} : vector<128x128xf32> to vector<64x128xf32>
    %swap3A = arith.constant 0 : index
    %swap3A_2 = arith.constant 0 : index
    %swap3A_3 = arith.constant 0 : index
    %swap3A_4 = vector.load %arg2[%swap3A, %swap3A_2, %swap3A_3] : memref<200x64x128xf32, #tpu.memory_space<vmem>>, vector<1x64x128xf32>
    %swap3A_5 = vector.shape_cast %swap3A_4 : vector<1x64x128xf32> to vector<64x128xf32>
    %swap3A_6 = vector.shape_cast %slice3A : vector<64x128xf32> to vector<1x64x128xf32>
    tpu.vector_store %arg2[%swap3A, %swap3A_2, %swap3A_3], %swap3A_6 {strides = array<i32>} : memref<200x64x128xf32, #tpu.memory_space<vmem>>, vector<1x64x128xf32>,
    %slice3A_7 = vector.extract_strided_slice %transpose3A {offsets = [64, 0], sizes = [64, 128], strides = [1, 1]} : vector<128x128xf32> to vector<64x128xf32>
    %swap3A_8 = arith.constant 1 : index
    %swap3A_9 = arith.constant 0 : index
    %swap3A_10 = arith.constant 0 : index
    %swap3A_11 = vector.load %arg2[%swap3A_8, %swap3A_9, %swap3A_10] : memref<200x64x128xf32, #tpu.memory_space<vmem>>, vector<1x64x128xf32>
    %swap3A_12 = vector.shape_cast %swap3A_11 : vector<1x64x128xf32> to vector<64x128xf32>
    %swap3A_13 = vector.shape_cast %slice3A_7 : vector<64x128xf32> to vector<1x64x128xf32>
    tpu.vector_store %arg2[%swap3A_8, %swap3A_9, %swap3A_10], %swap3A_13 {strides = array<i32>} : memref<200x64x128xf32, #tpu.memory_space<vmem>>, vector<1x64x128xf32>,
    %get3A_14 = arith.constant 1 : index
    %get3A_15 = arith.constant 0 : index
    %get3A_16 = tpu.strided_load %arg1[%get3A_14, %get3A_15] {strides = array<i32: 100, 1>} : memref<12800x128xf32, #tpu.memory_space<vmem>>, vector<128x128xf32>
    %transpose3A_17 = tpu.transpose %get3A_16, [1, 0] : vector<128x128xf32> -> vector<128x128xf32>
    %slice3A_18 = vector.extract_strided_slice %transpose3A_17 {offsets = [0, 0], sizes = [64, 128], strides = [1, 1]} : vector<128x128xf32> to vector<64x128xf32>
    %swap3A_19 = arith.constant 2 : index
    %swap3A_20 = arith.constant 0 : index
    %swap3A_21 = arith.constant 0 : index
    %swap3A_22 = vector.load %arg2[%swap3A_19, %swap3A_20, %swap3A_21] : memref<200x64x128xf32, #tpu.memory_space<vmem>>, vector<1x64x128xf32>
    %swap3A_23 = vector.shape_cast %swap3A_22 : vector<1x64x128xf32> to vector<64x128xf32>
    %swap3A_24 = vector.shape_cast %slice3A_18 : vector<64x128xf32> to vector<1x64x128xf32>
    tpu.vector_store %arg2[%swap3A_19, %swap3A_20, %swap3A_21], %swap3A_24 {strides = array<i32>} : memref<200x64x128xf32, #tpu.memory_space<vmem>>, vector<1x64x128xf32>,
    %slice3A_25 = vector.extract_strided_slice %transpose3A_17 {offsets = [64, 0], sizes = [64, 128], strides = [1, 1]} : vector<128x128xf32> to vector<64x128xf32>
    %swap3A_26 = arith.constant 3 : index
    %swap3A_27 = arith.constant 0 : index
    %swap3A_28 = arith.constant 0 : index
    %swap3A_29 = vector.load %arg2[%swap3A_26, %swap3A_27, %swap3A_28] : memref<200x64x128xf32, #tpu.memory_space<vmem>>, vector<1x64x128xf32>
    %swap3A_30 = vector.shape_cast %swap3A_29 : vector<1x64x128xf32> to vector<64x128xf32>
    %swap3A_31 = vector.shape_cast %slice3A_25 : vector<64x128xf32> to vector<1x64x128xf32>
    tpu.vector_store %arg2[%swap3A_26, %swap3A_27, %swap3A_28], %swap3A_31 {strides = array<i32>} : memref<200x64x128xf32, #tpu.memory_space<vmem>>, vector<1x64x128xf32>,
    %get3A_32 = arith.constant 2 : index
    %get3A_33 = arith.constant 0 : index
    %get3A_34 = tpu.strided_load %arg1[%get3A_32, %get3A_33] {strides = array<i32: 100, 1>} : memref<12800x128xf32, #tpu.memory_space<vmem>>, vector<128x128xf32>
    %transpose3A_35 = tpu.transpose %get3A_34, [1, 0] : vector<128x128xf32> -> vector<128x128xf32>
    %slice3A_36 = vector.extract_strided_slice %transpose3A_35 {offsets = [0, 0], sizes = [64, 128], strides = [1, 1]} : vector<128x128xf32> to vector<64x128xf32>
    %swap3A_37 = arith.constant 4 : index
    %swap3A_38 = arith.constant 0 : index
    %swap3A_39 = arith.constant 0 : index
    %swap3A_40 = vector.load %arg2[%swap3A_37, %swap3A_38, %swap3A_39] : memref<200x64x128xf32, #tpu.memory_space<vmem>>, vector<1x64x128xf32>
    %swap3A_41 = vector.shape_cast %swap3A_40 : vector<1x64x128xf32> to vector<64x128xf32>
    %swap3A_42 = vector.shape_cast %slice3A_36 : vector<64x128xf32> to vector<1x64x128xf32>
    tpu.vector_store %arg2[%swap3A_37, %swap3A_38, %swap3A_39], %swap3A_42 {strides = array<i32>} : memref<200x64x128xf32, #tpu.memory_space<vmem>>, vector<1x64x128xf32>,
    %slice3A_43 = vector.extract_strided_slice %transpose3A_35 {offsets = [64, 0], sizes = [64, 128], strides = [1, 1]} : vector<128x128xf32> to vector<64x128xf32>
    %swap3A_44 = arith.constant 5 : index
    %swap3A_45 = arith.constant 0 : index
    %swap3A_46 = arith.constant 0 : index
    %swap3A_47 = vector.load %arg2[%swap3A_44, %swap3A_45, %swap3A_46] : memref<200x64x128xf32, #tpu.memory_space<vmem>>, vector<1x64x128xf32>
    %swap3A_48 = vector.shape_cast %swap3A_47 : vector<1x64x128xf32> to vector<64x128xf32>
    %swap3A_49 = vector.shape_cast %slice3A_43 : vector<64x128xf32> to vector<1x64x128xf32>
    tpu.vector_store %arg2[%swap3A_44, %swap3A_45, %swap3A_46], %swap3A_49 {strides = array<i32>} : memref<200x64x128xf32, #tpu.memory_space<vmem>>, vector<1x64x128xf32>,
    %get3A_50 = arith.constant 3 : index
    %get3A_51 = arith.constant 0 : index
    %get3A_52 = tpu.strided_load %arg1[%get3A_50, %get3A_51] {strides = array<i32: 100, 1>} : memref<12800x128xf32, #tpu.memory_space<vmem>>, vector<128x128xf32>
    %transpose3A_53 = tpu.transpose %get3A_52, [1, 0] : vector<128x128xf32> -> vector<128x128xf32>
    %slice3A_54 = vector.extract_strided_slice %transpose3A_53 {offsets = [0, 0], sizes = [64, 128], strides = [1, 1]} : vector<128x128xf32> to vector<64x128xf32>
    %swap3A_55 = arith.constant 6 : index
    %swap3A_56 = arith.constant 0 : index
    %swap3A_57 = arith.constant 0 : index
    %swap3A_58 = vector.load %arg2[%swap3A_55, %swap3A_56, %swap3A_57] : memref<200x64x128xf32, #tpu.memory_space<vmem>>, vector<1x64x128xf32>
    %swap3A_59 = vector.shape_cast %swap3A_58 : vector<1x64x128xf32> to vector<64x128xf32>
    %swap3A_60 = vector.shape_cast %slice3A_54 : vector<64x128xf32> to vector<1x64x128xf32>
    tpu.vector_store %arg2[%swap3A_55, %swap3A_56, %swap3A_57], %swap3A_60 {strides = array<i32>} : memref<200x64x128xf32, #tpu.memory_space<vmem>>, vector<1x64x128xf32>,
    %slice3A_61 = vector.extract_strided_slice %transpose3A_53 {offsets = [64, 0], sizes = [64, 128], strides = [1, 1]} : vector<128x128xf32> to vector<64x128xf32>
    %swap3A_62 = arith.constant 7 : index
    %swap3A_63 = arith.constant 0 : index
    %swap3A_64 = arith.constant 0 : index
    %swap3A_65 = vector.load %arg2[%swap3A_62, %swap3A_63, %swap3A_64] : memref<200x64x128xf32, #tpu.memory_space<vmem>>, vector<1x64x128xf32>
    %swap3A_66 = vector.shape_cast %swap3A_65 : vector<1x64x128xf32> to vector<64x128xf32>
    %swap3A_67 = vector.shape_cast %slice3A_61 : vector<64x128xf32> to vector<1x64x128xf32>
    tpu.vector_store %arg2[%swap3A_62, %swap3A_63, %swap3A_64], %swap3A_67 {strides = array<i32>} : memref<200x64x128xf32, #tpu.memory_space<vmem>>, vector<1x64x128xf32>,
    %get3A_68 = arith.constant 4 : index
    %get3A_69 = arith.constant 0 : index
    %get3A_70 = tpu.strided_load %arg1[%get3A_68, %get3A_69] {strides = array<i32: 100, 1>} : memref<12800x128xf32, #tpu.memory_space<vmem>>, vector<128x128xf32>
    %transpose3A_71 = tpu.transpose %get3A_70, [1, 0] : vector<128x128xf32> -> vector<128x128xf32>
    %slice3A_72 = vector.extract_strided_slice %transpose3A_71 {offsets = [0, 0], sizes = [64, 128], strides = [1, 1]} : vector<128x128xf32> to vector<64x128xf32>
    %swap3A_73 = arith.constant 8 : index
    %swap3A_74 = arith.constant 0 : index
    %swap3A_75 = arith.constant 0 : index
    %swap3A_76 = vector.load %arg2[%swap3A_73, %swap3A_74, %swap3A_75] : memref<200x64x128xf32, #tpu.memory_space<vmem>>, vector<1x64x128xf32>
    %swap3A_77 = vector.shape_cast %swap3A_76 : vector<1x64x128xf32> to vector<64x128xf32>
    %swap3A_78 = vector.shape_cast %slice3A_72 : vector<64x128xf32> to vector<1x64x128xf32>
    tpu.vector_store %arg2[%swap3A_73, %swap3A_74, %swap3A_75], %swap3A_78 {strides = array<i32>} : memref<200x64x128xf32, #tpu.memory_space<vmem>>, vector<1x64x128xf32>,
    %slice3A_79 = vector.extract_strided_slice %transpose3A_71 {offsets = [64, 0], sizes = [64, 128], strides = [1, 1]} : vector<128x128xf32> to vector<64x128xf32>
    %swap3A_80 = arith.constant 9 : index
    %swap3A_81 = arith.constant 0 : index
    %swap3A_82 = arith.constant 0 : index
    %swap3A_83 = vector.load %arg2[%swap3A_80, %swap3A_81, %swap3A_82] : memref<200x64x128xf32, #tpu.memory_space<vmem>>, vector<1x64x128xf32>
    %swap3A_84 = vector.shape_cast %swap3A_83 : vector<1x64x128xf32> to vector<64x128xf32>
    %swap3A_85 = vector.shape_cast %slice3A_79 : vector<64x128xf32> to vector<1x64x128xf32>
    tpu.vector_store %arg2[%swap3A_80, %swap3A_81, %swap3A_82], %swap3A_85 {strides = array<i32>} : memref<200x64x128xf32, #tpu.memory_space<vmem>>, vector<1x64x128xf32>,
    %get3A_86 = arith.constant 5 : index
    %get3A_87 = arith.constant 0 : index
    %get3A_88 = tpu.strided_load %arg1[%get3A_86, %get3A_87] {strides = array<i32: 100, 1>} : memref<12800x128xf32, #tpu.memory_space<vmem>>, vector<128x128xf32>
    %transpose3A_89 = tpu.transpose %get3A_88, [1, 0] : vector<128x128xf32> -> vector<128x128xf32>
    %slice3A_90 = vector.extract_strided_slice %transpose3A_89 {offsets = [0, 0], sizes = [64, 128], strides = [1, 1]} : vector<128x128xf32> to vector<64x128xf32>
    %swap3A_91 = arith.constant 10 : index
    %swap3A_92 = arith.constant 0 : index
    %swap3A_93 = arith.constant 0 : index
    %swap3A_94 = vector.load %arg2[%swap3A_91, %swap3A_92, %swap3A_93] : memref<200x64x128xf32, #tpu.memory_space<vmem>>, vector<1x64x128xf32>
    %swap3A_95 = vector.shape_cast %swap3A_94 : vector<1x64x128xf32> to vector<64x128xf32>
    %swap3A_96 = vector.shape_cast %slice3A_90 : vector<64x128xf32> to vector<1x64x128xf32>
    tpu.vector_store %arg2[%swap3A_91, %swap3A_92, %swap3A_93], %swap3A_96 {strides = array<i32>} : memref<200x64x128xf32, #tpu.memory_space<vmem>>, vector<1x64x128xf32>,
    %slice3A_97 = vector.extract_strided_slice %transpose3A_89 {offsets = [64, 0], sizes = [64, 128], strides = [1, 1]} : vector<128x128xf32> to vector<64x128xf32>
    %swap3A_98 = arith.constant 11 : index
    %swap3A_99 = arith.constant 0 : index
    %swap3A_100 = arith.constant 0 : index
    %swap3A_101 = vector.load %arg2[%swap3A_98, %swap3A_99, %swap3A_100] : memref<200x64x128xf32, #tpu.memory_space<vmem>>, vector<1x64x128xf32>
    %swap3A_102 = vector.shape_cast %swap3A_101 : vector<1x64x128xf32> to vector<64x128xf32>
    %swap3A_103 = vector.shape_cast %slice3A_97 : vector<64x128xf32> to vector<1x64x128xf32>
    tpu.vector_store %arg2[%swap3A_98, %swap3A_99, %swap3A_100], %swap3A_103 {strides = array<i32>} : memref<200x64x128xf32, #tpu.memory_space<vmem>>, vector<1x64x128xf32>,
    %get3A_104 = arith.constant 6 : index
    %get3A_105 = arith.constant 0 : index
    %get3A_106 = tpu.strided_load %arg1[%get3A_104, %get3A_105] {strides = array<i32: 100, 1>} : memref<12800x128xf32, #tpu.memory_space<vmem>>, vector<128x128xf32>
    %transpose3A_107 = tpu.transpose %get3A_106, [1, 0] : vector<128x128xf32> -> vector<128x128xf32>
    %slice3A_108 = vector.extract_strided_slice %transpose3A_107 {offsets = [0, 0], sizes = [64, 128], strides = [1, 1]} : vector<128x128xf32> to vector<64x128xf32>
    %swap3A_109 = arith.constant 12 : index
    %swap3A_110 = arith.constant 0 : index
    %swap3A_111 = arith.constant 0 : index
    %swap3A_112 = vector.load %arg2[%swap3A_109, %swap3A_110, %swap3A_111] : memref<200x64x128xf32, #tpu.memory_space<vmem>>, vector<1x64x128xf32>
    %swap3A_113 = vector.shape_cast %swap3A_112 : vector<1x64x128xf32> to vector<64x128xf32>
    %swap3A_114 = vector.shape_cast %slice3A_108 : vector<64x128xf32> to vector<1x64x128xf32>
    tpu.vector_store %arg2[%swap3A_109, %swap3A_110, %swap3A_111], %swap3A_114 {strides = array<i32>} : memref<200x64x128xf32, #tpu.memory_space<vmem>>, vector<1x64x128xf32>,
    %slice3A_115 = vector.extract_strided_slice %transpose3A_107 {offsets = [64, 0], sizes = [64, 128], strides = [1, 1]} : vector<128x128xf32> to vector<64x128xf32>
    %swap3A_116 = arith.constant 13 : index
    %swap3A_117 = arith.constant 0 : index
    %swap3A_118 = arith.constant 0 : index
    %swap3A_119 = vector.load %arg2[%swap3A_116, %swap3A_117, %swap3A_118] : memref<200x64x128xf32, #tpu.memory_space<vmem>>, vector<1x64x128xf32>
    %swap3A_120 = vector.shape_cast %swap3A_119 : vector<1x64x128xf32> to vector<64x128xf32>
    %swap3A_121 = vector.shape_cast %slice3A_115 : vector<64x128xf32> to vector<1x64x128xf32>
    tpu.vector_store %arg2[%swap3A_116, %swap3A_117, %swap3A_118], %swap3A_121 {strides = array<i32>} : memref<200x64x128xf32, #tpu.memory_space<vmem>>, vector<1x64x128xf32>,
    %get3A_122 = arith.constant 7 : index
    %get3A_123 = arith.constant 0 : index
    %get3A_124 = tpu.strided_load %arg1[%get3A_122, %get3A_123] {strides = array<i32: 100, 1>} : memref<12800x128xf32, #tpu.memory_space<vmem>>, vector<128x128xf32>
    %transpose3A_125 = tpu.transpose %get3A_124, [1, 0] : vector<128x128xf32> -> vector<128x128xf32>
    %slice3A_126 = vector.extract_strided_slice %transpose3A_125 {offsets = [0, 0], sizes = [64, 128], strides = [1, 1]} : vector<128x128xf32> to vector<64x128xf32>
    %swap3A_127 = arith.constant 14 : index
    %swap3A_128 = arith.constant 0 : index
    %swap3A_129 = arith.constant 0 : index
    %swap3A_130 = vector.load %arg2[%swap3A_127, %swap3A_128, %swap3A_129] : memref<200x64x128xf32, #tpu.memory_space<vmem>>, vector<1x64x128xf32>
    %swap3A_131 = vector.shape_cast %swap3A_130 : vector<1x64x128xf32> to vector<64x128xf32>
    %swap3A_132 = vector.shape_cast %slice3A_126 : vector<64x128xf32> to vector<1x64x128xf32>
    tpu.vector_store %arg2[%swap3A_127, %swap3A_128, %swap3A_129], %swap3A_132 {strides = array<i32>} : memref<200x64x128xf32, #tpu.memory_space<vmem>>, vector<1x64x128xf32>,
    %slice3A_133 = vector.extract_strided_slice %transpose3A_125 {offsets = [64, 0], sizes = [64, 128], strides = [1, 1]} : vector<128x128xf32> to vector<64x128xf32>
    %swap3A_134 = arith.constant 15 : index
    %swap3A_135 = arith.constant 0 : index
    %swap3A_136 = arith.constant 0 : index
    %swap3A_137 = vector.load %arg2[%swap3A_134, %swap3A_135, %swap3A_136] : memref<200x64x128xf32, #tpu.memory_space<vmem>>, vector<1x64x128xf32>
    %swap3A_138 = vector.shape_cast %swap3A_137 : vector<1x64x128xf32> to vector<64x128xf32>
    %swap3A_139 = vector.shape_cast %slice3A_133 : vector<64x128xf32> to vector<1x64x128xf32>
    tpu.vector_store %arg2[%swap3A_134, %swap3A_135, %swap3A_136], %swap3A_139 {strides = array<i32>} : memref<200x64x128xf32, #tpu.memory_space<vmem>>, vector<1x64x128xf32>,
    %get3A_140 = arith.constant 8 : index
    %get3A_141 = arith.constant 0 : index
    %get3A_142 = tpu.strided_load %arg1[%get3A_140, %get3A_141] {strides = array<i32: 100, 1>} : memref<12800x128xf32, #tpu.memory_space<vmem>>, vector<128x128xf32>
    %transpose3A_143 = tpu.transpose %get3A_142, [1, 0] : vector<128x128xf32> -> vector<128x128xf32>
    %slice3A_144 = vector.extract_strided_slice %transpose3A_143 {offsets = [0, 0], sizes = [64, 128], strides = [1, 1]} : vector<128x128xf32> to vector<64x128xf32>
    %swap3A_145 = arith.constant 16 : index
    %swap3A_146 = arith.constant 0 : index
    %swap3A_147 = arith.constant 0 : index
    %swap3A_148 = vector.load %arg2[%swap3A_145, %swap3A_146, %swap3A_147] : memref<200x64x128xf32, #tpu.memory_space<vmem>>, vector<1x64x128xf32>
    %swap3A_149 = vector.shape_cast %swap3A_148 : vector<1x64x128xf32> to vector<64x128xf32>
    %swap3A_150 = vector.shape_cast %slice3A_144 : vector<64x128xf32> to vector<1x64x128xf32>
    tpu.vector_store %arg2[%swap3A_145, %swap3A_146, %swap3A_147], %swap3A_150 {strides = array<i32>} : memref<200x64x128xf32, #tpu.memory_space<vmem>>, vector<1x64x128xf32>,
    %slice3A_151 = vector.extract_strided_slice %transpose3A_143 {offsets = [64, 0], sizes = [64, 128], strides = [1, 1]} : vector<128x128xf32> to vector<64x128xf32>
    %swap3A_152 = arith.constant 17 : index
    %swap3A_153 = arith.constant 0 : index
    %swap3A_154 = arith.constant 0 : index
    %swap3A_155 = vector.load %arg2[%swap3A_152, %swap3A_153, %swap3A_154] : memref<200x64x128xf32, #tpu.memory_space<vmem>>, vector<1x64x128xf32>
    %swap3A_156 = vector.shape_cast %swap3A_155 : vector<1x64x128xf32> to vector<64x128xf32>
    %swap3A_157 = vector.shape_cast %slice3A_151 : vector<64x128xf32> to vector<1x64x128xf32>
    tpu.vector_store %arg2[%swap3A_152, %swap3A_153, %swap3A_154], %swap3A_157 {strides = array<i32>} : memref<200x64x128xf32, #tpu.memory_space<vmem>>, vector<1x64x128xf32>,
    %get3A_158 = arith.constant 9 : index
    %get3A_159 = arith.constant 0 : index
    %get3A_160 = tpu.strided_load %arg1[%get3A_158, %get3A_159] {strides = array<i32: 100, 1>} : memref<12800x128xf32, #tpu.memory_space<vmem>>, vector<128x128xf32>
    %transpose3A_161 = tpu.transpose %get3A_160, [1, 0] : vector<128x128xf32> -> vector<128x128xf32>
    %slice3A_162 = vector.extract_strided_slice %transpose3A_161 {offsets = [0, 0], sizes = [64, 128], strides = [1, 1]} : vector<128x128xf32> to vector<64x128xf32>
    %swap3A_163 = arith.constant 18 : index
    %swap3A_164 = arith.constant 0 : index
    %swap3A_165 = arith.constant 0 : index
    %swap3A_166 = vector.load %arg2[%swap3A_163, %swap3A_164, %swap3A_165] : memref<200x64x128xf32, #tpu.memory_space<vmem>>, vector<1x64x128xf32>
    %swap3A_167 = vector.shape_cast %swap3A_166 : vector<1x64x128xf32> to vector<64x128xf32>
    %swap3A_168 = vector.shape_cast %slice3A_162 : vector<64x128xf32> to vector<1x64x128xf32>
    tpu.vector_store %arg2[%swap3A_163, %swap3A_164, %swap3A_165], %swap3A_168 {strides = array<i32>} : memref<200x64x128xf32, #tpu.memory_space<vmem>>, vector<1x64x128xf32>,
    %slice3A_169 = vector.extract_strided_slice %transpose3A_161 {offsets = [64, 0], sizes = [64, 128], strides = [1, 1]} : vector<128x128xf32> to vector<64x128xf32>
    %swap3A_170 = arith.constant 19 : index
    %swap3A_171 = arith.constant 0 : index
    %swap3A_172 = arith.constant 0 : index
    %swap3A_173 = vector.load %arg2[%swap3A_170, %swap3A_171, %swap3A_172] : memref<200x64x128xf32, #tpu.memory_space<vmem>>, vector<1x64x128xf32>
    %swap3A_174 = vector.shape_cast %swap3A_173 : vector<1x64x128xf32> to vector<64x128xf32>
    %swap3A_175 = vector.shape_cast %slice3A_169 : vector<64x128xf32> to vector<1x64x128xf32>
    tpu.vector_store %arg2[%swap3A_170, %swap3A_171, %swap3A_172], %swap3A_175 {strides = array<i32>} : memref<200x64x128xf32, #tpu.memory_space<vmem>>, vector<1x64x128xf32>,
    %get3A_176 = arith.constant 10 : index
    %get3A_177 = arith.constant 0 : index
    %get3A_178 = tpu.strided_load %arg1[%get3A_176, %get3A_177] {strides = array<i32: 100, 1>} : memref<12800x128xf32, #tpu.memory_space<vmem>>, vector<128x128xf32>
    %transpose3A_179 = tpu.transpose %get3A_178, [1, 0] : vector<128x128xf32> -> vector<128x128xf32>
    %slice3A_180 = vector.extract_strided_slice %transpose3A_179 {offsets = [0, 0], sizes = [64, 128], strides = [1, 1]} : vector<128x128xf32> to vector<64x128xf32>
    %swap3A_181 = arith.constant 20 : index
    %swap3A_182 = arith.constant 0 : index
    %swap3A_183 = arith.constant 0 : index
    %swap3A_184 = vector.load %arg2[%swap3A_181, %swap3A_182, %swap3A_183] : memref<200x64x128xf32, #tpu.memory_space<vmem>>, vector<1x64x128xf32>
    %swap3A_185 = vector.shape_cast %swap3A_184 : vector<1x64x128xf32> to vector<64x128xf32>
    %swap3A_186 = vector.shape_cast %slice3A_180 : vector<64x128xf32> to vector<1x64x128xf32>
    tpu.vector_store %arg2[%swap3A_181, %swap3A_182, %swap3A_183], %swap3A_186 {strides = array<i32>} : memref<200x64x128xf32, #tpu.memory_space<vmem>>, vector<1x64x128xf32>,
    %slice3A_187 = vector.extract_strided_slice %transpose3A_179 {offsets = [64, 0], sizes = [64, 128], strides = [1, 1]} : vector<128x128xf32> to vector<64x128xf32>
    %swap3A_188 = arith.constant 21 : index
    %swap3A_189 = arith.constant 0 : index
    %swap3A_190 = arith.constant 0 : index
    %swap3A_191 = vector.load %arg2[%swap3A_188, %swap3A_189, %swap3A_190] : memref<200x64x128xf32, #tpu.memory_space<vmem>>, vector<1x64x128xf32>
    %swap3A_192 = vector.shape_cast %swap3A_191 : vector<1x64x128xf32> to vector<64x128xf32>
    %swap3A_193 = vector.shape_cast %slice3A_187 : vector<64x128xf32> to vector<1x64x128xf32>
    tpu.vector_store %arg2[%swap3A_188, %swap3A_189, %swap3A_190], %swap3A_193 {strides = array<i32>} : memref<200x64x128xf32, #tpu.memory_space<vmem>>, vector<1x64x128xf32>,
    %get3A_194 = arith.constant 11 : index
    %get3A_195 = arith.constant 0 : index
    %get3A_196 = tpu.strided_load %arg1[%get3A_194, %get3A_195] {strides = array<i32: 100, 1>} : memref<12800x128xf32, #tpu.memory_space<vmem>>, vector<128x128xf32>
    %transpose3A_197 = tpu.transpose %get3A_196, [1, 0] : vector<128x128xf32> -> vector<128x128xf32>
    %slice3A_198 = vector.extract_strided_slice %transpose3A_197 {offsets = [0, 0], sizes = [64, 128], strides = [1, 1]} : vector<128x128xf32> to vector<64x128xf32>
    %swap3A_199 = arith.constant 22 : index
    %swap3A_200 = arith.constant 0 : index
    %swap3A_201 = arith.constant 0 : index
    %swap3A_202 = vector.load %arg2[%swap3A_199, %swap3A_200, %swap3A_201] : memref<200x64x128xf32, #tpu.memory_space<vmem>>, vector<1x64x128xf32>
    %swap3A_203 = vector.shape_cast %swap3A_202 : vector<1x64x128xf32> to vector<64x128xf32>
    %swap3A_204 = vector.shape_cast %slice3A_198 : vector<64x128xf32> to vector<1x64x128xf32>
    tpu.vector_store %arg2[%swap3A_199, %swap3A_200, %swap3A_201], %swap3A_204 {strides = array<i32>} : memref<200x64x128xf32, #tpu.memory_space<vmem>>, vector<1x64x128xf32>,
    %slice3A_205 = vector.extract_strided_slice %transpose3A_197 {offsets = [64, 0], sizes = [64, 128], strides = [1, 1]} : vector<128x128xf32> to vector<64x128xf32>
    %swap3A_206 = arith.constant 23 : index
    %swap3A_207 = arith.constant 0 : index
    %swap3A_208 = arith.constant 0 : index
    %swap3A_209 = vector.load %arg2[%swap3A_206, %swap3A_207, %swap3A_208] : memref<200x64x128xf32, #tpu.memory_space<vmem>>, vector<1x64x128xf32>
    %swap3A_210 = vector.shape_cast %swap3A_209 : vector<1x64x128xf32> to vector<64x128xf32>
    %swap3A_211 = vector.shape_cast %slice3A_205 : vector<64x128xf32> to vector<1x64x128xf32>
    tpu.vector_store %arg2[%swap3A_206, %swap3A_207, %swap3A_208], %swap3A_211 {strides = array<i32>} : memref<200x64x128xf32, #tpu.memory_space<vmem>>, vector<1x64x128xf32>,
    %get3A_212 = arith.constant 12 : index
    %get3A_213 = arith.constant 0 : index
    %get3A_214 = tpu.strided_load %arg1[%get3A_212, %get3A_213] {strides = array<i32: 100, 1>} : memref<12800x128xf32, #tpu.memory_space<vmem>>, vector<128x128xf32>
    %transpose3A_215 = tpu.transpose %get3A_214, [1, 0] : vector<128x128xf32> -> vector<128x128xf32>
    %slice3A_216 = vector.extract_strided_slice %transpose3A_215 {offsets = [0, 0], sizes = [64, 128], strides = [1, 1]} : vector<128x128xf32> to vector<64x128xf32>
    %swap3A_217 = arith.constant 24 : index
    %swap3A_218 = arith.constant 0 : index
    %swap3A_219 = arith.constant 0 : index
    %swap3A_220 = vector.load %arg2[%swap3A_217, %swap3A_218, %swap3A_219] : memref<200x64x128xf32, #tpu.memory_space<vmem>>, vector<1x64x128xf32>
    %swap3A_221 = vector.shape_cast %swap3A_220 : vector<1x64x128xf32> to vector<64x128xf32>
    %swap3A_222 = vector.shape_cast %slice3A_216 : vector<64x128xf32> to vector<1x64x128xf32>
    tpu.vector_store %arg2[%swap3A_217, %swap3A_218, %swap3A_219], %swap3A_222 {strides = array<i32>} : memref<200x64x128xf32, #tpu.memory_space<vmem>>, vector<1x64x128xf32>,
    %slice3A_223 = vector.extract_strided_slice %transpose3A_215 {offsets = [64, 0], sizes = [64, 128], strides = [1, 1]} : vector<128x128xf32> to vector<64x128xf32>
    %swap3A_224 = arith.constant 25 : index
    %swap3A_225 = arith.constant 0 : index
    %swap3A_226 = arith.constant 0 : index
    %swap3A_227 = vector.load %arg2[%swap3A_224, %swap3A_225, %swap3A_226] : memref<200x64x128xf32, #tpu.memory_space<vmem>>, vector<1x64x128xf32>
    %swap3A_228 = vector.shape_cast %swap3A_227 : vector<1x64x128xf32> to vector<64x128xf32>
    %swap3A_229 = vector.shape_cast %slice3A_223 : vector<64x128xf32> to vector<1x64x128xf32>
    tpu.vector_store %arg2[%swap3A_224, %swap3A_225, %swap3A_226], %swap3A_229 {strides = array<i32>} : memref<200x64x128xf32, #tpu.memory_space<vmem>>, vector<1x64x128xf32>,
    %get3A_230 = arith.constant 13 : index
    %get3A_231 = arith.constant 0 : index
    %get3A_232 = tpu.strided_load %arg1[%get3A_230, %get3A_231] {strides = array<i32: 100, 1>} : memref<12800x128xf32, #tpu.memory_space<vmem>>, vector<128x128xf32>
    %transpose3A_233 = tpu.transpose %get3A_232, [1, 0] : vector<128x128xf32> -> vector<128x128xf32>
    %slice3A_234 = vector.extract_strided_slice %transpose3A_233 {offsets = [0, 0], sizes = [64, 128], strides = [1, 1]} : vector<128x128xf32> to vector<64x128xf32>
    %swap3A_235 = arith.constant 26 : index
    %swap3A_236 = arith.constant 0 : index
    %swap3A_237 = arith.constant 0 : index
    %swap3A_238 = vector.load %arg2[%swap3A_235, %swap3A_236, %swap3A_237] : memref<200x64x128xf32, #tpu.memory_space<vmem>>, vector<1x64x128xf32>
    %swap3A_239 = vector.shape_cast %swap3A_238 : vector<1x64x128xf32> to vector<64x128xf32>
    %swap3A_240 = vector.shape_cast %slice3A_234 : vector<64x128xf32> to vector<1x64x128xf32>
    tpu.vector_store %arg2[%swap3A_235, %swap3A_236, %swap3A_237], %swap3A_240 {strides = array<i32>} : memref<200x64x128xf32, #tpu.memory_space<vmem>>, vector<1x64x128xf32>,
    %slice3A_241 = vector.extract_strided_slice %transpose3A_233 {offsets = [64, 0], sizes = [64, 128], strides = [1, 1]} : vector<128x128xf32> to vector<64x128xf32>
    %swap3A_242 = arith.constant 27 : index
    %swap3A_243 = arith.constant 0 : index
    %swap3A_244 = arith.constant 0 : index
    %swap3A_245 = vector.load %arg2[%swap3A_242, %swap3A_243, %swap3A_244] : memref<200x64x128xf32, #tpu.memory_space<vmem>>, vector<1x64x128xf32>
    %swap3A_246 = vector.shape_cast %swap3A_245 : vector<1x64x128xf32> to vector<64x128xf32>
    %swap3A_247 = vector.shape_cast %slice3A_241 : vector<64x128xf32> to vector<1x64x128xf32>
    tpu.vector_store %arg2[%swap3A_242, %swap3A_243, %swap3A_244], %swap3A_247 {strides = array<i32>} : memref<200x64x128xf32, #tpu.memory_space<vmem>>, vector<1x64x128xf32>,
    %get3A_248 = arith.constant 14 : index
    %get3A_249 = arith.constant 0 : index
    %get3A_250 = tpu.strided_load %arg1[%get3A_248, %get3A_249] {strides = array<i32: 100, 1>} : memref<12800x128xf32, #tpu.memory_space<vmem>>, vector<128x128xf32>
    %transpose3A_251 = tpu.transpose %get3A_250, [1, 0] : vector<128x128xf32> -> vector<128x128xf32>
    %slice3A_252 = vector.extract_strided_slice %transpose3A_251 {offsets = [0, 0], sizes = [64, 128], strides = [1, 1]} : vector<128x128xf32> to vector<64x128xf32>
    %swap3A_253 = arith.constant 28 : index
    %swap3A_254 = arith.constant 0 : index
    %swap3A_255 = arith.constant 0 : index
    %swap3A_256 = vector.load %arg2[%swap3A_253, %swap3A_254, %swap3A_255] : memref<200x64x128xf32, #tpu.memory_space<vmem>>, vector<1x64x128xf32>
    %swap3A_257 = vector.shape_cast %swap3A_256 : vector<1x64x128xf32> to vector<64x128xf32>
    %swap3A_258 = vector.shape_cast %slice3A_252 : vector<64x128xf32> to vector<1x64x128xf32>
    tpu.vector_store %arg2[%swap3A_253, %swap3A_254, %swap3A_255], %swap3A_258 {strides = array<i32>} : memref<200x64x128xf32, #tpu.memory_space<vmem>>, vector<1x64x128xf32>,
    %slice3A_259 = vector.extract_strided_slice %transpose3A_251 {offsets = [64, 0], sizes = [64, 128], strides = [1, 1]} : vector<128x128xf32> to vector<64x128xf32>
    %swap3A_260 = arith.constant 29 : index
    %swap3A_261 = arith.constant 0 : index
    %swap3A_262 = arith.constant 0 : index
    %swap3A_263 = vector.load %arg2[%swap3A_260, %swap3A_261, %swap3A_262] : memref<200x64x128xf32, #tpu.memory_space<vmem>>, vector<1x64x128xf32>
    %swap3A_264 = vector.shape_cast %swap3A_263 : vector<1x64x128xf32> to vector<64x128xf32>
    %swap3A_265 = vector.shape_cast %slice3A_259 : vector<64x128xf32> to vector<1x64x128xf32>
    tpu.vector_store %arg2[%swap3A_260, %swap3A_261, %swap3A_262], %swap3A_265 {strides = array<i32>} : memref<200x64x128xf32, #tpu.memory_space<vmem>>, vector<1x64x128xf32>,
    %get3A_266 = arith.constant 15 : index
    %get3A_267 = arith.constant 0 : index
    %get3A_268 = tpu.strided_load %arg1[%get3A_266, %get3A_267] {strides = array<i32: 100, 1>} : memref<12800x128xf32, #tpu.memory_space<vmem>>, vector<128x128xf32>
    %transpose3A_269 = tpu.transpose %get3A_268, [1, 0] : vector<128x128xf32> -> vector<128x128xf32>
    %slice3A_270 = vector.extract_strided_slice %transpose3A_269 {offsets = [0, 0], sizes = [64, 128], strides = [1, 1]} : vector<128x128xf32> to vector<64x128xf32>
    %swap3A_271 = arith.constant 30 : index
    %swap3A_272 = arith.constant 0 : index
    %swap3A_273 = arith.constant 0 : index
    %swap3A_274 = vector.load %arg2[%swap3A_271, %swap3A_272, %swap3A_273] : memref<200x64x128xf32, #tpu.memory_space<vmem>>, vector<1x64x128xf32>
    %swap3A_275 = vector.shape_cast %swap3A_274 : vector<1x64x128xf32> to vector<64x128xf32>
    %swap3A_276 = vector.shape_cast %slice3A_270 : vector<64x128xf32> to vector<1x64x128xf32>
    tpu.vector_store %arg2[%swap3A_271, %swap3A_272, %swap3A_273], %swap3A_276 {strides = array<i32>} : memref<200x64x128xf32, #tpu.memory_space<vmem>>, vector<1x64x128xf32>,
    %slice3A_277 = vector.extract_strided_slice %transpose3A_269 {offsets = [64, 0], sizes = [64, 128], strides = [1, 1]} : vector<128x128xf32> to vector<64x128xf32>
    %swap3A_278 = arith.constant 31 : index
    %swap3A_279 = arith.constant 0 : index
    %swap3A_280 = arith.constant 0 : index
    %swap3A_281 = vector.load %arg2[%swap3A_278, %swap3A_279, %swap3A_280] : memref<200x64x128xf32, #tpu.memory_space<vmem>>, vector<1x64x128xf32>
    %swap3A_282 = vector.shape_cast %swap3A_281 : vector<1x64x128xf32> to vector<64x128xf32>
    %swap3A_283 = vector.shape_cast %slice3A_277 : vector<64x128xf32> to vector<1x64x128xf32>
    tpu.vector_store %arg2[%swap3A_278, %swap3A_279, %swap3A_280], %swap3A_283 {strides = array<i32>} : memref<200x64x128xf32, #tpu.memory_space<vmem>>, vector<1x64x128xf32>,
    %get3A_284 = arith.constant 16 : index
    %get3A_285 = arith.constant 0 : index
    %get3A_286 = tpu.strided_load %arg1[%get3A_284, %get3A_285] {strides = array<i32: 100, 1>} : memref<12800x128xf32, #tpu.memory_space<vmem>>, vector<128x128xf32>
    %transpose3A_287 = tpu.transpose %get3A_286, [1, 0] : vector<128x128xf32> -> vector<128x128xf32>
    %slice3A_288 = vector.extract_strided_slice %transpose3A_287 {offsets = [0, 0], sizes = [64, 128], strides = [1, 1]} : vector<128x128xf32> to vector<64x128xf32>
    %swap3A_289 = arith.constant 32 : index
    %swap3A_290 = arith.constant 0 : index
    %swap3A_291 = arith.constant 0 : index
    %swap3A_292 = vector.load %arg2[%swap3A_289, %swap3A_290, %swap3A_291] : memref<200x64x128xf32, #tpu.memory_space<vmem>>, vector<1x64x128xf32>
    %swap3A_293 = vector.shape_cast %swap3A_292 : vector<1x64x128xf32> to vector<64x128xf32>
    %swap3A_294 = vector.shape_cast %slice3A_288 : vector<64x128xf32> to vector<1x64x128xf32>
    tpu.vector_store %arg2[%swap3A_289, %swap3A_290, %swap3A_291], %swap3A_294 {strides = array<i32>} : memref<200x64x128xf32, #tpu.memory_space<vmem>>, vector<1x64x128xf32>,
    %slice3A_295 = vector.extract_strided_slice %transpose3A_287 {offsets = [64, 0], sizes = [64, 128], strides = [1, 1]} : vector<128x128xf32> to vector<64x128xf32>
    %swap3A_296 = arith.constant 33 : index
    %swap3A_297 = arith.constant 0 : index
    %swap3A_298 = arith.constant 0 : index
    %swap3A_299 = vector.load %arg2[%swap3A_296, %swap3A_297, %swap3A_298] : memref<200x64x128xf32, #tpu.memory_space<vmem>>, vector<1x64x128xf32>
    %swap3A_300 = vector.shape_cast %swap3A_299 : vector<1x64x128xf32> to vector<64x128xf32>
    %swap3A_301 = vector.shape_cast %slice3A_295 : vector<64x128xf32> to vector<1x64x128xf32>
    tpu.vector_store %arg2[%swap3A_296, %swap3A_297, %swap3A_298], %swap3A_301 {strides = array<i32>} : memref<200x64x128xf32, #tpu.memory_space<vmem>>, vector<1x64x128xf32>,
    %get3A_302 = arith.constant 17 : index
    %get3A_303 = arith.constant 0 : index
    %get3A_304 = tpu.strided_load %arg1[%get3A_302, %get3A_303] {strides = array<i32: 100, 1>} : memref<12800x128xf32, #tpu.memory_space<vmem>>, vector<128x128xf32>
    %transpose3A_305 = tpu.transpose %get3A_304, [1, 0] : vector<128x128xf32> -> vector<128x128xf32>
    %slice3A_306 = vector.extract_strided_slice %transpose3A_305 {offsets = [0, 0], sizes = [64, 128], strides = [1, 1]} : vector<128x128xf32> to vector<64x128xf32>
    %swap3A_307 = arith.constant 34 : index
    %swap3A_308 = arith.constant 0 : index
    %swap3A_309 = arith.constant 0 : index
    %swap3A_310 = vector.load %arg2[%swap3A_307, %swap3A_308, %swap3A_309] : memref<200x64x128xf32, #tpu.memory_space<vmem>>, vector<1x64x128xf32>
    %swap3A_311 = vector.shape_cast %swap3A_310 : vector<1x64x128xf32> to vector<64x128xf32>
    %swap3A_312 = vector.shape_cast %slice3A_306 : vector<64x128xf32> to vector<1x64x128xf32>
    tpu.vector_store %arg2[%swap3A_307, %swap3A_308, %swap3A_309], %swap3A_312 {strides = array<i32>} : memref<200x64x128xf32, #tpu.memory_space<vmem>>, vector<1x64x128xf32>,
    %slice3A_313 = vector.extract_strided_slice %transpose3A_305 {offsets = [64, 0], sizes = [64, 128], strides = [1, 1]} : vector<128x128xf32> to vector<64x128xf32>
    %swap3A_314 = arith.constant 35 : index
    %swap3A_315 = arith.constant 0 : index
    %swap3A_316 = arith.constant 0 : index
    %swap3A_317 = vector.load %arg2[%swap3A_314, %swap3A_315, %swap3A_316] : memref<200x64x128xf32, #tpu.memory_space<vmem>>, vector<1x64x128xf32>
    %swap3A_318 = vector.shape_cast %swap3A_317 : vector<1x64x128xf32> to vector<64x128xf32>
    %swap3A_319 = vector.shape_cast %slice3A_313 : vector<64x128xf32> to vector<1x64x128xf32>
    tpu.vector_store %arg2[%swap3A_314, %swap3A_315, %swap3A_316], %swap3A_319 {strides = array<i32>} : memref<200x64x128xf32, #tpu.memory_space<vmem>>, vector<1x64x128xf32>,
    %get3A_320 = arith.constant 18 : index
    %get3A_321 = arith.constant 0 : index
    %get3A_322 = tpu.strided_load %arg1[%get3A_320, %get3A_321] {strides = array<i32: 100, 1>} : memref<12800x128xf32, #tpu.memory_space<vmem>>, vector<128x128xf32>
    %transpose3A_323 = tpu.transpose %get3A_322, [1, 0] : vector<128x128xf32> -> vector<128x128xf32>
    %slice3A_324 = vector.extract_strided_slice %transpose3A_323 {offsets = [0, 0], sizes = [64, 128], strides = [1, 1]} : vector<128x128xf32> to vector<64x128xf32>
    %swap3A_325 = arith.constant 36 : index
    %swap3A_326 = arith.constant 0 : index
    %swap3A_327 = arith.constant 0 : index
    %swap3A_328 = vector.load %arg2[%swap3A_325, %swap3A_326, %swap3A_327] : memref<200x64x128xf32, #tpu.memory_space<vmem>>, vector<1x64x128xf32>
    %swap3A_329 = vector.shape_cast %swap3A_328 : vector<1x64x128xf32> to vector<64x128xf32>
    %swap3A_330 = vector.shape_cast %slice3A_324 : vector<64x128xf32> to vector<1x64x128xf32>
    tpu.vector_store %arg2[%swap3A_325, %swap3A_326, %swap3A_327], %swap3A_330 {strides = array<i32>} : memref<200x64x128xf32, #tpu.memory_space<vmem>>, vector<1x64x128xf32>,
    %slice3A_331 = vector.extract_strided_slice %transpose3A_323 {offsets = [64, 0], sizes = [64, 128], strides = [1, 1]} : vector<128x128xf32> to vector<64x128xf32>
    %swap3A_332 = arith.constant 37 : index
    %swap3A_333 = arith.constant 0 : index
    %swap3A_334 = arith.constant 0 : index
    %swap3A_335 = vector.load %arg2[%swap3A_332, %swap3A_333, %swap3A_334] : memref<200x64x128xf32, #tpu.memory_space<vmem>>, vector<1x64x128xf32>
    %swap3A_336 = vector.shape_cast %swap3A_335 : vector<1x64x128xf32> to vector<64x128xf32>
    %swap3A_337 = vector.shape_cast %slice3A_331 : vector<64x128xf32> to vector<1x64x128xf32>
    tpu.vector_store %arg2[%swap3A_332, %swap3A_333, %swap3A_334], %swap3A_337 {strides = array<i32>} : memref<200x64x128xf32, #tpu.memory_space<vmem>>, vector<1x64x128xf32>,
    %get3A_338 = arith.constant 19 : index
    %get3A_339 = arith.constant 0 : index
    %get3A_340 = tpu.strided_load %arg1[%get3A_338, %get3A_339] {strides = array<i32: 100, 1>} : memref<12800x128xf32, #tpu.memory_space<vmem>>, vector<128x128xf32>
    %transpose3A_341 = tpu.transpose %get3A_340, [1, 0] : vector<128x128xf32> -> vector<128x128xf32>
    %slice3A_342 = vector.extract_strided_slice %transpose3A_341 {offsets = [0, 0], sizes = [64, 128], strides = [1, 1]} : vector<128x128xf32> to vector<64x128xf32>
    %swap3A_343 = arith.constant 38 : index
    %swap3A_344 = arith.constant 0 : index
    %swap3A_345 = arith.constant 0 : index
    %swap3A_346 = vector.load %arg2[%swap3A_343, %swap3A_344, %swap3A_345] : memref<200x64x128xf32, #tpu.memory_space<vmem>>, vector<1x64x128xf32>
    %swap3A_347 = vector.shape_cast %swap3A_346 : vector<1x64x128xf32> to vector<64x128xf32>
    %swap3A_348 = vector.shape_cast %slice3A_342 : vector<64x128xf32> to vector<1x64x128xf32>
    tpu.vector_store %arg2[%swap3A_343, %swap3A_344, %swap3A_345], %swap3A_348 {strides = array<i32>} : memref<200x64x128xf32, #tpu.memory_space<vmem>>, vector<1x64x128xf32>,
    %slice3A_349 = vector.extract_strided_slice %transpose3A_341 {offsets = [64, 0], sizes = [64, 128], strides = [1, 1]} : vector<128x128xf32> to vector<64x128xf32>
    %swap3A_350 = arith.constant 39 : index
    %swap3A_351 = arith.constant 0 : index
    %swap3A_352 = arith.constant 0 : index
    %swap3A_353 = vector.load %arg2[%swap3A_350, %swap3A_351, %swap3A_352] : memref<200x64x128xf32, #tpu.memory_space<vmem>>, vector<1x64x128xf32>
    %swap3A_354 = vector.shape_cast %swap3A_353 : vector<1x64x128xf32> to vector<64x128xf32>
    %swap3A_355 = vector.shape_cast %slice3A_349 : vector<64x128xf32> to vector<1x64x128xf32>
    tpu.vector_store %arg2[%swap3A_350, %swap3A_351, %swap3A_352], %swap3A_355 {strides = array<i32>} : memref<200x64x128xf32, #tpu.memory_space<vmem>>, vector<1x64x128xf32>,
    %get3A_356 = arith.constant 20 : index
    %get3A_357 = arith.constant 0 : index
    %get3A_358 = tpu.strided_load %arg1[%get3A_356, %get3A_357] {strides = array<i32: 100, 1>} : memref<12800x128xf32, #tpu.memory_space<vmem>>, vector<128x128xf32>
    %transpose3A_359 = tpu.transpose %get3A_358, [1, 0] : vector<128x128xf32> -> vector<128x128xf32>
    %slice3A_360 = vector.extract_strided_slice %transpose3A_359 {offsets = [0, 0], sizes = [64, 128], strides = [1, 1]} : vector<128x128xf32> to vector<64x128xf32>
    %swap3A_361 = arith.constant 40 : index
    %swap3A_362 = arith.constant 0 : index
    %swap3A_363 = arith.constant 0 : index
    %swap3A_364 = vector.load %arg2[%swap3A_361, %swap3A_362, %swap3A_363] : memref<200x64x128xf32, #tpu.memory_space<vmem>>, vector<1x64x128xf32>
    %swap3A_365 = vector.shape_cast %swap3A_364 : vector<1x64x128xf32> to vector<64x128xf32>
    %swap3A_366 = vector.shape_cast %slice3A_360 : vector<64x128xf32> to vector<1x64x128xf32>
    tpu.vector_store %arg2[%swap3A_361, %swap3A_362, %swap3A_363], %swap3A_366 {strides = array<i32>} : memref<200x64x128xf32, #tpu.memory_space<vmem>>, vector<1x64x128xf32>,
    %slice3A_367 = vector.extract_strided_slice %transpose3A_359 {offsets = [64, 0], sizes = [64, 128], strides = [1, 1]} : vector<128x128xf32> to vector<64x128xf32>
    %swap3A_368 = arith.constant 41 : index
    %swap3A_369 = arith.constant 0 : index
    %swap3A_370 = arith.constant 0 : index
    %swap3A_371 = vector.load %arg2[%swap3A_368, %swap3A_369, %swap3A_370] : memref<200x64x128xf32, #tpu.memory_space<vmem>>, vector<1x64x128xf32>
    %swap3A_372 = vector.shape_cast %swap3A_371 : vector<1x64x128xf32> to vector<64x128xf32>
    %swap3A_373 = vector.shape_cast %slice3A_367 : vector<64x128xf32> to vector<1x64x128xf32>
    tpu.vector_store %arg2[%swap3A_368, %swap3A_369, %swap3A_370], %swap3A_373 {strides = array<i32>} : memref<200x64x128xf32, #tpu.memory_space<vmem>>, vector<1x64x128xf32>,
    %get3A_374 = arith.constant 21 : index
    %get3A_375 = arith.constant 0 : index
    %get3A_376 = tpu.strided_load %arg1[%get3A_374, %get3A_375] {strides = array<i32: 100, 1>} : memref<12800x128xf32, #tpu.memory_space<vmem>>, vector<128x128xf32>
    %transpose3A_377 = tpu.transpose %get3A_376, [1, 0] : vector<128x128xf32> -> vector<128x128xf32>
    %slice3A_378 = vector.extract_strided_slice %transpose3A_377 {offsets = [0, 0], sizes = [64, 128], strides = [1, 1]} : vector<128x128xf32> to vector<64x128xf32>
    %swap3A_379 = arith.constant 42 : index
    %swap3A_380 = arith.constant 0 : index
    %swap3A_381 = arith.constant 0 : index
    %swap3A_382 = vector.load %arg2[%swap3A_379, %swap3A_380, %swap3A_381] : memref<200x64x128xf32, #tpu.memory_space<vmem>>, vector<1x64x128xf32>
    %swap3A_383 = vector.shape_cast %swap3A_382 : vector<1x64x128xf32> to vector<64x128xf32>
    %swap3A_384 = vector.shape_cast %slice3A_378 : vector<64x128xf32> to vector<1x64x128xf32>
    tpu.vector_store %arg2[%swap3A_379, %swap3A_380, %swap3A_381], %swap3A_384 {strides = array<i32>} : memref<200x64x128xf32, #tpu.memory_space<vmem>>, vector<1x64x128xf32>,
    %slice3A_385 = vector.extract_strided_slice %transpose3A_377 {offsets = [64, 0], sizes = [64, 128], strides = [1, 1]} : vector<128x128xf32> to vector<64x128xf32>
    %swap3A_386 = arith.constant 43 : index
    %swap3A_387 = arith.constant 0 : index
    %swap3A_388 = arith.constant 0 : index
    %swap3A_389 = vector.load %arg2[%swap3A_386, %swap3A_387, %swap3A_388] : memref<200x64x128xf32, #tpu.memory_space<vmem>>, vector<1x64x128xf32>
    %swap3A_390 = vector.shape_cast %swap3A_389 : vector<1x64x128xf32> to vector<64x128xf32>
    %swap3A_391 = vector.shape_cast %slice3A_385 : vector<64x128xf32> to vector<1x64x128xf32>
    tpu.vector_store %arg2[%swap3A_386, %swap3A_387, %swap3A_388], %swap3A_391 {strides = array<i32>} : memref<200x64x128xf32, #tpu.memory_space<vmem>>, vector<1x64x128xf32>,
    %get3A_392 = arith.constant 22 : index
    %get3A_393 = arith.constant 0 : index
    %get3A_394 = tpu.strided_load %arg1[%get3A_392, %get3A_393] {strides = array<i32: 100, 1>} : memref<12800x128xf32, #tpu.memory_space<vmem>>, vector<128x128xf32>
    %transpose3A_395 = tpu.transpose %get3A_394, [1, 0] : vector<128x128xf32> -> vector<128x128xf32>
    %slice3A_396 = vector.extract_strided_slice %transpose3A_395 {offsets = [0, 0], sizes = [64, 128], strides = [1, 1]} : vector<128x128xf32> to vector<64x128xf32>
    %swap3A_397 = arith.constant 44 : index
    %swap3A_398 = arith.constant 0 : index
    %swap3A_399 = arith.constant 0 : index
    %swap3A_400 = vector.load %arg2[%swap3A_397, %swap3A_398, %swap3A_399] : memref<200x64x128xf32, #tpu.memory_space<vmem>>, vector<1x64x128xf32>
    %swap3A_401 = vector.shape_cast %swap3A_400 : vector<1x64x128xf32> to vector<64x128xf32>
    %swap3A_402 = vector.shape_cast %slice3A_396 : vector<64x128xf32> to vector<1x64x128xf32>
    tpu.vector_store %arg2[%swap3A_397, %swap3A_398, %swap3A_399], %swap3A_402 {strides = array<i32>} : memref<200x64x128xf32, #tpu.memory_space<vmem>>, vector<1x64x128xf32>,
    %slice3A_403 = vector.extract_strided_slice %transpose3A_395 {offsets = [64, 0], sizes = [64, 128], strides = [1, 1]} : vector<128x128xf32> to vector<64x128xf32>
    %swap3A_404 = arith.constant 45 : index
    %swap3A_405 = arith.constant 0 : index
    %swap3A_406 = arith.constant 0 : index
    %swap3A_407 = vector.load %arg2[%swap3A_404, %swap3A_405, %swap3A_406] : memref<200x64x128xf32, #tpu.memory_space<vmem>>, vector<1x64x128xf32>
    %swap3A_408 = vector.shape_cast %swap3A_407 : vector<1x64x128xf32> to vector<64x128xf32>
    %swap3A_409 = vector.shape_cast %slice3A_403 : vector<64x128xf32> to vector<1x64x128xf32>
    tpu.vector_store %arg2[%swap3A_404, %swap3A_405, %swap3A_406], %swap3A_409 {strides = array<i32>} : memref<200x64x128xf32, #tpu.memory_space<vmem>>, vector<1x64x128xf32>,
    %get3A_410 = arith.constant 23 : index
    %get3A_411 = arith.constant 0 : index
    %get3A_412 = tpu.strided_load %arg1[%get3A_410, %get3A_411] {strides = array<i32: 100, 1>} : memref<12800x128xf32, #tpu.memory_space<vmem>>, vector<128x128xf32>
    %transpose3A_413 = tpu.transpose %get3A_412, [1, 0] : vector<128x128xf32> -> vector<128x128xf32>
    %slice3A_414 = vector.extract_strided_slice %transpose3A_413 {offsets = [0, 0], sizes = [64, 128], strides = [1, 1]} : vector<128x128xf32> to vector<64x128xf32>
    %swap3A_415 = arith.constant 46 : index
    %swap3A_416 = arith.constant 0 : index
    %swap3A_417 = arith.constant 0 : index
    %swap3A_418 = vector.load %arg2[%swap3A_415, %swap3A_416, %swap3A_417] : memref<200x64x128xf32, #tpu.memory_space<vmem>>, vector<1x64x128xf32>
    %swap3A_419 = vector.shape_cast %swap3A_418 : vector<1x64x128xf32> to vector<64x128xf32>
    %swap3A_420 = vector.shape_cast %slice3A_414 : vector<64x128xf32> to vector<1x64x128xf32>
    tpu.vector_store %arg2[%swap3A_415, %swap3A_416, %swap3A_417], %swap3A_420 {strides = array<i32>} : memref<200x64x128xf32, #tpu.memory_space<vmem>>, vector<1x64x128xf32>,
    %slice3A_421 = vector.extract_strided_slice %transpose3A_413 {offsets = [64, 0], sizes = [64, 128], strides = [1, 1]} : vector<128x128xf32> to vector<64x128xf32>
    %swap3A_422 = arith.constant 47 : index
    %swap3A_423 = arith.constant 0 : index
    %swap3A_424 = arith.constant 0 : index
    %swap3A_425 = vector.load %arg2[%swap3A_422, %swap3A_423, %swap3A_424] : memref<200x64x128xf32, #tpu.memory_space<vmem>>, vector<1x64x128xf32>
    %swap3A_426 = vector.shape_cast %swap3A_425 : vector<1x64x128xf32> to vector<64x128xf32>
    %swap3A_427 = vector.shape_cast %slice3A_421 : vector<64x128xf32> to vector<1x64x128xf32>
    tpu.vector_store %arg2[%swap3A_422, %swap3A_423, %swap3A_424], %swap3A_427 {strides = array<i32>} : memref<200x64x128xf32, #tpu.memory_space<vmem>>, vector<1x64x128xf32>,
    %get3A_428 = arith.constant 24 : index
    %get3A_429 = arith.constant 0 : index
    %get3A_430 = tpu.strided_load %arg1[%get3A_428, %get3A_429] {strides = array<i32: 100, 1>} : memref<12800x128xf32, #tpu.memory_space<vmem>>, vector<128x128xf32>
    %transpose3A_431 = tpu.transpose %get3A_430, [1, 0] : vector<128x128xf32> -> vector<128x128xf32>
    %slice3A_432 = vector.extract_strided_slice %transpose3A_431 {offsets = [0, 0], sizes = [64, 128], strides = [1, 1]} : vector<128x128xf32> to vector<64x128xf32>
    %swap3A_433 = arith.constant 48 : index
    %swap3A_434 = arith.constant 0 : index
    %swap3A_435 = arith.constant 0 : index
    %swap3A_436 = vector.load %arg2[%swap3A_433, %swap3A_434, %swap3A_435] : memref<200x64x128xf32, #tpu.memory_space<vmem>>, vector<1x64x128xf32>
    %swap3A_437 = vector.shape_cast %swap3A_436 : vector<1x64x128xf32> to vector<64x128xf32>
    %swap3A_438 = vector.shape_cast %slice3A_432 : vector<64x128xf32> to vector<1x64x128xf32>
    tpu.vector_store %arg2[%swap3A_433, %swap3A_434, %swap3A_435], %swap3A_438 {strides = array<i32>} : memref<200x64x128xf32, #tpu.memory_space<vmem>>, vector<1x64x128xf32>,
    %slice3A_439 = vector.extract_strided_slice %transpose3A_431 {offsets = [64, 0], sizes = [64, 128], strides = [1, 1]} : vector<128x128xf32> to vector<64x128xf32>
    %swap3A_440 = arith.constant 49 : index
    %swap3A_441 = arith.constant 0 : index
    %swap3A_442 = arith.constant 0 : index
    %swap3A_443 = vector.load %arg2[%swap3A_440, %swap3A_441, %swap3A_442] : memref<200x64x128xf32, #tpu.memory_space<vmem>>, vector<1x64x128xf32>
    %swap3A_444 = vector.shape_cast %swap3A_443 : vector<1x64x128xf32> to vector<64x128xf32>
    %swap3A_445 = vector.shape_cast %slice3A_439 : vector<64x128xf32> to vector<1x64x128xf32>
    tpu.vector_store %arg2[%swap3A_440, %swap3A_441, %swap3A_442], %swap3A_445 {strides = array<i32>} : memref<200x64x128xf32, #tpu.memory_space<vmem>>, vector<1x64x128xf32>,
    %get3A_446 = arith.constant 25 : index
    %get3A_447 = arith.constant 0 : index
    %get3A_448 = tpu.strided_load %arg1[%get3A_446, %get3A_447] {strides = array<i32: 100, 1>} : memref<12800x128xf32, #tpu.memory_space<vmem>>, vector<128x128xf32>
    %transpose3A_449 = tpu.transpose %get3A_448, [1, 0] : vector<128x128xf32> -> vector<128x128xf32>
    %slice3A_450 = vector.extract_strided_slice %transpose3A_449 {offsets = [0, 0], sizes = [64, 128], strides = [1, 1]} : vector<128x128xf32> to vector<64x128xf32>
    %swap3A_451 = arith.constant 50 : index
    %swap3A_452 = arith.constant 0 : index
    %swap3A_453 = arith.constant 0 : index
    %swap3A_454 = vector.load %arg2[%swap3A_451, %swap3A_452, %swap3A_453] : memref<200x64x128xf32, #tpu.memory_space<vmem>>, vector<1x64x128xf32>
    %swap3A_455 = vector.shape_cast %swap3A_454 : vector<1x64x128xf32> to vector<64x128xf32>
    %swap3A_456 = vector.shape_cast %slice3A_450 : vector<64x128xf32> to vector<1x64x128xf32>
    tpu.vector_store %arg2[%swap3A_451, %swap3A_452, %swap3A_453], %swap3A_456 {strides = array<i32>} : memref<200x64x128xf32, #tpu.memory_space<vmem>>, vector<1x64x128xf32>,
    %slice3A_457 = vector.extract_strided_slice %transpose3A_449 {offsets = [64, 0], sizes = [64, 128], strides = [1, 1]} : vector<128x128xf32> to vector<64x128xf32>
    %swap3A_458 = arith.constant 51 : index
    %swap3A_459 = arith.constant 0 : index
    %swap3A_460 = arith.constant 0 : index
    %swap3A_461 = vector.load %arg2[%swap3A_458, %swap3A_459, %swap3A_460] : memref<200x64x128xf32, #tpu.memory_space<vmem>>, vector<1x64x128xf32>
    %swap3A_462 = vector.shape_cast %swap3A_461 : vector<1x64x128xf32> to vector<64x128xf32>
    %swap3A_463 = vector.shape_cast %slice3A_457 : vector<64x128xf32> to vector<1x64x128xf32>
    tpu.vector_store %arg2[%swap3A_458, %swap3A_459, %swap3A_460], %swap3A_463 {strides = array<i32>} : memref<200x64x128xf32, #tpu.memory_space<vmem>>, vector<1x64x128xf32>,
    %get3A_464 = arith.constant 26 : index
    %get3A_465 = arith.constant 0 : index
    %get3A_466 = tpu.strided_load %arg1[%get3A_464, %get3A_465] {strides = array<i32: 100, 1>} : memref<12800x128xf32, #tpu.memory_space<vmem>>, vector<128x128xf32>
    %transpose3A_467 = tpu.transpose %get3A_466, [1, 0] : vector<128x128xf32> -> vector<128x128xf32>
    %slice3A_468 = vector.extract_strided_slice %transpose3A_467 {offsets = [0, 0], sizes = [64, 128], strides = [1, 1]} : vector<128x128xf32> to vector<64x128xf32>
    %swap3A_469 = arith.constant 52 : index
    %swap3A_470 = arith.constant 0 : index
    %swap3A_471 = arith.constant 0 : index
    %swap3A_472 = vector.load %arg2[%swap3A_469, %swap3A_470, %swap3A_471] : memref<200x64x128xf32, #tpu.memory_space<vmem>>, vector<1x64x128xf32>
    %swap3A_473 = vector.shape_cast %swap3A_472 : vector<1x64x128xf32> to vector<64x128xf32>
    %swap3A_474 = vector.shape_cast %slice3A_468 : vector<64x128xf32> to vector<1x64x128xf32>
    tpu.vector_store %arg2[%swap3A_469, %swap3A_470, %swap3A_471], %swap3A_474 {strides = array<i32>} : memref<200x64x128xf32, #tpu.memory_space<vmem>>, vector<1x64x128xf32>,
    %slice3A_475 = vector.extract_strided_slice %transpose3A_467 {offsets = [64, 0], sizes = [64, 128], strides = [1, 1]} : vector<128x128xf32> to vector<64x128xf32>
    %swap3A_476 = arith.constant 53 : index
    %swap3A_477 = arith.constant 0 : index
    %swap3A_478 = arith.constant 0 : index
    %swap3A_479 = vector.load %arg2[%swap3A_476, %swap3A_477, %swap3A_478] : memref<200x64x128xf32, #tpu.memory_space<vmem>>, vector<1x64x128xf32>
    %swap3A_480 = vector.shape_cast %swap3A_479 : vector<1x64x128xf32> to vector<64x128xf32>
    %swap3A_481 = vector.shape_cast %slice3A_475 : vector<64x128xf32> to vector<1x64x128xf32>
    tpu.vector_store %arg2[%swap3A_476, %swap3A_477, %swap3A_478], %swap3A_481 {strides = array<i32>} : memref<200x64x128xf32, #tpu.memory_space<vmem>>, vector<1x64x128xf32>,
    %get3A_482 = arith.constant 27 : index
    %get3A_483 = arith.constant 0 : index
    %get3A_484 = tpu.strided_load %arg1[%get3A_482, %get3A_483] {strides = array<i32: 100, 1>} : memref<12800x128xf32, #tpu.memory_space<vmem>>, vector<128x128xf32>
    %transpose3A_485 = tpu.transpose %get3A_484, [1, 0] : vector<128x128xf32> -> vector<128x128xf32>
    %slice3A_486 = vector.extract_strided_slice %transpose3A_485 {offsets = [0, 0], sizes = [64, 128], strides = [1, 1]} : vector<128x128xf32> to vector<64x128xf32>
    %swap3A_487 = arith.constant 54 : index
    %swap3A_488 = arith.constant 0 : index
    %swap3A_489 = arith.constant 0 : index
    %swap3A_490 = vector.load %arg2[%swap3A_487, %swap3A_488, %swap3A_489] : memref<200x64x128xf32, #tpu.memory_space<vmem>>, vector<1x64x128xf32>
    %swap3A_491 = vector.shape_cast %swap3A_490 : vector<1x64x128xf32> to vector<64x128xf32>
    %swap3A_492 = vector.shape_cast %slice3A_486 : vector<64x128xf32> to vector<1x64x128xf32>
    tpu.vector_store %arg2[%swap3A_487, %swap3A_488, %swap3A_489], %swap3A_492 {strides = array<i32>} : memref<200x64x128xf32, #tpu.memory_space<vmem>>, vector<1x64x128xf32>,
    %slice3A_493 = vector.extract_strided_slice %transpose3A_485 {offsets = [64, 0], sizes = [64, 128], strides = [1, 1]} : vector<128x128xf32> to vector<64x128xf32>
    %swap3A_494 = arith.constant 55 : index
    %swap3A_495 = arith.constant 0 : index
    %swap3A_496 = arith.constant 0 : index
    %swap3A_497 = vector.load %arg2[%swap3A_494, %swap3A_495, %swap3A_496] : memref<200x64x128xf32, #tpu.memory_space<vmem>>, vector<1x64x128xf32>
    %swap3A_498 = vector.shape_cast %swap3A_497 : vector<1x64x128xf32> to vector<64x128xf32>
    %swap3A_499 = vector.shape_cast %slice3A_493 : vector<64x128xf32> to vector<1x64x128xf32>
    tpu.vector_store %arg2[%swap3A_494, %swap3A_495, %swap3A_496], %swap3A_499 {strides = array<i32>} : memref<200x64x128xf32, #tpu.memory_space<vmem>>, vector<1x64x128xf32>,
    %get3A_500 = arith.constant 28 : index
    %get3A_501 = arith.constant 0 : index
    %get3A_502 = tpu.strided_load %arg1[%get3A_500, %get3A_501] {strides = array<i32: 100, 1>} : memref<12800x128xf32, #tpu.memory_space<vmem>>, vector<128x128xf32>
    %transpose3A_503 = tpu.transpose %get3A_502, [1, 0] : vector<128x128xf32> -> vector<128x128xf32>
    %slice3A_504 = vector.extract_strided_slice %transpose3A_503 {offsets = [0, 0], sizes = [64, 128], strides = [1, 1]} : vector<128x128xf32> to vector<64x128xf32>
    %swap3A_505 = arith.constant 56 : index
    %swap3A_506 = arith.constant 0 : index
    %swap3A_507 = arith.constant 0 : index
    %swap3A_508 = vector.load %arg2[%swap3A_505, %swap3A_506, %swap3A_507] : memref<200x64x128xf32, #tpu.memory_space<vmem>>, vector<1x64x128xf32>
    %swap3A_509 = vector.shape_cast %swap3A_508 : vector<1x64x128xf32> to vector<64x128xf32>
    %swap3A_510 = vector.shape_cast %slice3A_504 : vector<64x128xf32> to vector<1x64x128xf32>
    tpu.vector_store %arg2[%swap3A_505, %swap3A_506, %swap3A_507], %swap3A_510 {strides = array<i32>} : memref<200x64x128xf32, #tpu.memory_space<vmem>>, vector<1x64x128xf32>,
    %slice3A_511 = vector.extract_strided_slice %transpose3A_503 {offsets = [64, 0], sizes = [64, 128], strides = [1, 1]} : vector<128x128xf32> to vector<64x128xf32>
    %swap3A_512 = arith.constant 57 : index
    %swap3A_513 = arith.constant 0 : index
    %swap3A_514 = arith.constant 0 : index
    %swap3A_515 = vector.load %arg2[%swap3A_512, %swap3A_513, %swap3A_514] : memref<200x64x128xf32, #tpu.memory_space<vmem>>, vector<1x64x128xf32>
    %swap3A_516 = vector.shape_cast %swap3A_515 : vector<1x64x128xf32> to vector<64x128xf32>
    %swap3A_517 = vector.shape_cast %slice3A_511 : vector<64x128xf32> to vector<1x64x128xf32>
    tpu.vector_store %arg2[%swap3A_512, %swap3A_513, %swap3A_514], %swap3A_517 {strides = array<i32>} : memref<200x64x128xf32, #tpu.memory_space<vmem>>, vector<1x64x128xf32>,
    %get3A_518 = arith.constant 29 : index
    %get3A_519 = arith.constant 0 : index
    %get3A_520 = tpu.strided_load %arg1[%get3A_518, %get3A_519] {strides = array<i32: 100, 1>} : memref<12800x128xf32, #tpu.memory_space<vmem>>, vector<128x128xf32>
    %transpose3A_521 = tpu.transpose %get3A_520, [1, 0] : vector<128x128xf32> -> vector<128x128xf32>
    %slice3A_522 = vector.extract_strided_slice %transpose3A_521 {offsets = [0, 0], sizes = [64, 128], strides = [1, 1]} : vector<128x128xf32> to vector<64x128xf32>
    %swap3A_523 = arith.constant 58 : index
    %swap3A_524 = arith.constant 0 : index
    %swap3A_525 = arith.constant 0 : index
    %swap3A_526 = vector.load %arg2[%swap3A_523, %swap3A_524, %swap3A_525] : memref<200x64x128xf32, #tpu.memory_space<vmem>>, vector<1x64x128xf32>
    %swap3A_527 = vector.shape_cast %swap3A_526 : vector<1x64x128xf32> to vector<64x128xf32>
    %swap3A_528 = vector.shape_cast %slice3A_522 : vector<64x128xf32> to vector<1x64x128xf32>
    tpu.vector_store %arg2[%swap3A_523, %swap3A_524, %swap3A_525], %swap3A_528 {strides = array<i32>} : memref<200x64x128xf32, #tpu.memory_space<vmem>>, vector<1x64x128xf32>,
    %slice3A_529 = vector.extract_strided_slice %transpose3A_521 {offsets = [64, 0], sizes = [64, 128], strides = [1, 1]} : vector<128x128xf32> to vector<64x128xf32>
    %swap3A_530 = arith.constant 59 : index
    %swap3A_531 = arith.constant 0 : index
    %swap3A_532 = arith.constant 0 : index
    %swap3A_533 = vector.load %arg2[%swap3A_530, %swap3A_531, %swap3A_532] : memref<200x64x128xf32, #tpu.memory_space<vmem>>, vector<1x64x128xf32>
    %swap3A_534 = vector.shape_cast %swap3A_533 : vector<1x64x128xf32> to vector<64x128xf32>
    %swap3A_535 = vector.shape_cast %slice3A_529 : vector<64x128xf32> to vector<1x64x128xf32>
    tpu.vector_store %arg2[%swap3A_530, %swap3A_531, %swap3A_532], %swap3A_535 {strides = array<i32>} : memref<200x64x128xf32, #tpu.memory_space<vmem>>, vector<1x64x128xf32>,
    %get3A_536 = arith.constant 30 : index
    %get3A_537 = arith.constant 0 : index
    %get3A_538 = tpu.strided_load %arg1[%get3A_536, %get3A_537] {strides = array<i32: 100, 1>} : memref<12800x128xf32, #tpu.memory_space<vmem>>, vector<128x128xf32>
    %transpose3A_539 = tpu.transpose %get3A_538, [1, 0] : vector<128x128xf32> -> vector<128x128xf32>
    %slice3A_540 = vector.extract_strided_slice %transpose3A_539 {offsets = [0, 0], sizes = [64, 128], strides = [1, 1]} : vector<128x128xf32> to vector<64x128xf32>
    %swap3A_541 = arith.constant 60 : index
    %swap3A_542 = arith.constant 0 : index
    %swap3A_543 = arith.constant 0 : index
    %swap3A_544 = vector.load %arg2[%swap3A_541, %swap3A_542, %swap3A_543] : memref<200x64x128xf32, #tpu.memory_space<vmem>>, vector<1x64x128xf32>
    %swap3A_545 = vector.shape_cast %swap3A_544 : vector<1x64x128xf32> to vector<64x128xf32>
    %swap3A_546 = vector.shape_cast %slice3A_540 : vector<64x128xf32> to vector<1x64x128xf32>
    tpu.vector_store %arg2[%swap3A_541, %swap3A_542, %swap3A_543], %swap3A_546 {strides = array<i32>} : memref<200x64x128xf32, #tpu.memory_space<vmem>>, vector<1x64x128xf32>,
    %slice3A_547 = vector.extract_strided_slice %transpose3A_539 {offsets = [64, 0], sizes = [64, 128], strides = [1, 1]} : vector<128x128xf32> to vector<64x128xf32>
    %swap3A_548 = arith.constant 61 : index
    %swap3A_549 = arith.constant 0 : index
    %swap3A_550 = arith.constant 0 : index
    %swap3A_551 = vector.load %arg2[%swap3A_548, %swap3A_549, %swap3A_550] : memref<200x64x128xf32, #tpu.memory_space<vmem>>, vector<1x64x128xf32>
    %swap3A_552 = vector.shape_cast %swap3A_551 : vector<1x64x128xf32> to vector<64x128xf32>
    %swap3A_553 = vector.shape_cast %slice3A_547 : vector<64x128xf32> to vector<1x64x128xf32>
    tpu.vector_store %arg2[%swap3A_548, %swap3A_549, %swap3A_550], %swap3A_553 {strides = array<i32>} : memref<200x64x128xf32, #tpu.memory_space<vmem>>, vector<1x64x128xf32>,
    %get3A_554 = arith.constant 31 : index
    %get3A_555 = arith.constant 0 : index
    %get3A_556 = tpu.strided_load %arg1[%get3A_554, %get3A_555] {strides = array<i32: 100, 1>} : memref<12800x128xf32, #tpu.memory_space<vmem>>, vector<128x128xf32>
    %transpose3A_557 = tpu.transpose %get3A_556, [1, 0] : vector<128x128xf32> -> vector<128x128xf32>
    %slice3A_558 = vector.extract_strided_slice %transpose3A_557 {offsets = [0, 0], sizes = [64, 128], strides = [1, 1]} : vector<128x128xf32> to vector<64x128xf32>
    %swap3A_559 = arith.constant 62 : index
    %swap3A_560 = arith.constant 0 : index
    %swap3A_561 = arith.constant 0 : index
    %swap3A_562 = vector.load %arg2[%swap3A_559, %swap3A_560, %swap3A_561] : memref<200x64x128xf32, #tpu.memory_space<vmem>>, vector<1x64x128xf32>
    %swap3A_563 = vector.shape_cast %swap3A_562 : vector<1x64x128xf32> to vector<64x128xf32>
    %swap3A_564 = vector.shape_cast %slice3A_558 : vector<64x128xf32> to vector<1x64x128xf32>
    tpu.vector_store %arg2[%swap3A_559, %swap3A_560, %swap3A_561], %swap3A_564 {strides = array<i32>} : memref<200x64x128xf32, #tpu.memory_space<vmem>>, vector<1x64x128xf32>,
    %slice3A_565 = vector.extract_strided_slice %transpose3A_557 {offsets = [64, 0], sizes = [64, 128], strides = [1, 1]} : vector<128x128xf32> to vector<64x128xf32>
    %swap3A_566 = arith.constant 63 : index
    %swap3A_567 = arith.constant 0 : index
    %swap3A_568 = arith.constant 0 : index
    %swap3A_569 = vector.load %arg2[%swap3A_566, %swap3A_567, %swap3A_568] : memref<200x64x128xf32, #tpu.memory_space<vmem>>, vector<1x64x128xf32>
    %swap3A_570 = vector.shape_cast %swap3A_569 : vector<1x64x128xf32> to vector<64x128xf32>
    %swap3A_571 = vector.shape_cast %slice3A_565 : vector<64x128xf32> to vector<1x64x128xf32>
    tpu.vector_store %arg2[%swap3A_566, %swap3A_567, %swap3A_568], %swap3A_571 {strides = array<i32>} : memref<200x64x128xf32, #tpu.memory_space<vmem>>, vector<1x64x128xf32>,
    %get3A_572 = arith.constant 32 : index
    %get3A_573 = arith.constant 0 : index
    %get3A_574 = tpu.strided_load %arg1[%get3A_572, %get3A_573] {strides = array<i32: 100, 1>} : memref<12800x128xf32, #tpu.memory_space<vmem>>, vector<128x128xf32>
    %transpose3A_575 = tpu.transpose %get3A_574, [1, 0] : vector<128x128xf32> -> vector<128x128xf32>
    %slice3A_576 = vector.extract_strided_slice %transpose3A_575 {offsets = [0, 0], sizes = [64, 128], strides = [1, 1]} : vector<128x128xf32> to vector<64x128xf32>
    %swap3A_577 = arith.constant 64 : index
    %swap3A_578 = arith.constant 0 : index
    %swap3A_579 = arith.constant 0 : index
    %swap3A_580 = vector.load %arg2[%swap3A_577, %swap3A_578, %swap3A_579] : memref<200x64x128xf32, #tpu.memory_space<vmem>>, vector<1x64x128xf32>
    %swap3A_581 = vector.shape_cast %swap3A_580 : vector<1x64x128xf32> to vector<64x128xf32>
    %swap3A_582 = vector.shape_cast %slice3A_576 : vector<64x128xf32> to vector<1x64x128xf32>
    tpu.vector_store %arg2[%swap3A_577, %swap3A_578, %swap3A_579], %swap3A_582 {strides = array<i32>} : memref<200x64x128xf32, #tpu.memory_space<vmem>>, vector<1x64x128xf32>,
    %slice3A_583 = vector.extract_strided_slice %transpose3A_575 {offsets = [64, 0], sizes = [64, 128], strides = [1, 1]} : vector<128x128xf32> to vector<64x128xf32>
    %swap3A_584 = arith.constant 65 : index
    %swap3A_585 = arith.constant 0 : index
    %swap3A_586 = arith.constant 0 : index
    %swap3A_587 = vector.load %arg2[%swap3A_584, %swap3A_585, %swap3A_586] : memref<200x64x128xf32, #tpu.memory_space<vmem>>, vector<1x64x128xf32>
    %swap3A_588 = vector.shape_cast %swap3A_587 : vector<1x64x128xf32> to vector<64x128xf32>
    %swap3A_589 = vector.shape_cast %slice3A_583 : vector<64x128xf32> to vector<1x64x128xf32>
    tpu.vector_store %arg2[%swap3A_584, %swap3A_585, %swap3A_586], %swap3A_589 {strides = array<i32>} : memref<200x64x128xf32, #tpu.memory_space<vmem>>, vector<1x64x128xf32>,
    %get3A_590 = arith.constant 33 : index
    %get3A_591 = arith.constant 0 : index
    %get3A_592 = tpu.strided_load %arg1[%get3A_590, %get3A_591] {strides = array<i32: 100, 1>} : memref<12800x128xf32, #tpu.memory_space<vmem>>, vector<128x128xf32>
    %transpose3A_593 = tpu.transpose %get3A_592, [1, 0] : vector<128x128xf32> -> vector<128x128xf32>
    %slice3A_594 = vector.extract_strided_slice %transpose3A_593 {offsets = [0, 0], sizes = [64, 128], strides = [1, 1]} : vector<128x128xf32> to vector<64x128xf32>
    %swap3A_595 = arith.constant 66 : index
    %swap3A_596 = arith.constant 0 : index
    %swap3A_597 = arith.constant 0 : index
    %swap3A_598 = vector.load %arg2[%swap3A_595, %swap3A_596, %swap3A_597] : memref<200x64x128xf32, #tpu.memory_space<vmem>>, vector<1x64x128xf32>
    %swap3A_599 = vector.shape_cast %swap3A_598 : vector<1x64x128xf32> to vector<64x128xf32>
    %swap3A_600 = vector.shape_cast %slice3A_594 : vector<64x128xf32> to vector<1x64x128xf32>
    tpu.vector_store %arg2[%swap3A_595, %swap3A_596, %swap3A_597], %swap3A_600 {strides = array<i32>} : memref<200x64x128xf32, #tpu.memory_space<vmem>>, vector<1x64x128xf32>,
    %slice3A_601 = vector.extract_strided_slice %transpose3A_593 {offsets = [64, 0], sizes = [64, 128], strides = [1, 1]} : vector<128x128xf32> to vector<64x128xf32>
    %swap3A_602 = arith.constant 67 : index
    %swap3A_603 = arith.constant 0 : index
    %swap3A_604 = arith.constant 0 : index
    %swap3A_605 = vector.load %arg2[%swap3A_602, %swap3A_603, %swap3A_604] : memref<200x64x128xf32, #tpu.memory_space<vmem>>, vector<1x64x128xf32>
    %swap3A_606 = vector.shape_cast %swap3A_605 : vector<1x64x128xf32> to vector<64x128xf32>
    %swap3A_607 = vector.shape_cast %slice3A_601 : vector<64x128xf32> to vector<1x64x128xf32>
    tpu.vector_store %arg2[%swap3A_602, %swap3A_603, %swap3A_604], %swap3A_607 {strides = array<i32>} : memref<200x64x128xf32, #tpu.memory_space<vmem>>, vector<1x64x128xf32>,
    %get3A_608 = arith.constant 34 : index
    %get3A_609 = arith.constant 0 : index
    %get3A_610 = tpu.strided_load %arg1[%get3A_608, %get3A_609] {strides = array<i32: 100, 1>} : memref<12800x128xf32, #tpu.memory_space<vmem>>, vector<128x128xf32>
    %transpose3A_611 = tpu.transpose %get3A_610, [1, 0] : vector<128x128xf32> -> vector<128x128xf32>
    %slice3A_612 = vector.extract_strided_slice %transpose3A_611 {offsets = [0, 0], sizes = [64, 128], strides = [1, 1]} : vector<128x128xf32> to vector<64x128xf32>
    %swap3A_613 = arith.constant 68 : index
    %swap3A_614 = arith.constant 0 : index
    %swap3A_615 = arith.constant 0 : index
    %swap3A_616 = vector.load %arg2[%swap3A_613, %swap3A_614, %swap3A_615] : memref<200x64x128xf32, #tpu.memory_space<vmem>>, vector<1x64x128xf32>
    %swap3A_617 = vector.shape_cast %swap3A_616 : vector<1x64x128xf32> to vector<64x128xf32>
    %swap3A_618 = vector.shape_cast %slice3A_612 : vector<64x128xf32> to vector<1x64x128xf32>
    tpu.vector_store %arg2[%swap3A_613, %swap3A_614, %swap3A_615], %swap3A_618 {strides = array<i32>} : memref<200x64x128xf32, #tpu.memory_space<vmem>>, vector<1x64x128xf32>,
    %slice3A_619 = vector.extract_strided_slice %transpose3A_611 {offsets = [64, 0], sizes = [64, 128], strides = [1, 1]} : vector<128x128xf32> to vector<64x128xf32>
    %swap3A_620 = arith.constant 69 : index
    %swap3A_621 = arith.constant 0 : index
    %swap3A_622 = arith.constant 0 : index
    %swap3A_623 = vector.load %arg2[%swap3A_620, %swap3A_621, %swap3A_622] : memref<200x64x128xf32, #tpu.memory_space<vmem>>, vector<1x64x128xf32>
    %swap3A_624 = vector.shape_cast %swap3A_623 : vector<1x64x128xf32> to vector<64x128xf32>
    %swap3A_625 = vector.shape_cast %slice3A_619 : vector<64x128xf32> to vector<1x64x128xf32>
    tpu.vector_store %arg2[%swap3A_620, %swap3A_621, %swap3A_622], %swap3A_625 {strides = array<i32>} : memref<200x64x128xf32, #tpu.memory_space<vmem>>, vector<1x64x128xf32>,
    %get3A_626 = arith.constant 35 : index
    %get3A_627 = arith.constant 0 : index
    %get3A_628 = tpu.strided_load %arg1[%get3A_626, %get3A_627] {strides = array<i32: 100, 1>} : memref<12800x128xf32, #tpu.memory_space<vmem>>, vector<128x128xf32>
    %transpose3A_629 = tpu.transpose %get3A_628, [1, 0] : vector<128x128xf32> -> vector<128x128xf32>
    %slice3A_630 = vector.extract_strided_slice %transpose3A_629 {offsets = [0, 0], sizes = [64, 128], strides = [1, 1]} : vector<128x128xf32> to vector<64x128xf32>
    %swap3A_631 = arith.constant 70 : index
    %swap3A_632 = arith.constant 0 : index
    %swap3A_633 = arith.constant 0 : index
    %swap3A_634 = vector.load %arg2[%swap3A_631, %swap3A_632, %swap3A_633] : memref<200x64x128xf32, #tpu.memory_space<vmem>>, vector<1x64x128xf32>
    %swap3A_635 = vector.shape_cast %swap3A_634 : vector<1x64x128xf32> to vector<64x128xf32>
    %swap3A_636 = vector.shape_cast %slice3A_630 : vector<64x128xf32> to vector<1x64x128xf32>
    tpu.vector_store %arg2[%swap3A_631, %swap3A_632, %swap3A_633], %swap3A_636 {strides = array<i32>} : memref<200x64x128xf32, #tpu.memory_space<vmem>>, vector<1x64x128xf32>,
    %slice3A_637 = vector.extract_strided_slice %transpose3A_629 {offsets = [64, 0], sizes = [64, 128], strides = [1, 1]} : vector<128x128xf32> to vector<64x128xf32>
    %swap3A_638 = arith.constant 71 : index
    %swap3A_639 = arith.constant 0 : index
    %swap3A_640 = arith.constant 0 : index
    %swap3A_641 = vector.load %arg2[%swap3A_638, %swap3A_639, %swap3A_640] : memref<200x64x128xf32, #tpu.memory_space<vmem>>, vector<1x64x128xf32>
    %swap3A_642 = vector.shape_cast %swap3A_641 : vector<1x64x128xf32> to vector<64x128xf32>
    %swap3A_643 = vector.shape_cast %slice3A_637 : vector<64x128xf32> to vector<1x64x128xf32>
    tpu.vector_store %arg2[%swap3A_638, %swap3A_639, %swap3A_640], %swap3A_643 {strides = array<i32>} : memref<200x64x128xf32, #tpu.memory_space<vmem>>, vector<1x64x128xf32>,
    %get3A_644 = arith.constant 36 : index
    %get3A_645 = arith.constant 0 : index
    %get3A_646 = tpu.strided_load %arg1[%get3A_644, %get3A_645] {strides = array<i32: 100, 1>} : memref<12800x128xf32, #tpu.memory_space<vmem>>, vector<128x128xf32>
    %transpose3A_647 = tpu.transpose %get3A_646, [1, 0] : vector<128x128xf32> -> vector<128x128xf32>
    %slice3A_648 = vector.extract_strided_slice %transpose3A_647 {offsets = [0, 0], sizes = [64, 128], strides = [1, 1]} : vector<128x128xf32> to vector<64x128xf32>
    %swap3A_649 = arith.constant 72 : index
    %swap3A_650 = arith.constant 0 : index
    %swap3A_651 = arith.constant 0 : index
    %swap3A_652 = vector.load %arg2[%swap3A_649, %swap3A_650, %swap3A_651] : memref<200x64x128xf32, #tpu.memory_space<vmem>>, vector<1x64x128xf32>
    %swap3A_653 = vector.shape_cast %swap3A_652 : vector<1x64x128xf32> to vector<64x128xf32>
    %swap3A_654 = vector.shape_cast %slice3A_648 : vector<64x128xf32> to vector<1x64x128xf32>
    tpu.vector_store %arg2[%swap3A_649, %swap3A_650, %swap3A_651], %swap3A_654 {strides = array<i32>} : memref<200x64x128xf32, #tpu.memory_space<vmem>>, vector<1x64x128xf32>,
    %slice3A_655 = vector.extract_strided_slice %transpose3A_647 {offsets = [64, 0], sizes = [64, 128], strides = [1, 1]} : vector<128x128xf32> to vector<64x128xf32>
    %swap3A_656 = arith.constant 73 : index
    %swap3A_657 = arith.constant 0 : index
    %swap3A_658 = arith.constant 0 : index
    %swap3A_659 = vector.load %arg2[%swap3A_656, %swap3A_657, %swap3A_658] : memref<200x64x128xf32, #tpu.memory_space<vmem>>, vector<1x64x128xf32>
    %swap3A_660 = vector.shape_cast %swap3A_659 : vector<1x64x128xf32> to vector<64x128xf32>
    %swap3A_661 = vector.shape_cast %slice3A_655 : vector<64x128xf32> to vector<1x64x128xf32>
    tpu.vector_store %arg2[%swap3A_656, %swap3A_657, %swap3A_658], %swap3A_661 {strides = array<i32>} : memref<200x64x128xf32, #tpu.memory_space<vmem>>, vector<1x64x128xf32>,
    %get3A_662 = arith.constant 37 : index
    %get3A_663 = arith.constant 0 : index
    %get3A_664 = tpu.strided_load %arg1[%get3A_662, %get3A_663] {strides = array<i32: 100, 1>} : memref<12800x128xf32, #tpu.memory_space<vmem>>, vector<128x128xf32>
    %transpose3A_665 = tpu.transpose %get3A_664, [1, 0] : vector<128x128xf32> -> vector<128x128xf32>
    %slice3A_666 = vector.extract_strided_slice %transpose3A_665 {offsets = [0, 0], sizes = [64, 128], strides = [1, 1]} : vector<128x128xf32> to vector<64x128xf32>
    %swap3A_667 = arith.constant 74 : index
    %swap3A_668 = arith.constant 0 : index
    %swap3A_669 = arith.constant 0 : index
    %swap3A_670 = vector.load %arg2[%swap3A_667, %swap3A_668, %swap3A_669] : memref<200x64x128xf32, #tpu.memory_space<vmem>>, vector<1x64x128xf32>
    %swap3A_671 = vector.shape_cast %swap3A_670 : vector<1x64x128xf32> to vector<64x128xf32>
    %swap3A_672 = vector.shape_cast %slice3A_666 : vector<64x128xf32> to vector<1x64x128xf32>
    tpu.vector_store %arg2[%swap3A_667, %swap3A_668, %swap3A_669], %swap3A_672 {strides = array<i32>} : memref<200x64x128xf32, #tpu.memory_space<vmem>>, vector<1x64x128xf32>,
    %slice3A_673 = vector.extract_strided_slice %transpose3A_665 {offsets = [64, 0], sizes = [64, 128], strides = [1, 1]} : vector<128x128xf32> to vector<64x128xf32>
    %swap3A_674 = arith.constant 75 : index
    %swap3A_675 = arith.constant 0 : index
    %swap3A_676 = arith.constant 0 : index
    %swap3A_677 = vector.load %arg2[%swap3A_674, %swap3A_675, %swap3A_676] : memref<200x64x128xf32, #tpu.memory_space<vmem>>, vector<1x64x128xf32>
    %swap3A_678 = vector.shape_cast %swap3A_677 : vector<1x64x128xf32> to vector<64x128xf32>
    %swap3A_679 = vector.shape_cast %slice3A_673 : vector<64x128xf32> to vector<1x64x128xf32>
    tpu.vector_store %arg2[%swap3A_674, %swap3A_675, %swap3A_676], %swap3A_679 {strides = array<i32>} : memref<200x64x128xf32, #tpu.memory_space<vmem>>, vector<1x64x128xf32>,
    %get3A_680 = arith.constant 38 : index
    %get3A_681 = arith.constant 0 : index
    %get3A_682 = tpu.strided_load %arg1[%get3A_680, %get3A_681] {strides = array<i32: 100, 1>} : memref<12800x128xf32, #tpu.memory_space<vmem>>, vector<128x128xf32>
    %transpose3A_683 = tpu.transpose %get3A_682, [1, 0] : vector<128x128xf32> -> vector<128x128xf32>
    %slice3A_684 = vector.extract_strided_slice %transpose3A_683 {offsets = [0, 0], sizes = [64, 128], strides = [1, 1]} : vector<128x128xf32> to vector<64x128xf32>
    %swap3A_685 = arith.constant 76 : index
    %swap3A_686 = arith.constant 0 : index
    %swap3A_687 = arith.constant 0 : index
    %swap3A_688 = vector.load %arg2[%swap3A_685, %swap3A_686, %swap3A_687] : memref<200x64x128xf32, #tpu.memory_space<vmem>>, vector<1x64x128xf32>
    %swap3A_689 = vector.shape_cast %swap3A_688 : vector<1x64x128xf32> to vector<64x128xf32>
    %swap3A_690 = vector.shape_cast %slice3A_684 : vector<64x128xf32> to vector<1x64x128xf32>
    tpu.vector_store %arg2[%swap3A_685, %swap3A_686, %swap3A_687], %swap3A_690 {strides = array<i32>} : memref<200x64x128xf32, #tpu.memory_space<vmem>>, vector<1x64x128xf32>,
    %slice3A_691 = vector.extract_strided_slice %transpose3A_683 {offsets = [64, 0], sizes = [64, 128], strides = [1, 1]} : vector<128x128xf32> to vector<64x128xf32>
    %swap3A_692 = arith.constant 77 : index
    %swap3A_693 = arith.constant 0 : index
    %swap3A_694 = arith.constant 0 : index
    %swap3A_695 = vector.load %arg2[%swap3A_692, %swap3A_693, %swap3A_694] : memref<200x64x128xf32, #tpu.memory_space<vmem>>, vector<1x64x128xf32>
    %swap3A_696 = vector.shape_cast %swap3A_695 : vector<1x64x128xf32> to vector<64x128xf32>
    %swap3A_697 = vector.shape_cast %slice3A_691 : vector<64x128xf32> to vector<1x64x128xf32>
    tpu.vector_store %arg2[%swap3A_692, %swap3A_693, %swap3A_694], %swap3A_697 {strides = array<i32>} : memref<200x64x128xf32, #tpu.memory_space<vmem>>, vector<1x64x128xf32>,
    %get3A_698 = arith.constant 39 : index
    %get3A_699 = arith.constant 0 : index
    %get3A_700 = tpu.strided_load %arg1[%get3A_698, %get3A_699] {strides = array<i32: 100, 1>} : memref<12800x128xf32, #tpu.memory_space<vmem>>, vector<128x128xf32>
    %transpose3A_701 = tpu.transpose %get3A_700, [1, 0] : vector<128x128xf32> -> vector<128x128xf32>
    %slice3A_702 = vector.extract_strided_slice %transpose3A_701 {offsets = [0, 0], sizes = [64, 128], strides = [1, 1]} : vector<128x128xf32> to vector<64x128xf32>
    %swap3A_703 = arith.constant 78 : index
    %swap3A_704 = arith.constant 0 : index
    %swap3A_705 = arith.constant 0 : index
    %swap3A_706 = vector.load %arg2[%swap3A_703, %swap3A_704, %swap3A_705] : memref<200x64x128xf32, #tpu.memory_space<vmem>>, vector<1x64x128xf32>
    %swap3A_707 = vector.shape_cast %swap3A_706 : vector<1x64x128xf32> to vector<64x128xf32>
    %swap3A_708 = vector.shape_cast %slice3A_702 : vector<64x128xf32> to vector<1x64x128xf32>
    tpu.vector_store %arg2[%swap3A_703, %swap3A_704, %swap3A_705], %swap3A_708 {strides = array<i32>} : memref<200x64x128xf32, #tpu.memory_space<vmem>>, vector<1x64x128xf32>,
    %slice3A_709 = vector.extract_strided_slice %transpose3A_701 {offsets = [64, 0], sizes = [64, 128], strides = [1, 1]} : vector<128x128xf32> to vector<64x128xf32>
    %swap3A_710 = arith.constant 79 : index
    %swap3A_711 = arith.constant 0 : index
    %swap3A_712 = arith.constant 0 : index
    %swap3A_713 = vector.load %arg2[%swap3A_710, %swap3A_711, %swap3A_712] : memref<200x64x128xf32, #tpu.memory_space<vmem>>, vector<1x64x128xf32>
    %swap3A_714 = vector.shape_cast %swap3A_713 : vector<1x64x128xf32> to vector<64x128xf32>
    %swap3A_715 = vector.shape_cast %slice3A_709 : vector<64x128xf32> to vector<1x64x128xf32>
    tpu.vector_store %arg2[%swap3A_710, %swap3A_711, %swap3A_712], %swap3A_715 {strides = array<i32>} : memref<200x64x128xf32, #tpu.memory_space<vmem>>, vector<1x64x128xf32>,
    %get3A_716 = arith.constant 40 : index
    %get3A_717 = arith.constant 0 : index
    %get3A_718 = tpu.strided_load %arg1[%get3A_716, %get3A_717] {strides = array<i32: 100, 1>} : memref<12800x128xf32, #tpu.memory_space<vmem>>, vector<128x128xf32>
    %transpose3A_719 = tpu.transpose %get3A_718, [1, 0] : vector<128x128xf32> -> vector<128x128xf32>
    %slice3A_720 = vector.extract_strided_slice %transpose3A_719 {offsets = [0, 0], sizes = [64, 128], strides = [1, 1]} : vector<128x128xf32> to vector<64x128xf32>
    %swap3A_721 = arith.constant 80 : index
    %swap3A_722 = arith.constant 0 : index
    %swap3A_723 = arith.constant 0 : index
    %swap3A_724 = vector.load %arg2[%swap3A_721, %swap3A_722, %swap3A_723] : memref<200x64x128xf32, #tpu.memory_space<vmem>>, vector<1x64x128xf32>
    %swap3A_725 = vector.shape_cast %swap3A_724 : vector<1x64x128xf32> to vector<64x128xf32>
    %swap3A_726 = vector.shape_cast %slice3A_720 : vector<64x128xf32> to vector<1x64x128xf32>
    tpu.vector_store %arg2[%swap3A_721, %swap3A_722, %swap3A_723], %swap3A_726 {strides = array<i32>} : memref<200x64x128xf32, #tpu.memory_space<vmem>>, vector<1x64x128xf32>,
    %slice3A_727 = vector.extract_strided_slice %transpose3A_719 {offsets = [64, 0], sizes = [64, 128], strides = [1, 1]} : vector<128x128xf32> to vector<64x128xf32>
    %swap3A_728 = arith.constant 81 : index
    %swap3A_729 = arith.constant 0 : index
    %swap3A_730 = arith.constant 0 : index
    %swap3A_731 = vector.load %arg2[%swap3A_728, %swap3A_729, %swap3A_730] : memref<200x64x128xf32, #tpu.memory_space<vmem>>, vector<1x64x128xf32>
    %swap3A_732 = vector.shape_cast %swap3A_731 : vector<1x64x128xf32> to vector<64x128xf32>
    %swap3A_733 = vector.shape_cast %slice3A_727 : vector<64x128xf32> to vector<1x64x128xf32>
    tpu.vector_store %arg2[%swap3A_728, %swap3A_729, %swap3A_730], %swap3A_733 {strides = array<i32>} : memref<200x64x128xf32, #tpu.memory_space<vmem>>, vector<1x64x128xf32>,
    %get3A_734 = arith.constant 41 : index
    %get3A_735 = arith.constant 0 : index
    %get3A_736 = tpu.strided_load %arg1[%get3A_734, %get3A_735] {strides = array<i32: 100, 1>} : memref<12800x128xf32, #tpu.memory_space<vmem>>, vector<128x128xf32>
    %transpose3A_737 = tpu.transpose %get3A_736, [1, 0] : vector<128x128xf32> -> vector<128x128xf32>
    %slice3A_738 = vector.extract_strided_slice %transpose3A_737 {offsets = [0, 0], sizes = [64, 128], strides = [1, 1]} : vector<128x128xf32> to vector<64x128xf32>
    %swap3A_739 = arith.constant 82 : index
    %swap3A_740 = arith.constant 0 : index
    %swap3A_741 = arith.constant 0 : index
    %swap3A_742 = vector.load %arg2[%swap3A_739, %swap3A_740, %swap3A_741] : memref<200x64x128xf32, #tpu.memory_space<vmem>>, vector<1x64x128xf32>
    %swap3A_743 = vector.shape_cast %swap3A_742 : vector<1x64x128xf32> to vector<64x128xf32>
    %swap3A_744 = vector.shape_cast %slice3A_738 : vector<64x128xf32> to vector<1x64x128xf32>
    tpu.vector_store %arg2[%swap3A_739, %swap3A_740, %swap3A_741], %swap3A_744 {strides = array<i32>} : memref<200x64x128xf32, #tpu.memory_space<vmem>>, vector<1x64x128xf32>,
    %slice3A_745 = vector.extract_strided_slice %transpose3A_737 {offsets = [64, 0], sizes = [64, 128], strides = [1, 1]} : vector<128x128xf32> to vector<64x128xf32>
    %swap3A_746 = arith.constant 83 : index
    %swap3A_747 = arith.constant 0 : index
    %swap3A_748 = arith.constant 0 : index
    %swap3A_749 = vector.load %arg2[%swap3A_746, %swap3A_747, %swap3A_748] : memref<200x64x128xf32, #tpu.memory_space<vmem>>, vector<1x64x128xf32>
    %swap3A_750 = vector.shape_cast %swap3A_749 : vector<1x64x128xf32> to vector<64x128xf32>
    %swap3A_751 = vector.shape_cast %slice3A_745 : vector<64x128xf32> to vector<1x64x128xf32>
    tpu.vector_store %arg2[%swap3A_746, %swap3A_747, %swap3A_748], %swap3A_751 {strides = array<i32>} : memref<200x64x128xf32, #tpu.memory_space<vmem>>, vector<1x64x128xf32>,
    %get3A_752 = arith.constant 42 : index
    %get3A_753 = arith.constant 0 : index
    %get3A_754 = tpu.strided_load %arg1[%get3A_752, %get3A_753] {strides = array<i32: 100, 1>} : memref<12800x128xf32, #tpu.memory_space<vmem>>, vector<128x128xf32>
    %transpose3A_755 = tpu.transpose %get3A_754, [1, 0] : vector<128x128xf32> -> vector<128x128xf32>
    %slice3A_756 = vector.extract_strided_slice %transpose3A_755 {offsets = [0, 0], sizes = [64, 128], strides = [1, 1]} : vector<128x128xf32> to vector<64x128xf32>
    %swap3A_757 = arith.constant 84 : index
    %swap3A_758 = arith.constant 0 : index
    %swap3A_759 = arith.constant 0 : index
    %swap3A_760 = vector.load %arg2[%swap3A_757, %swap3A_758, %swap3A_759] : memref<200x64x128xf32, #tpu.memory_space<vmem>>, vector<1x64x128xf32>
    %swap3A_761 = vector.shape_cast %swap3A_760 : vector<1x64x128xf32> to vector<64x128xf32>
    %swap3A_762 = vector.shape_cast %slice3A_756 : vector<64x128xf32> to vector<1x64x128xf32>
    tpu.vector_store %arg2[%swap3A_757, %swap3A_758, %swap3A_759], %swap3A_762 {strides = array<i32>} : memref<200x64x128xf32, #tpu.memory_space<vmem>>, vector<1x64x128xf32>,
    %slice3A_763 = vector.extract_strided_slice %transpose3A_755 {offsets = [64, 0], sizes = [64, 128], strides = [1, 1]} : vector<128x128xf32> to vector<64x128xf32>
    %swap3A_764 = arith.constant 85 : index
    %swap3A_765 = arith.constant 0 : index
    %swap3A_766 = arith.constant 0 : index
    %swap3A_767 = vector.load %arg2[%swap3A_764, %swap3A_765, %swap3A_766] : memref<200x64x128xf32, #tpu.memory_space<vmem>>, vector<1x64x128xf32>
    %swap3A_768 = vector.shape_cast %swap3A_767 : vector<1x64x128xf32> to vector<64x128xf32>
    %swap3A_769 = vector.shape_cast %slice3A_763 : vector<64x128xf32> to vector<1x64x128xf32>
    tpu.vector_store %arg2[%swap3A_764, %swap3A_765, %swap3A_766], %swap3A_769 {strides = array<i32>} : memref<200x64x128xf32, #tpu.memory_space<vmem>>, vector<1x64x128xf32>,
    %get3A_770 = arith.constant 43 : index
    %get3A_771 = arith.constant 0 : index
    %get3A_772 = tpu.strided_load %arg1[%get3A_770, %get3A_771] {strides = array<i32: 100, 1>} : memref<12800x128xf32, #tpu.memory_space<vmem>>, vector<128x128xf32>
    %transpose3A_773 = tpu.transpose %get3A_772, [1, 0] : vector<128x128xf32> -> vector<128x128xf32>
    %slice3A_774 = vector.extract_strided_slice %transpose3A_773 {offsets = [0, 0], sizes = [64, 128], strides = [1, 1]} : vector<128x128xf32> to vector<64x128xf32>
    %swap3A_775 = arith.constant 86 : index
    %swap3A_776 = arith.constant 0 : index
    %swap3A_777 = arith.constant 0 : index
    %swap3A_778 = vector.load %arg2[%swap3A_775, %swap3A_776, %swap3A_777] : memref<200x64x128xf32, #tpu.memory_space<vmem>>, vector<1x64x128xf32>
    %swap3A_779 = vector.shape_cast %swap3A_778 : vector<1x64x128xf32> to vector<64x128xf32>
    %swap3A_780 = vector.shape_cast %slice3A_774 : vector<64x128xf32> to vector<1x64x128xf32>
    tpu.vector_store %arg2[%swap3A_775, %swap3A_776, %swap3A_777], %swap3A_780 {strides = array<i32>} : memref<200x64x128xf32, #tpu.memory_space<vmem>>, vector<1x64x128xf32>,
    %slice3A_781 = vector.extract_strided_slice %transpose3A_773 {offsets = [64, 0], sizes = [64, 128], strides = [1, 1]} : vector<128x128xf32> to vector<64x128xf32>
    %swap3A_782 = arith.constant 87 : index
    %swap3A_783 = arith.constant 0 : index
    %swap3A_784 = arith.constant 0 : index
    %swap3A_785 = vector.load %arg2[%swap3A_782, %swap3A_783, %swap3A_784] : memref<200x64x128xf32, #tpu.memory_space<vmem>>, vector<1x64x128xf32>
    %swap3A_786 = vector.shape_cast %swap3A_785 : vector<1x64x128xf32> to vector<64x128xf32>
    %swap3A_787 = vector.shape_cast %slice3A_781 : vector<64x128xf32> to vector<1x64x128xf32>
    tpu.vector_store %arg2[%swap3A_782, %swap3A_783, %swap3A_784], %swap3A_787 {strides = array<i32>} : memref<200x64x128xf32, #tpu.memory_space<vmem>>, vector<1x64x128xf32>,
    %get3A_788 = arith.constant 44 : index
    %get3A_789 = arith.constant 0 : index
    %get3A_790 = tpu.strided_load %arg1[%get3A_788, %get3A_789] {strides = array<i32: 100, 1>} : memref<12800x128xf32, #tpu.memory_space<vmem>>, vector<128x128xf32>
    %transpose3A_791 = tpu.transpose %get3A_790, [1, 0] : vector<128x128xf32> -> vector<128x128xf32>
    %slice3A_792 = vector.extract_strided_slice %transpose3A_791 {offsets = [0, 0], sizes = [64, 128], strides = [1, 1]} : vector<128x128xf32> to vector<64x128xf32>
    %swap3A_793 = arith.constant 88 : index
    %swap3A_794 = arith.constant 0 : index
    %swap3A_795 = arith.constant 0 : index
    %swap3A_796 = vector.load %arg2[%swap3A_793, %swap3A_794, %swap3A_795] : memref<200x64x128xf32, #tpu.memory_space<vmem>>, vector<1x64x128xf32>
    %swap3A_797 = vector.shape_cast %swap3A_796 : vector<1x64x128xf32> to vector<64x128xf32>
    %swap3A_798 = vector.shape_cast %slice3A_792 : vector<64x128xf32> to vector<1x64x128xf32>
    tpu.vector_store %arg2[%swap3A_793, %swap3A_794, %swap3A_795], %swap3A_798 {strides = array<i32>} : memref<200x64x128xf32, #tpu.memory_space<vmem>>, vector<1x64x128xf32>,
    %slice3A_799 = vector.extract_strided_slice %transpose3A_791 {offsets = [64, 0], sizes = [64, 128], strides = [1, 1]} : vector<128x128xf32> to vector<64x128xf32>
    %swap3A_800 = arith.constant 89 : index
    %swap3A_801 = arith.constant 0 : index
    %swap3A_802 = arith.constant 0 : index
    %swap3A_803 = vector.load %arg2[%swap3A_800, %swap3A_801, %swap3A_802] : memref<200x64x128xf32, #tpu.memory_space<vmem>>, vector<1x64x128xf32>
    %swap3A_804 = vector.shape_cast %swap3A_803 : vector<1x64x128xf32> to vector<64x128xf32>
    %swap3A_805 = vector.shape_cast %slice3A_799 : vector<64x128xf32> to vector<1x64x128xf32>
    tpu.vector_store %arg2[%swap3A_800, %swap3A_801, %swap3A_802], %swap3A_805 {strides = array<i32>} : memref<200x64x128xf32, #tpu.memory_space<vmem>>, vector<1x64x128xf32>,
    %get3A_806 = arith.constant 45 : index
    %get3A_807 = arith.constant 0 : index
    %get3A_808 = tpu.strided_load %arg1[%get3A_806, %get3A_807] {strides = array<i32: 100, 1>} : memref<12800x128xf32, #tpu.memory_space<vmem>>, vector<128x128xf32>
    %transpose3A_809 = tpu.transpose %get3A_808, [1, 0] : vector<128x128xf32> -> vector<128x128xf32>
    %slice3A_810 = vector.extract_strided_slice %transpose3A_809 {offsets = [0, 0], sizes = [64, 128], strides = [1, 1]} : vector<128x128xf32> to vector<64x128xf32>
    %swap3A_811 = arith.constant 90 : index
    %swap3A_812 = arith.constant 0 : index
    %swap3A_813 = arith.constant 0 : index
    %swap3A_814 = vector.load %arg2[%swap3A_811, %swap3A_812, %swap3A_813] : memref<200x64x128xf32, #tpu.memory_space<vmem>>, vector<1x64x128xf32>
    %swap3A_815 = vector.shape_cast %swap3A_814 : vector<1x64x128xf32> to vector<64x128xf32>
    %swap3A_816 = vector.shape_cast %slice3A_810 : vector<64x128xf32> to vector<1x64x128xf32>
    tpu.vector_store %arg2[%swap3A_811, %swap3A_812, %swap3A_813], %swap3A_816 {strides = array<i32>} : memref<200x64x128xf32, #tpu.memory_space<vmem>>, vector<1x64x128xf32>,
    %slice3A_817 = vector.extract_strided_slice %transpose3A_809 {offsets = [64, 0], sizes = [64, 128], strides = [1, 1]} : vector<128x128xf32> to vector<64x128xf32>
    %swap3A_818 = arith.constant 91 : index
    %swap3A_819 = arith.constant 0 : index
    %swap3A_820 = arith.constant 0 : index
    %swap3A_821 = vector.load %arg2[%swap3A_818, %swap3A_819, %swap3A_820] : memref<200x64x128xf32, #tpu.memory_space<vmem>>, vector<1x64x128xf32>
    %swap3A_822 = vector.shape_cast %swap3A_821 : vector<1x64x128xf32> to vector<64x128xf32>
    %swap3A_823 = vector.shape_cast %slice3A_817 : vector<64x128xf32> to vector<1x64x128xf32>
    tpu.vector_store %arg2[%swap3A_818, %swap3A_819, %swap3A_820], %swap3A_823 {strides = array<i32>} : memref<200x64x128xf32, #tpu.memory_space<vmem>>, vector<1x64x128xf32>,
    %get3A_824 = arith.constant 46 : index
    %get3A_825 = arith.constant 0 : index
    %get3A_826 = tpu.strided_load %arg1[%get3A_824, %get3A_825] {strides = array<i32: 100, 1>} : memref<12800x128xf32, #tpu.memory_space<vmem>>, vector<128x128xf32>
    %transpose3A_827 = tpu.transpose %get3A_826, [1, 0] : vector<128x128xf32> -> vector<128x128xf32>
    %slice3A_828 = vector.extract_strided_slice %transpose3A_827 {offsets = [0, 0], sizes = [64, 128], strides = [1, 1]} : vector<128x128xf32> to vector<64x128xf32>
    %swap3A_829 = arith.constant 92 : index
    %swap3A_830 = arith.constant 0 : index
    %swap3A_831 = arith.constant 0 : index
    %swap3A_832 = vector.load %arg2[%swap3A_829, %swap3A_830, %swap3A_831] : memref<200x64x128xf32, #tpu.memory_space<vmem>>, vector<1x64x128xf32>
    %swap3A_833 = vector.shape_cast %swap3A_832 : vector<1x64x128xf32> to vector<64x128xf32>
    %swap3A_834 = vector.shape_cast %slice3A_828 : vector<64x128xf32> to vector<1x64x128xf32>
    tpu.vector_store %arg2[%swap3A_829, %swap3A_830, %swap3A_831], %swap3A_834 {strides = array<i32>} : memref<200x64x128xf32, #tpu.memory_space<vmem>>, vector<1x64x128xf32>,
    %slice3A_835 = vector.extract_strided_slice %transpose3A_827 {offsets = [64, 0], sizes = [64, 128], strides = [1, 1]} : vector<128x128xf32> to vector<64x128xf32>
    %swap3A_836 = arith.constant 93 : index
    %swap3A_837 = arith.constant 0 : index
    %swap3A_838 = arith.constant 0 : index
    %swap3A_839 = vector.load %arg2[%swap3A_836, %swap3A_837, %swap3A_838] : memref<200x64x128xf32, #tpu.memory_space<vmem>>, vector<1x64x128xf32>
    %swap3A_840 = vector.shape_cast %swap3A_839 : vector<1x64x128xf32> to vector<64x128xf32>
    %swap3A_841 = vector.shape_cast %slice3A_835 : vector<64x128xf32> to vector<1x64x128xf32>
    tpu.vector_store %arg2[%swap3A_836, %swap3A_837, %swap3A_838], %swap3A_841 {strides = array<i32>} : memref<200x64x128xf32, #tpu.memory_space<vmem>>, vector<1x64x128xf32>,
    %get3A_842 = arith.constant 47 : index
    %get3A_843 = arith.constant 0 : index
    %get3A_844 = tpu.strided_load %arg1[%get3A_842, %get3A_843] {strides = array<i32: 100, 1>} : memref<12800x128xf32, #tpu.memory_space<vmem>>, vector<128x128xf32>
    %transpose3A_845 = tpu.transpose %get3A_844, [1, 0] : vector<128x128xf32> -> vector<128x128xf32>
    %slice3A_846 = vector.extract_strided_slice %transpose3A_845 {offsets = [0, 0], sizes = [64, 128], strides = [1, 1]} : vector<128x128xf32> to vector<64x128xf32>
    %swap3A_847 = arith.constant 94 : index
    %swap3A_848 = arith.constant 0 : index
    %swap3A_849 = arith.constant 0 : index
    %swap3A_850 = vector.load %arg2[%swap3A_847, %swap3A_848, %swap3A_849] : memref<200x64x128xf32, #tpu.memory_space<vmem>>, vector<1x64x128xf32>
    %swap3A_851 = vector.shape_cast %swap3A_850 : vector<1x64x128xf32> to vector<64x128xf32>
    %swap3A_852 = vector.shape_cast %slice3A_846 : vector<64x128xf32> to vector<1x64x128xf32>
    tpu.vector_store %arg2[%swap3A_847, %swap3A_848, %swap3A_849], %swap3A_852 {strides = array<i32>} : memref<200x64x128xf32, #tpu.memory_space<vmem>>, vector<1x64x128xf32>,
    %slice3A_853 = vector.extract_strided_slice %transpose3A_845 {offsets = [64, 0], sizes = [64, 128], strides = [1, 1]} : vector<128x128xf32> to vector<64x128xf32>
    %swap3A_854 = arith.constant 95 : index
    %swap3A_855 = arith.constant 0 : index
    %swap3A_856 = arith.constant 0 : index
    %swap3A_857 = vector.load %arg2[%swap3A_854, %swap3A_855, %swap3A_856] : memref<200x64x128xf32, #tpu.memory_space<vmem>>, vector<1x64x128xf32>
    %swap3A_858 = vector.shape_cast %swap3A_857 : vector<1x64x128xf32> to vector<64x128xf32>
    %swap3A_859 = vector.shape_cast %slice3A_853 : vector<64x128xf32> to vector<1x64x128xf32>
    tpu.vector_store %arg2[%swap3A_854, %swap3A_855, %swap3A_856], %swap3A_859 {strides = array<i32>} : memref<200x64x128xf32, #tpu.memory_space<vmem>>, vector<1x64x128xf32>,
    %get3A_860 = arith.constant 48 : index
    %get3A_861 = arith.constant 0 : index
    %get3A_862 = tpu.strided_load %arg1[%get3A_860, %get3A_861] {strides = array<i32: 100, 1>} : memref<12800x128xf32, #tpu.memory_space<vmem>>, vector<128x128xf32>
    %transpose3A_863 = tpu.transpose %get3A_862, [1, 0] : vector<128x128xf32> -> vector<128x128xf32>
    %slice3A_864 = vector.extract_strided_slice %transpose3A_863 {offsets = [0, 0], sizes = [64, 128], strides = [1, 1]} : vector<128x128xf32> to vector<64x128xf32>
    %swap3A_865 = arith.constant 96 : index
    %swap3A_866 = arith.constant 0 : index
    %swap3A_867 = arith.constant 0 : index
    %swap3A_868 = vector.load %arg2[%swap3A_865, %swap3A_866, %swap3A_867] : memref<200x64x128xf32, #tpu.memory_space<vmem>>, vector<1x64x128xf32>
    %swap3A_869 = vector.shape_cast %swap3A_868 : vector<1x64x128xf32> to vector<64x128xf32>
    %swap3A_870 = vector.shape_cast %slice3A_864 : vector<64x128xf32> to vector<1x64x128xf32>
    tpu.vector_store %arg2[%swap3A_865, %swap3A_866, %swap3A_867], %swap3A_870 {strides = array<i32>} : memref<200x64x128xf32, #tpu.memory_space<vmem>>, vector<1x64x128xf32>,
    %slice3A_871 = vector.extract_strided_slice %transpose3A_863 {offsets = [64, 0], sizes = [64, 128], strides = [1, 1]} : vector<128x128xf32> to vector<64x128xf32>
    %swap3A_872 = arith.constant 97 : index
    %swap3A_873 = arith.constant 0 : index
    %swap3A_874 = arith.constant 0 : index
    %swap3A_875 = vector.load %arg2[%swap3A_872, %swap3A_873, %swap3A_874] : memref<200x64x128xf32, #tpu.memory_space<vmem>>, vector<1x64x128xf32>
    %swap3A_876 = vector.shape_cast %swap3A_875 : vector<1x64x128xf32> to vector<64x128xf32>
    %swap3A_877 = vector.shape_cast %slice3A_871 : vector<64x128xf32> to vector<1x64x128xf32>
    tpu.vector_store %arg2[%swap3A_872, %swap3A_873, %swap3A_874], %swap3A_877 {strides = array<i32>} : memref<200x64x128xf32, #tpu.memory_space<vmem>>, vector<1x64x128xf32>,
    %get3A_878 = arith.constant 49 : index
    %get3A_879 = arith.constant 0 : index
    %get3A_880 = tpu.strided_load %arg1[%get3A_878, %get3A_879] {strides = array<i32: 100, 1>} : memref<12800x128xf32, #tpu.memory_space<vmem>>, vector<128x128xf32>
    %transpose3A_881 = tpu.transpose %get3A_880, [1, 0] : vector<128x128xf32> -> vector<128x128xf32>
    %slice3A_882 = vector.extract_strided_slice %transpose3A_881 {offsets = [0, 0], sizes = [64, 128], strides = [1, 1]} : vector<128x128xf32> to vector<64x128xf32>
    %swap3A_883 = arith.constant 98 : index
    %swap3A_884 = arith.constant 0 : index
    %swap3A_885 = arith.constant 0 : index
    %swap3A_886 = vector.load %arg2[%swap3A_883, %swap3A_884, %swap3A_885] : memref<200x64x128xf32, #tpu.memory_space<vmem>>, vector<1x64x128xf32>
    %swap3A_887 = vector.shape_cast %swap3A_886 : vector<1x64x128xf32> to vector<64x128xf32>
    %swap3A_888 = vector.shape_cast %slice3A_882 : vector<64x128xf32> to vector<1x64x128xf32>
    tpu.vector_store %arg2[%swap3A_883, %swap3A_884, %swap3A_885], %swap3A_888 {strides = array<i32>} : memref<200x64x128xf32, #tpu.memory_space<vmem>>, vector<1x64x128xf32>,
    %slice3A_889 = vector.extract_strided_slice %transpose3A_881 {offsets = [64, 0], sizes = [64, 128], strides = [1, 1]} : vector<128x128xf32> to vector<64x128xf32>
    %swap3A_890 = arith.constant 99 : index
    %swap3A_891 = arith.constant 0 : index
    %swap3A_892 = arith.constant 0 : index
    %swap3A_893 = vector.load %arg2[%swap3A_890, %swap3A_891, %swap3A_892] : memref<200x64x128xf32, #tpu.memory_space<vmem>>, vector<1x64x128xf32>
    %swap3A_894 = vector.shape_cast %swap3A_893 : vector<1x64x128xf32> to vector<64x128xf32>
    %swap3A_895 = vector.shape_cast %slice3A_889 : vector<64x128xf32> to vector<1x64x128xf32>
    tpu.vector_store %arg2[%swap3A_890, %swap3A_891, %swap3A_892], %swap3A_895 {strides = array<i32>} : memref<200x64x128xf32, #tpu.memory_space<vmem>>, vector<1x64x128xf32>,
    %get3A_896 = arith.constant 50 : index
    %get3A_897 = arith.constant 0 : index
    %get3A_898 = tpu.strided_load %arg1[%get3A_896, %get3A_897] {strides = array<i32: 100, 1>} : memref<12800x128xf32, #tpu.memory_space<vmem>>, vector<128x128xf32>
    %transpose3A_899 = tpu.transpose %get3A_898, [1, 0] : vector<128x128xf32> -> vector<128x128xf32>
    %slice3A_900 = vector.extract_strided_slice %transpose3A_899 {offsets = [0, 0], sizes = [64, 128], strides = [1, 1]} : vector<128x128xf32> to vector<64x128xf32>
    %swap3A_901 = arith.constant 100 : index
    %swap3A_902 = arith.constant 0 : index
    %swap3A_903 = arith.constant 0 : index
    %swap3A_904 = vector.load %arg2[%swap3A_901, %swap3A_902, %swap3A_903] : memref<200x64x128xf32, #tpu.memory_space<vmem>>, vector<1x64x128xf32>
    %swap3A_905 = vector.shape_cast %swap3A_904 : vector<1x64x128xf32> to vector<64x128xf32>
    %swap3A_906 = vector.shape_cast %slice3A_900 : vector<64x128xf32> to vector<1x64x128xf32>
    tpu.vector_store %arg2[%swap3A_901, %swap3A_902, %swap3A_903], %swap3A_906 {strides = array<i32>} : memref<200x64x128xf32, #tpu.memory_space<vmem>>, vector<1x64x128xf32>,
    %slice3A_907 = vector.extract_strided_slice %transpose3A_899 {offsets = [64, 0], sizes = [64, 128], strides = [1, 1]} : vector<128x128xf32> to vector<64x128xf32>
    %swap3A_908 = arith.constant 101 : index
    %swap3A_909 = arith.constant 0 : index
    %swap3A_910 = arith.constant 0 : index
    %swap3A_911 = vector.load %arg2[%swap3A_908, %swap3A_909, %swap3A_910] : memref<200x64x128xf32, #tpu.memory_space<vmem>>, vector<1x64x128xf32>
    %swap3A_912 = vector.shape_cast %swap3A_911 : vector<1x64x128xf32> to vector<64x128xf32>
    %swap3A_913 = vector.shape_cast %slice3A_907 : vector<64x128xf32> to vector<1x64x128xf32>
    tpu.vector_store %arg2[%swap3A_908, %swap3A_909, %swap3A_910], %swap3A_913 {strides = array<i32>} : memref<200x64x128xf32, #tpu.memory_space<vmem>>, vector<1x64x128xf32>,
    %get3A_914 = arith.constant 51 : index
    %get3A_915 = arith.constant 0 : index
    %get3A_916 = tpu.strided_load %arg1[%get3A_914, %get3A_915] {strides = array<i32: 100, 1>} : memref<12800x128xf32, #tpu.memory_space<vmem>>, vector<128x128xf32>
    %transpose3A_917 = tpu.transpose %get3A_916, [1, 0] : vector<128x128xf32> -> vector<128x128xf32>
    %slice3A_918 = vector.extract_strided_slice %transpose3A_917 {offsets = [0, 0], sizes = [64, 128], strides = [1, 1]} : vector<128x128xf32> to vector<64x128xf32>
    %swap3A_919 = arith.constant 102 : index
    %swap3A_920 = arith.constant 0 : index
    %swap3A_921 = arith.constant 0 : index
    %swap3A_922 = vector.load %arg2[%swap3A_919, %swap3A_920, %swap3A_921] : memref<200x64x128xf32, #tpu.memory_space<vmem>>, vector<1x64x128xf32>
    %swap3A_923 = vector.shape_cast %swap3A_922 : vector<1x64x128xf32> to vector<64x128xf32>
    %swap3A_924 = vector.shape_cast %slice3A_918 : vector<64x128xf32> to vector<1x64x128xf32>
    tpu.vector_store %arg2[%swap3A_919, %swap3A_920, %swap3A_921], %swap3A_924 {strides = array<i32>} : memref<200x64x128xf32, #tpu.memory_space<vmem>>, vector<1x64x128xf32>,
    %slice3A_925 = vector.extract_strided_slice %transpose3A_917 {offsets = [64, 0], sizes = [64, 128], strides = [1, 1]} : vector<128x128xf32> to vector<64x128xf32>
    %swap3A_926 = arith.constant 103 : index
    %swap3A_927 = arith.constant 0 : index
    %swap3A_928 = arith.constant 0 : index
    %swap3A_929 = vector.load %arg2[%swap3A_926, %swap3A_927, %swap3A_928] : memref<200x64x128xf32, #tpu.memory_space<vmem>>, vector<1x64x128xf32>
    %swap3A_930 = vector.shape_cast %swap3A_929 : vector<1x64x128xf32> to vector<64x128xf32>
    %swap3A_931 = vector.shape_cast %slice3A_925 : vector<64x128xf32> to vector<1x64x128xf32>
    tpu.vector_store %arg2[%swap3A_926, %swap3A_927, %swap3A_928], %swap3A_931 {strides = array<i32>} : memref<200x64x128xf32, #tpu.memory_space<vmem>>, vector<1x64x128xf32>,
    %get3A_932 = arith.constant 52 : index
    %get3A_933 = arith.constant 0 : index
    %get3A_934 = tpu.strided_load %arg1[%get3A_932, %get3A_933] {strides = array<i32: 100, 1>} : memref<12800x128xf32, #tpu.memory_space<vmem>>, vector<128x128xf32>
    %transpose3A_935 = tpu.transpose %get3A_934, [1, 0] : vector<128x128xf32> -> vector<128x128xf32>
    %slice3A_936 = vector.extract_strided_slice %transpose3A_935 {offsets = [0, 0], sizes = [64, 128], strides = [1, 1]} : vector<128x128xf32> to vector<64x128xf32>
    %swap3A_937 = arith.constant 104 : index
    %swap3A_938 = arith.constant 0 : index
    %swap3A_939 = arith.constant 0 : index
    %swap3A_940 = vector.load %arg2[%swap3A_937, %swap3A_938, %swap3A_939] : memref<200x64x128xf32, #tpu.memory_space<vmem>>, vector<1x64x128xf32>
    %swap3A_941 = vector.shape_cast %swap3A_940 : vector<1x64x128xf32> to vector<64x128xf32>
    %swap3A_942 = vector.shape_cast %slice3A_936 : vector<64x128xf32> to vector<1x64x128xf32>
    tpu.vector_store %arg2[%swap3A_937, %swap3A_938, %swap3A_939], %swap3A_942 {strides = array<i32>} : memref<200x64x128xf32, #tpu.memory_space<vmem>>, vector<1x64x128xf32>,
    %slice3A_943 = vector.extract_strided_slice %transpose3A_935 {offsets = [64, 0], sizes = [64, 128], strides = [1, 1]} : vector<128x128xf32> to vector<64x128xf32>
    %swap3A_944 = arith.constant 105 : index
    %swap3A_945 = arith.constant 0 : index
    %swap3A_946 = arith.constant 0 : index
    %swap3A_947 = vector.load %arg2[%swap3A_944, %swap3A_945, %swap3A_946] : memref<200x64x128xf32, #tpu.memory_space<vmem>>, vector<1x64x128xf32>
    %swap3A_948 = vector.shape_cast %swap3A_947 : vector<1x64x128xf32> to vector<64x128xf32>
    %swap3A_949 = vector.shape_cast %slice3A_943 : vector<64x128xf32> to vector<1x64x128xf32>
    tpu.vector_store %arg2[%swap3A_944, %swap3A_945, %swap3A_946], %swap3A_949 {strides = array<i32>} : memref<200x64x128xf32, #tpu.memory_space<vmem>>, vector<1x64x128xf32>,
    %get3A_950 = arith.constant 53 : index
    %get3A_951 = arith.constant 0 : index
    %get3A_952 = tpu.strided_load %arg1[%get3A_950, %get3A_951] {strides = array<i32: 100, 1>} : memref<12800x128xf32, #tpu.memory_space<vmem>>, vector<128x128xf32>
    %transpose3A_953 = tpu.transpose %get3A_952, [1, 0] : vector<128x128xf32> -> vector<128x128xf32>
    %slice3A_954 = vector.extract_strided_slice %transpose3A_953 {offsets = [0, 0], sizes = [64, 128], strides = [1, 1]} : vector<128x128xf32> to vector<64x128xf32>
    %swap3A_955 = arith.constant 106 : index
    %swap3A_956 = arith.constant 0 : index
    %swap3A_957 = arith.constant 0 : index
    %swap3A_958 = vector.load %arg2[%swap3A_955, %swap3A_956, %swap3A_957] : memref<200x64x128xf32, #tpu.memory_space<vmem>>, vector<1x64x128xf32>
    %swap3A_959 = vector.shape_cast %swap3A_958 : vector<1x64x128xf32> to vector<64x128xf32>
    %swap3A_960 = vector.shape_cast %slice3A_954 : vector<64x128xf32> to vector<1x64x128xf32>
    tpu.vector_store %arg2[%swap3A_955, %swap3A_956, %swap3A_957], %swap3A_960 {strides = array<i32>} : memref<200x64x128xf32, #tpu.memory_space<vmem>>, vector<1x64x128xf32>,
    %slice3A_961 = vector.extract_strided_slice %transpose3A_953 {offsets = [64, 0], sizes = [64, 128], strides = [1, 1]} : vector<128x128xf32> to vector<64x128xf32>
    %swap3A_962 = arith.constant 107 : index
    %swap3A_963 = arith.constant 0 : index
    %swap3A_964 = arith.constant 0 : index
    %swap3A_965 = vector.load %arg2[%swap3A_962, %swap3A_963, %swap3A_964] : memref<200x64x128xf32, #tpu.memory_space<vmem>>, vector<1x64x128xf32>
    %swap3A_966 = vector.shape_cast %swap3A_965 : vector<1x64x128xf32> to vector<64x128xf32>
    %swap3A_967 = vector.shape_cast %slice3A_961 : vector<64x128xf32> to vector<1x64x128xf32>
    tpu.vector_store %arg2[%swap3A_962, %swap3A_963, %swap3A_964], %swap3A_967 {strides = array<i32>} : memref<200x64x128xf32, #tpu.memory_space<vmem>>, vector<1x64x128xf32>,
    %get3A_968 = arith.constant 54 : index
    %get3A_969 = arith.constant 0 : index
    %get3A_970 = tpu.strided_load %arg1[%get3A_968, %get3A_969] {strides = array<i32: 100, 1>} : memref<12800x128xf32, #tpu.memory_space<vmem>>, vector<128x128xf32>
    %transpose3A_971 = tpu.transpose %get3A_970, [1, 0] : vector<128x128xf32> -> vector<128x128xf32>
    %slice3A_972 = vector.extract_strided_slice %transpose3A_971 {offsets = [0, 0], sizes = [64, 128], strides = [1, 1]} : vector<128x128xf32> to vector<64x128xf32>
    %swap3A_973 = arith.constant 108 : index
    %swap3A_974 = arith.constant 0 : index
    %swap3A_975 = arith.constant 0 : index
    %swap3A_976 = vector.load %arg2[%swap3A_973, %swap3A_974, %swap3A_975] : memref<200x64x128xf32, #tpu.memory_space<vmem>>, vector<1x64x128xf32>
    %swap3A_977 = vector.shape_cast %swap3A_976 : vector<1x64x128xf32> to vector<64x128xf32>
    %swap3A_978 = vector.shape_cast %slice3A_972 : vector<64x128xf32> to vector<1x64x128xf32>
    tpu.vector_store %arg2[%swap3A_973, %swap3A_974, %swap3A_975], %swap3A_978 {strides = array<i32>} : memref<200x64x128xf32, #tpu.memory_space<vmem>>, vector<1x64x128xf32>,
    %slice3A_979 = vector.extract_strided_slice %transpose3A_971 {offsets = [64, 0], sizes = [64, 128], strides = [1, 1]} : vector<128x128xf32> to vector<64x128xf32>
    %swap3A_980 = arith.constant 109 : index
    %swap3A_981 = arith.constant 0 : index
    %swap3A_982 = arith.constant 0 : index
    %swap3A_983 = vector.load %arg2[%swap3A_980, %swap3A_981, %swap3A_982] : memref<200x64x128xf32, #tpu.memory_space<vmem>>, vector<1x64x128xf32>
    %swap3A_984 = vector.shape_cast %swap3A_983 : vector<1x64x128xf32> to vector<64x128xf32>
    %swap3A_985 = vector.shape_cast %slice3A_979 : vector<64x128xf32> to vector<1x64x128xf32>
    tpu.vector_store %arg2[%swap3A_980, %swap3A_981, %swap3A_982], %swap3A_985 {strides = array<i32>} : memref<200x64x128xf32, #tpu.memory_space<vmem>>, vector<1x64x128xf32>,
    %get3A_986 = arith.constant 55 : index
    %get3A_987 = arith.constant 0 : index
    %get3A_988 = tpu.strided_load %arg1[%get3A_986, %get3A_987] {strides = array<i32: 100, 1>} : memref<12800x128xf32, #tpu.memory_space<vmem>>, vector<128x128xf32>
    %transpose3A_989 = tpu.transpose %get3A_988, [1, 0] : vector<128x128xf32> -> vector<128x128xf32>
    %slice3A_990 = vector.extract_strided_slice %transpose3A_989 {offsets = [0, 0], sizes = [64, 128], strides = [1, 1]} : vector<128x128xf32> to vector<64x128xf32>
    %swap3A_991 = arith.constant 110 : index
    %swap3A_992 = arith.constant 0 : index
    %swap3A_993 = arith.constant 0 : index
    %swap3A_994 = vector.load %arg2[%swap3A_991, %swap3A_992, %swap3A_993] : memref<200x64x128xf32, #tpu.memory_space<vmem>>, vector<1x64x128xf32>
    %swap3A_995 = vector.shape_cast %swap3A_994 : vector<1x64x128xf32> to vector<64x128xf32>
    %swap3A_996 = vector.shape_cast %slice3A_990 : vector<64x128xf32> to vector<1x64x128xf32>
    tpu.vector_store %arg2[%swap3A_991, %swap3A_992, %swap3A_993], %swap3A_996 {strides = array<i32>} : memref<200x64x128xf32, #tpu.memory_space<vmem>>, vector<1x64x128xf32>,
    %slice3A_997 = vector.extract_strided_slice %transpose3A_989 {offsets = [64, 0], sizes = [64, 128], strides = [1, 1]} : vector<128x128xf32> to vector<64x128xf32>
    %swap3A_998 = arith.constant 111 : index
    %swap3A_999 = arith.constant 0 : index
    %swap3A_1000 = arith.constant 0 : index
    %swap3A_1001 = vector.load %arg2[%swap3A_998, %swap3A_999, %swap3A_1000] : memref<200x64x128xf32, #tpu.memory_space<vmem>>, vector<1x64x128xf32>
    %swap3A_1002 = vector.shape_cast %swap3A_1001 : vector<1x64x128xf32> to vector<64x128xf32>
    %swap3A_1003 = vector.shape_cast %slice3A_997 : vector<64x128xf32> to vector<1x64x128xf32>
    tpu.vector_store %arg2[%swap3A_998, %swap3A_999, %swap3A_1000], %swap3A_1003 {strides = array<i32>} : memref<200x64x128xf32, #tpu.memory_space<vmem>>, vector<1x64x128xf32>,
    %get3A_1004 = arith.constant 56 : index
    %get3A_1005 = arith.constant 0 : index
    %get3A_1006 = tpu.strided_load %arg1[%get3A_1004, %get3A_1005] {strides = array<i32: 100, 1>} : memref<12800x128xf32, #tpu.memory_space<vmem>>, vector<128x128xf32>
    %transpose3A_1007 = tpu.transpose %get3A_1006, [1, 0] : vector<128x128xf32> -> vector<128x128xf32>
    %slice3A_1008 = vector.extract_strided_slice %transpose3A_1007 {offsets = [0, 0], sizes = [64, 128], strides = [1, 1]} : vector<128x128xf32> to vector<64x128xf32>
    %swap3A_1009 = arith.constant 112 : index
    %swap3A_1010 = arith.constant 0 : index
    %swap3A_1011 = arith.constant 0 : index
    %swap3A_1012 = vector.load %arg2[%swap3A_1009, %swap3A_1010, %swap3A_1011] : memref<200x64x128xf32, #tpu.memory_space<vmem>>, vector<1x64x128xf32>
    %swap3A_1013 = vector.shape_cast %swap3A_1012 : vector<1x64x128xf32> to vector<64x128xf32>
    %swap3A_1014 = vector.shape_cast %slice3A_1008 : vector<64x128xf32> to vector<1x64x128xf32>
    tpu.vector_store %arg2[%swap3A_1009, %swap3A_1010, %swap3A_1011], %swap3A_1014 {strides = array<i32>} : memref<200x64x128xf32, #tpu.memory_space<vmem>>, vector<1x64x128xf32>,
    %slice3A_1015 = vector.extract_strided_slice %transpose3A_1007 {offsets = [64, 0], sizes = [64, 128], strides = [1, 1]} : vector<128x128xf32> to vector<64x128xf32>
    %swap3A_1016 = arith.constant 113 : index
    %swap3A_1017 = arith.constant 0 : index
    %swap3A_1018 = arith.constant 0 : index
    %swap3A_1019 = vector.load %arg2[%swap3A_1016, %swap3A_1017, %swap3A_1018] : memref<200x64x128xf32, #tpu.memory_space<vmem>>, vector<1x64x128xf32>
    %swap3A_1020 = vector.shape_cast %swap3A_1019 : vector<1x64x128xf32> to vector<64x128xf32>
    %swap3A_1021 = vector.shape_cast %slice3A_1015 : vector<64x128xf32> to vector<1x64x128xf32>
    tpu.vector_store %arg2[%swap3A_1016, %swap3A_1017, %swap3A_1018], %swap3A_1021 {strides = array<i32>} : memref<200x64x128xf32, #tpu.memory_space<vmem>>, vector<1x64x128xf32>,
    %get3A_1022 = arith.constant 57 : index
    %get3A_1023 = arith.constant 0 : index
    %get3A_1024 = tpu.strided_load %arg1[%get3A_1022, %get3A_1023] {strides = array<i32: 100, 1>} : memref<12800x128xf32, #tpu.memory_space<vmem>>, vector<128x128xf32>
    %transpose3A_1025 = tpu.transpose %get3A_1024, [1, 0] : vector<128x128xf32> -> vector<128x128xf32>
    %slice3A_1026 = vector.extract_strided_slice %transpose3A_1025 {offsets = [0, 0], sizes = [64, 128], strides = [1, 1]} : vector<128x128xf32> to vector<64x128xf32>
    %swap3A_1027 = arith.constant 114 : index
    %swap3A_1028 = arith.constant 0 : index
    %swap3A_1029 = arith.constant 0 : index
    %swap3A_1030 = vector.load %arg2[%swap3A_1027, %swap3A_1028, %swap3A_1029] : memref<200x64x128xf32, #tpu.memory_space<vmem>>, vector<1x64x128xf32>
    %swap3A_1031 = vector.shape_cast %swap3A_1030 : vector<1x64x128xf32> to vector<64x128xf32>
    %swap3A_1032 = vector.shape_cast %slice3A_1026 : vector<64x128xf32> to vector<1x64x128xf32>
    tpu.vector_store %arg2[%swap3A_1027, %swap3A_1028, %swap3A_1029], %swap3A_1032 {strides = array<i32>} : memref<200x64x128xf32, #tpu.memory_space<vmem>>, vector<1x64x128xf32>,
    %slice3A_1033 = vector.extract_strided_slice %transpose3A_1025 {offsets = [64, 0], sizes = [64, 128], strides = [1, 1]} : vector<128x128xf32> to vector<64x128xf32>
    %swap3A_1034 = arith.constant 115 : index
    %swap3A_1035 = arith.constant 0 : index
    %swap3A_1036 = arith.constant 0 : index
    %swap3A_1037 = vector.load %arg2[%swap3A_1034, %swap3A_1035, %swap3A_1036] : memref<200x64x128xf32, #tpu.memory_space<vmem>>, vector<1x64x128xf32>
    %swap3A_1038 = vector.shape_cast %swap3A_1037 : vector<1x64x128xf32> to vector<64x128xf32>
    %swap3A_1039 = vector.shape_cast %slice3A_1033 : vector<64x128xf32> to vector<1x64x128xf32>
    tpu.vector_store %arg2[%swap3A_1034, %swap3A_1035, %swap3A_1036], %swap3A_1039 {strides = array<i32>} : memref<200x64x128xf32, #tpu.memory_space<vmem>>, vector<1x64x128xf32>,
    %get3A_1040 = arith.constant 58 : index
    %get3A_1041 = arith.constant 0 : index
    %get3A_1042 = tpu.strided_load %arg1[%get3A_1040, %get3A_1041] {strides = array<i32: 100, 1>} : memref<12800x128xf32, #tpu.memory_space<vmem>>, vector<128x128xf32>
    %transpose3A_1043 = tpu.transpose %get3A_1042, [1, 0] : vector<128x128xf32> -> vector<128x128xf32>
    %slice3A_1044 = vector.extract_strided_slice %transpose3A_1043 {offsets = [0, 0], sizes = [64, 128], strides = [1, 1]} : vector<128x128xf32> to vector<64x128xf32>
    %swap3A_1045 = arith.constant 116 : index
    %swap3A_1046 = arith.constant 0 : index
    %swap3A_1047 = arith.constant 0 : index
    %swap3A_1048 = vector.load %arg2[%swap3A_1045, %swap3A_1046, %swap3A_1047] : memref<200x64x128xf32, #tpu.memory_space<vmem>>, vector<1x64x128xf32>
    %swap3A_1049 = vector.shape_cast %swap3A_1048 : vector<1x64x128xf32> to vector<64x128xf32>
    %swap3A_1050 = vector.shape_cast %slice3A_1044 : vector<64x128xf32> to vector<1x64x128xf32>
    tpu.vector_store %arg2[%swap3A_1045, %swap3A_1046, %swap3A_1047], %swap3A_1050 {strides = array<i32>} : memref<200x64x128xf32, #tpu.memory_space<vmem>>, vector<1x64x128xf32>,
    %slice3A_1051 = vector.extract_strided_slice %transpose3A_1043 {offsets = [64, 0], sizes = [64, 128], strides = [1, 1]} : vector<128x128xf32> to vector<64x128xf32>
    %swap3A_1052 = arith.constant 117 : index
    %swap3A_1053 = arith.constant 0 : index
    %swap3A_1054 = arith.constant 0 : index
    %swap3A_1055 = vector.load %arg2[%swap3A_1052, %swap3A_1053, %swap3A_1054] : memref<200x64x128xf32, #tpu.memory_space<vmem>>, vector<1x64x128xf32>
    %swap3A_1056 = vector.shape_cast %swap3A_1055 : vector<1x64x128xf32> to vector<64x128xf32>
    %swap3A_1057 = vector.shape_cast %slice3A_1051 : vector<64x128xf32> to vector<1x64x128xf32>
    tpu.vector_store %arg2[%swap3A_1052, %swap3A_1053, %swap3A_1054], %swap3A_1057 {strides = array<i32>} : memref<200x64x128xf32, #tpu.memory_space<vmem>>, vector<1x64x128xf32>,
    %get3A_1058 = arith.constant 59 : index
    %get3A_1059 = arith.constant 0 : index
    %get3A_1060 = tpu.strided_load %arg1[%get3A_1058, %get3A_1059] {strides = array<i32: 100, 1>} : memref<12800x128xf32, #tpu.memory_space<vmem>>, vector<128x128xf32>
    %transpose3A_1061 = tpu.transpose %get3A_1060, [1, 0] : vector<128x128xf32> -> vector<128x128xf32>
    %slice3A_1062 = vector.extract_strided_slice %transpose3A_1061 {offsets = [0, 0], sizes = [64, 128], strides = [1, 1]} : vector<128x128xf32> to vector<64x128xf32>
    %swap3A_1063 = arith.constant 118 : index
    %swap3A_1064 = arith.constant 0 : index
    %swap3A_1065 = arith.constant 0 : index
    %swap3A_1066 = vector.load %arg2[%swap3A_1063, %swap3A_1064, %swap3A_1065] : memref<200x64x128xf32, #tpu.memory_space<vmem>>, vector<1x64x128xf32>
    %swap3A_1067 = vector.shape_cast %swap3A_1066 : vector<1x64x128xf32> to vector<64x128xf32>
    %swap3A_1068 = vector.shape_cast %slice3A_1062 : vector<64x128xf32> to vector<1x64x128xf32>
    tpu.vector_store %arg2[%swap3A_1063, %swap3A_1064, %swap3A_1065], %swap3A_1068 {strides = array<i32>} : memref<200x64x128xf32, #tpu.memory_space<vmem>>, vector<1x64x128xf32>,
    %slice3A_1069 = vector.extract_strided_slice %transpose3A_1061 {offsets = [64, 0], sizes = [64, 128], strides = [1, 1]} : vector<128x128xf32> to vector<64x128xf32>
    %swap3A_1070 = arith.constant 119 : index
    %swap3A_1071 = arith.constant 0 : index
    %swap3A_1072 = arith.constant 0 : index
    %swap3A_1073 = vector.load %arg2[%swap3A_1070, %swap3A_1071, %swap3A_1072] : memref<200x64x128xf32, #tpu.memory_space<vmem>>, vector<1x64x128xf32>
    %swap3A_1074 = vector.shape_cast %swap3A_1073 : vector<1x64x128xf32> to vector<64x128xf32>
    %swap3A_1075 = vector.shape_cast %slice3A_1069 : vector<64x128xf32> to vector<1x64x128xf32>
    tpu.vector_store %arg2[%swap3A_1070, %swap3A_1071, %swap3A_1072], %swap3A_1075 {strides = array<i32>} : memref<200x64x128xf32, #tpu.memory_space<vmem>>, vector<1x64x128xf32>,
    %get3A_1076 = arith.constant 60 : index
    %get3A_1077 = arith.constant 0 : index
    %get3A_1078 = tpu.strided_load %arg1[%get3A_1076, %get3A_1077] {strides = array<i32: 100, 1>} : memref<12800x128xf32, #tpu.memory_space<vmem>>, vector<128x128xf32>
    %transpose3A_1079 = tpu.transpose %get3A_1078, [1, 0] : vector<128x128xf32> -> vector<128x128xf32>
    %slice3A_1080 = vector.extract_strided_slice %transpose3A_1079 {offsets = [0, 0], sizes = [64, 128], strides = [1, 1]} : vector<128x128xf32> to vector<64x128xf32>
    %swap3A_1081 = arith.constant 120 : index
    %swap3A_1082 = arith.constant 0 : index
    %swap3A_1083 = arith.constant 0 : index
    %swap3A_1084 = vector.load %arg2[%swap3A_1081, %swap3A_1082, %swap3A_1083] : memref<200x64x128xf32, #tpu.memory_space<vmem>>, vector<1x64x128xf32>
    %swap3A_1085 = vector.shape_cast %swap3A_1084 : vector<1x64x128xf32> to vector<64x128xf32>
    %swap3A_1086 = vector.shape_cast %slice3A_1080 : vector<64x128xf32> to vector<1x64x128xf32>
    tpu.vector_store %arg2[%swap3A_1081, %swap3A_1082, %swap3A_1083], %swap3A_1086 {strides = array<i32>} : memref<200x64x128xf32, #tpu.memory_space<vmem>>, vector<1x64x128xf32>,
    %slice3A_1087 = vector.extract_strided_slice %transpose3A_1079 {offsets = [64, 0], sizes = [64, 128], strides = [1, 1]} : vector<128x128xf32> to vector<64x128xf32>
    %swap3A_1088 = arith.constant 121 : index
    %swap3A_1089 = arith.constant 0 : index
    %swap3A_1090 = arith.constant 0 : index
    %swap3A_1091 = vector.load %arg2[%swap3A_1088, %swap3A_1089, %swap3A_1090] : memref<200x64x128xf32, #tpu.memory_space<vmem>>, vector<1x64x128xf32>
    %swap3A_1092 = vector.shape_cast %swap3A_1091 : vector<1x64x128xf32> to vector<64x128xf32>
    %swap3A_1093 = vector.shape_cast %slice3A_1087 : vector<64x128xf32> to vector<1x64x128xf32>
    tpu.vector_store %arg2[%swap3A_1088, %swap3A_1089, %swap3A_1090], %swap3A_1093 {strides = array<i32>} : memref<200x64x128xf32, #tpu.memory_space<vmem>>, vector<1x64x128xf32>,
    %get3A_1094 = arith.constant 61 : index
    %get3A_1095 = arith.constant 0 : index
    %get3A_1096 = tpu.strided_load %arg1[%get3A_1094, %get3A_1095] {strides = array<i32: 100, 1>} : memref<12800x128xf32, #tpu.memory_space<vmem>>, vector<128x128xf32>
    %transpose3A_1097 = tpu.transpose %get3A_1096, [1, 0] : vector<128x128xf32> -> vector<128x128xf32>
    %slice3A_1098 = vector.extract_strided_slice %transpose3A_1097 {offsets = [0, 0], sizes = [64, 128], strides = [1, 1]} : vector<128x128xf32> to vector<64x128xf32>
    %swap3A_1099 = arith.constant 122 : index
    %swap3A_1100 = arith.constant 0 : index
    %swap3A_1101 = arith.constant 0 : index
    %swap3A_1102 = vector.load %arg2[%swap3A_1099, %swap3A_1100, %swap3A_1101] : memref<200x64x128xf32, #tpu.memory_space<vmem>>, vector<1x64x128xf32>
    %swap3A_1103 = vector.shape_cast %swap3A_1102 : vector<1x64x128xf32> to vector<64x128xf32>
    %swap3A_1104 = vector.shape_cast %slice3A_1098 : vector<64x128xf32> to vector<1x64x128xf32>
    tpu.vector_store %arg2[%swap3A_1099, %swap3A_1100, %swap3A_1101], %swap3A_1104 {strides = array<i32>} : memref<200x64x128xf32, #tpu.memory_space<vmem>>, vector<1x64x128xf32>,
    %slice3A_1105 = vector.extract_strided_slice %transpose3A_1097 {offsets = [64, 0], sizes = [64, 128], strides = [1, 1]} : vector<128x128xf32> to vector<64x128xf32>
    %swap3A_1106 = arith.constant 123 : index
    %swap3A_1107 = arith.constant 0 : index
    %swap3A_1108 = arith.constant 0 : index
    %swap3A_1109 = vector.load %arg2[%swap3A_1106, %swap3A_1107, %swap3A_1108] : memref<200x64x128xf32, #tpu.memory_space<vmem>>, vector<1x64x128xf32>
    %swap3A_1110 = vector.shape_cast %swap3A_1109 : vector<1x64x128xf32> to vector<64x128xf32>
    %swap3A_1111 = vector.shape_cast %slice3A_1105 : vector<64x128xf32> to vector<1x64x128xf32>
    tpu.vector_store %arg2[%swap3A_1106, %swap3A_1107, %swap3A_1108], %swap3A_1111 {strides = array<i32>} : memref<200x64x128xf32, #tpu.memory_space<vmem>>, vector<1x64x128xf32>,
    %get3A_1112 = arith.constant 62 : index
    %get3A_1113 = arith.constant 0 : index
    %get3A_1114 = tpu.strided_load %arg1[%get3A_1112, %get3A_1113] {strides = array<i32: 100, 1>} : memref<12800x128xf32, #tpu.memory_space<vmem>>, vector<128x128xf32>
    %transpose3A_1115 = tpu.transpose %get3A_1114, [1, 0] : vector<128x128xf32> -> vector<128x128xf32>
    %slice3A_1116 = vector.extract_strided_slice %transpose3A_1115 {offsets = [0, 0], sizes = [64, 128], strides = [1, 1]} : vector<128x128xf32> to vector<64x128xf32>
    %swap3A_1117 = arith.constant 124 : index
    %swap3A_1118 = arith.constant 0 : index
    %swap3A_1119 = arith.constant 0 : index
    %swap3A_1120 = vector.load %arg2[%swap3A_1117, %swap3A_1118, %swap3A_1119] : memref<200x64x128xf32, #tpu.memory_space<vmem>>, vector<1x64x128xf32>
    %swap3A_1121 = vector.shape_cast %swap3A_1120 : vector<1x64x128xf32> to vector<64x128xf32>
    %swap3A_1122 = vector.shape_cast %slice3A_1116 : vector<64x128xf32> to vector<1x64x128xf32>
    tpu.vector_store %arg2[%swap3A_1117, %swap3A_1118, %swap3A_1119], %swap3A_1122 {strides = array<i32>} : memref<200x64x128xf32, #tpu.memory_space<vmem>>, vector<1x64x128xf32>,
    %slice3A_1123 = vector.extract_strided_slice %transpose3A_1115 {offsets = [64, 0], sizes = [64, 128], strides = [1, 1]} : vector<128x128xf32> to vector<64x128xf32>
    %swap3A_1124 = arith.constant 125 : index
    %swap3A_1125 = arith.constant 0 : index
    %swap3A_1126 = arith.constant 0 : index
    %swap3A_1127 = vector.load %arg2[%swap3A_1124, %swap3A_1125, %swap3A_1126] : memref<200x64x128xf32, #tpu.memory_space<vmem>>, vector<1x64x128xf32>
    %swap3A_1128 = vector.shape_cast %swap3A_1127 : vector<1x64x128xf32> to vector<64x128xf32>
    %swap3A_1129 = vector.shape_cast %slice3A_1123 : vector<64x128xf32> to vector<1x64x128xf32>
    tpu.vector_store %arg2[%swap3A_1124, %swap3A_1125, %swap3A_1126], %swap3A_1129 {strides = array<i32>} : memref<200x64x128xf32, #tpu.memory_space<vmem>>, vector<1x64x128xf32>,
    %get3A_1130 = arith.constant 63 : index
    %get3A_1131 = arith.constant 0 : index
    %get3A_1132 = tpu.strided_load %arg1[%get3A_1130, %get3A_1131] {strides = array<i32: 100, 1>} : memref<12800x128xf32, #tpu.memory_space<vmem>>, vector<128x128xf32>
    %transpose3A_1133 = tpu.transpose %get3A_1132, [1, 0] : vector<128x128xf32> -> vector<128x128xf32>
    %slice3A_1134 = vector.extract_strided_slice %transpose3A_1133 {offsets = [0, 0], sizes = [64, 128], strides = [1, 1]} : vector<128x128xf32> to vector<64x128xf32>
    %swap3A_1135 = arith.constant 126 : index
    %swap3A_1136 = arith.constant 0 : index
    %swap3A_1137 = arith.constant 0 : index
    %swap3A_1138 = vector.load %arg2[%swap3A_1135, %swap3A_1136, %swap3A_1137] : memref<200x64x128xf32, #tpu.memory_space<vmem>>, vector<1x64x128xf32>
    %swap3A_1139 = vector.shape_cast %swap3A_1138 : vector<1x64x128xf32> to vector<64x128xf32>
    %swap3A_1140 = vector.shape_cast %slice3A_1134 : vector<64x128xf32> to vector<1x64x128xf32>
    tpu.vector_store %arg2[%swap3A_1135, %swap3A_1136, %swap3A_1137], %swap3A_1140 {strides = array<i32>} : memref<200x64x128xf32, #tpu.memory_space<vmem>>, vector<1x64x128xf32>,
    %slice3A_1141 = vector.extract_strided_slice %transpose3A_1133 {offsets = [64, 0], sizes = [64, 128], strides = [1, 1]} : vector<128x128xf32> to vector<64x128xf32>
    %swap3A_1142 = arith.constant 127 : index
    %swap3A_1143 = arith.constant 0 : index
    %swap3A_1144 = arith.constant 0 : index
    %swap3A_1145 = vector.load %arg2[%swap3A_1142, %swap3A_1143, %swap3A_1144] : memref<200x64x128xf32, #tpu.memory_space<vmem>>, vector<1x64x128xf32>
    %swap3A_1146 = vector.shape_cast %swap3A_1145 : vector<1x64x128xf32> to vector<64x128xf32>
    %swap3A_1147 = vector.shape_cast %slice3A_1141 : vector<64x128xf32> to vector<1x64x128xf32>
    tpu.vector_store %arg2[%swap3A_1142, %swap3A_1143, %swap3A_1144], %swap3A_1147 {strides = array<i32>} : memref<200x64x128xf32, #tpu.memory_space<vmem>>, vector<1x64x128xf32>,
    %get3A_1148 = arith.constant 64 : index
    %get3A_1149 = arith.constant 0 : index
    %get3A_1150 = tpu.strided_load %arg1[%get3A_1148, %get3A_1149] {strides = array<i32: 100, 1>} : memref<12800x128xf32, #tpu.memory_space<vmem>>, vector<128x128xf32>
    %transpose3A_1151 = tpu.transpose %get3A_1150, [1, 0] : vector<128x128xf32> -> vector<128x128xf32>
    %slice3A_1152 = vector.extract_strided_slice %transpose3A_1151 {offsets = [0, 0], sizes = [64, 128], strides = [1, 1]} : vector<128x128xf32> to vector<64x128xf32>
    %swap3A_1153 = arith.constant 128 : index
    %swap3A_1154 = arith.constant 0 : index
    %swap3A_1155 = arith.constant 0 : index
    %swap3A_1156 = vector.load %arg2[%swap3A_1153, %swap3A_1154, %swap3A_1155] : memref<200x64x128xf32, #tpu.memory_space<vmem>>, vector<1x64x128xf32>
    %swap3A_1157 = vector.shape_cast %swap3A_1156 : vector<1x64x128xf32> to vector<64x128xf32>
    %swap3A_1158 = vector.shape_cast %slice3A_1152 : vector<64x128xf32> to vector<1x64x128xf32>
    tpu.vector_store %arg2[%swap3A_1153, %swap3A_1154, %swap3A_1155], %swap3A_1158 {strides = array<i32>} : memref<200x64x128xf32, #tpu.memory_space<vmem>>, vector<1x64x128xf32>,
    %slice3A_1159 = vector.extract_strided_slice %transpose3A_1151 {offsets = [64, 0], sizes = [64, 128], strides = [1, 1]} : vector<128x128xf32> to vector<64x128xf32>
    %swap3A_1160 = arith.constant 129 : index
    %swap3A_1161 = arith.constant 0 : index
    %swap3A_1162 = arith.constant 0 : index
    %swap3A_1163 = vector.load %arg2[%swap3A_1160, %swap3A_1161, %swap3A_1162] : memref<200x64x128xf32, #tpu.memory_space<vmem>>, vector<1x64x128xf32>
    %swap3A_1164 = vector.shape_cast %swap3A_1163 : vector<1x64x128xf32> to vector<64x128xf32>
    %swap3A_1165 = vector.shape_cast %slice3A_1159 : vector<64x128xf32> to vector<1x64x128xf32>
    tpu.vector_store %arg2[%swap3A_1160, %swap3A_1161, %swap3A_1162], %swap3A_1165 {strides = array<i32>} : memref<200x64x128xf32, #tpu.memory_space<vmem>>, vector<1x64x128xf32>,
    %get3A_1166 = arith.constant 65 : index
    %get3A_1167 = arith.constant 0 : index
    %get3A_1168 = tpu.strided_load %arg1[%get3A_1166, %get3A_1167] {strides = array<i32: 100, 1>} : memref<12800x128xf32, #tpu.memory_space<vmem>>, vector<128x128xf32>
    %transpose3A_1169 = tpu.transpose %get3A_1168, [1, 0] : vector<128x128xf32> -> vector<128x128xf32>
    %slice3A_1170 = vector.extract_strided_slice %transpose3A_1169 {offsets = [0, 0], sizes = [64, 128], strides = [1, 1]} : vector<128x128xf32> to vector<64x128xf32>
    %swap3A_1171 = arith.constant 130 : index
    %swap3A_1172 = arith.constant 0 : index
    %swap3A_1173 = arith.constant 0 : index
    %swap3A_1174 = vector.load %arg2[%swap3A_1171, %swap3A_1172, %swap3A_1173] : memref<200x64x128xf32, #tpu.memory_space<vmem>>, vector<1x64x128xf32>
    %swap3A_1175 = vector.shape_cast %swap3A_1174 : vector<1x64x128xf32> to vector<64x128xf32>
    %swap3A_1176 = vector.shape_cast %slice3A_1170 : vector<64x128xf32> to vector<1x64x128xf32>
    tpu.vector_store %arg2[%swap3A_1171, %swap3A_1172, %swap3A_1173], %swap3A_1176 {strides = array<i32>} : memref<200x64x128xf32, #tpu.memory_space<vmem>>, vector<1x64x128xf32>,
    %slice3A_1177 = vector.extract_strided_slice %transpose3A_1169 {offsets = [64, 0], sizes = [64, 128], strides = [1, 1]} : vector<128x128xf32> to vector<64x128xf32>
    %swap3A_1178 = arith.constant 131 : index
    %swap3A_1179 = arith.constant 0 : index
    %swap3A_1180 = arith.constant 0 : index
    %swap3A_1181 = vector.load %arg2[%swap3A_1178, %swap3A_1179, %swap3A_1180] : memref<200x64x128xf32, #tpu.memory_space<vmem>>, vector<1x64x128xf32>
    %swap3A_1182 = vector.shape_cast %swap3A_1181 : vector<1x64x128xf32> to vector<64x128xf32>
    %swap3A_1183 = vector.shape_cast %slice3A_1177 : vector<64x128xf32> to vector<1x64x128xf32>
    tpu.vector_store %arg2[%swap3A_1178, %swap3A_1179, %swap3A_1180], %swap3A_1183 {strides = array<i32>} : memref<200x64x128xf32, #tpu.memory_space<vmem>>, vector<1x64x128xf32>,
    %get3A_1184 = arith.constant 66 : index
    %get3A_1185 = arith.constant 0 : index
    %get3A_1186 = tpu.strided_load %arg1[%get3A_1184, %get3A_1185] {strides = array<i32: 100, 1>} : memref<12800x128xf32, #tpu.memory_space<vmem>>, vector<128x128xf32>
    %transpose3A_1187 = tpu.transpose %get3A_1186, [1, 0] : vector<128x128xf32> -> vector<128x128xf32>
    %slice3A_1188 = vector.extract_strided_slice %transpose3A_1187 {offsets = [0, 0], sizes = [64, 128], strides = [1, 1]} : vector<128x128xf32> to vector<64x128xf32>
    %swap3A_1189 = arith.constant 132 : index
    %swap3A_1190 = arith.constant 0 : index
    %swap3A_1191 = arith.constant 0 : index
    %swap3A_1192 = vector.load %arg2[%swap3A_1189, %swap3A_1190, %swap3A_1191] : memref<200x64x128xf32, #tpu.memory_space<vmem>>, vector<1x64x128xf32>
    %swap3A_1193 = vector.shape_cast %swap3A_1192 : vector<1x64x128xf32> to vector<64x128xf32>
    %swap3A_1194 = vector.shape_cast %slice3A_1188 : vector<64x128xf32> to vector<1x64x128xf32>
    tpu.vector_store %arg2[%swap3A_1189, %swap3A_1190, %swap3A_1191], %swap3A_1194 {strides = array<i32>} : memref<200x64x128xf32, #tpu.memory_space<vmem>>, vector<1x64x128xf32>,
    %slice3A_1195 = vector.extract_strided_slice %transpose3A_1187 {offsets = [64, 0], sizes = [64, 128], strides = [1, 1]} : vector<128x128xf32> to vector<64x128xf32>
    %swap3A_1196 = arith.constant 133 : index
    %swap3A_1197 = arith.constant 0 : index
    %swap3A_1198 = arith.constant 0 : index
    %swap3A_1199 = vector.load %arg2[%swap3A_1196, %swap3A_1197, %swap3A_1198] : memref<200x64x128xf32, #tpu.memory_space<vmem>>, vector<1x64x128xf32>
    %swap3A_1200 = vector.shape_cast %swap3A_1199 : vector<1x64x128xf32> to vector<64x128xf32>
    %swap3A_1201 = vector.shape_cast %slice3A_1195 : vector<64x128xf32> to vector<1x64x128xf32>
    tpu.vector_store %arg2[%swap3A_1196, %swap3A_1197, %swap3A_1198], %swap3A_1201 {strides = array<i32>} : memref<200x64x128xf32, #tpu.memory_space<vmem>>, vector<1x64x128xf32>,
    %get3A_1202 = arith.constant 67 : index
    %get3A_1203 = arith.constant 0 : index
    %get3A_1204 = tpu.strided_load %arg1[%get3A_1202, %get3A_1203] {strides = array<i32: 100, 1>} : memref<12800x128xf32, #tpu.memory_space<vmem>>, vector<128x128xf32>
    %transpose3A_1205 = tpu.transpose %get3A_1204, [1, 0] : vector<128x128xf32> -> vector<128x128xf32>
    %slice3A_1206 = vector.extract_strided_slice %transpose3A_1205 {offsets = [0, 0], sizes = [64, 128], strides = [1, 1]} : vector<128x128xf32> to vector<64x128xf32>
    %swap3A_1207 = arith.constant 134 : index
    %swap3A_1208 = arith.constant 0 : index
    %swap3A_1209 = arith.constant 0 : index
    %swap3A_1210 = vector.load %arg2[%swap3A_1207, %swap3A_1208, %swap3A_1209] : memref<200x64x128xf32, #tpu.memory_space<vmem>>, vector<1x64x128xf32>
    %swap3A_1211 = vector.shape_cast %swap3A_1210 : vector<1x64x128xf32> to vector<64x128xf32>
    %swap3A_1212 = vector.shape_cast %slice3A_1206 : vector<64x128xf32> to vector<1x64x128xf32>
    tpu.vector_store %arg2[%swap3A_1207, %swap3A_1208, %swap3A_1209], %swap3A_1212 {strides = array<i32>} : memref<200x64x128xf32, #tpu.memory_space<vmem>>, vector<1x64x128xf32>,
    %slice3A_1213 = vector.extract_strided_slice %transpose3A_1205 {offsets = [64, 0], sizes = [64, 128], strides = [1, 1]} : vector<128x128xf32> to vector<64x128xf32>
    %swap3A_1214 = arith.constant 135 : index
    %swap3A_1215 = arith.constant 0 : index
    %swap3A_1216 = arith.constant 0 : index
    %swap3A_1217 = vector.load %arg2[%swap3A_1214, %swap3A_1215, %swap3A_1216] : memref<200x64x128xf32, #tpu.memory_space<vmem>>, vector<1x64x128xf32>
    %swap3A_1218 = vector.shape_cast %swap3A_1217 : vector<1x64x128xf32> to vector<64x128xf32>
    %swap3A_1219 = vector.shape_cast %slice3A_1213 : vector<64x128xf32> to vector<1x64x128xf32>
    tpu.vector_store %arg2[%swap3A_1214, %swap3A_1215, %swap3A_1216], %swap3A_1219 {strides = array<i32>} : memref<200x64x128xf32, #tpu.memory_space<vmem>>, vector<1x64x128xf32>,
    %get3A_1220 = arith.constant 68 : index
    %get3A_1221 = arith.constant 0 : index
    %get3A_1222 = tpu.strided_load %arg1[%get3A_1220, %get3A_1221] {strides = array<i32: 100, 1>} : memref<12800x128xf32, #tpu.memory_space<vmem>>, vector<128x128xf32>
    %transpose3A_1223 = tpu.transpose %get3A_1222, [1, 0] : vector<128x128xf32> -> vector<128x128xf32>
    %slice3A_1224 = vector.extract_strided_slice %transpose3A_1223 {offsets = [0, 0], sizes = [64, 128], strides = [1, 1]} : vector<128x128xf32> to vector<64x128xf32>
    %swap3A_1225 = arith.constant 136 : index
    %swap3A_1226 = arith.constant 0 : index
    %swap3A_1227 = arith.constant 0 : index
    %swap3A_1228 = vector.load %arg2[%swap3A_1225, %swap3A_1226, %swap3A_1227] : memref<200x64x128xf32, #tpu.memory_space<vmem>>, vector<1x64x128xf32>
    %swap3A_1229 = vector.shape_cast %swap3A_1228 : vector<1x64x128xf32> to vector<64x128xf32>
    %swap3A_1230 = vector.shape_cast %slice3A_1224 : vector<64x128xf32> to vector<1x64x128xf32>
    tpu.vector_store %arg2[%swap3A_1225, %swap3A_1226, %swap3A_1227], %swap3A_1230 {strides = array<i32>} : memref<200x64x128xf32, #tpu.memory_space<vmem>>, vector<1x64x128xf32>,
    %slice3A_1231 = vector.extract_strided_slice %transpose3A_1223 {offsets = [64, 0], sizes = [64, 128], strides = [1, 1]} : vector<128x128xf32> to vector<64x128xf32>
    %swap3A_1232 = arith.constant 137 : index
    %swap3A_1233 = arith.constant 0 : index
    %swap3A_1234 = arith.constant 0 : index
    %swap3A_1235 = vector.load %arg2[%swap3A_1232, %swap3A_1233, %swap3A_1234] : memref<200x64x128xf32, #tpu.memory_space<vmem>>, vector<1x64x128xf32>
    %swap3A_1236 = vector.shape_cast %swap3A_1235 : vector<1x64x128xf32> to vector<64x128xf32>
    %swap3A_1237 = vector.shape_cast %slice3A_1231 : vector<64x128xf32> to vector<1x64x128xf32>
    tpu.vector_store %arg2[%swap3A_1232, %swap3A_1233, %swap3A_1234], %swap3A_1237 {strides = array<i32>} : memref<200x64x128xf32, #tpu.memory_space<vmem>>, vector<1x64x128xf32>,
    %get3A_1238 = arith.constant 69 : index
    %get3A_1239 = arith.constant 0 : index
    %get3A_1240 = tpu.strided_load %arg1[%get3A_1238, %get3A_1239] {strides = array<i32: 100, 1>} : memref<12800x128xf32, #tpu.memory_space<vmem>>, vector<128x128xf32>
    %transpose3A_1241 = tpu.transpose %get3A_1240, [1, 0] : vector<128x128xf32> -> vector<128x128xf32>
    %slice3A_1242 = vector.extract_strided_slice %transpose3A_1241 {offsets = [0, 0], sizes = [64, 128], strides = [1, 1]} : vector<128x128xf32> to vector<64x128xf32>
    %swap3A_1243 = arith.constant 138 : index
    %swap3A_1244 = arith.constant 0 : index
    %swap3A_1245 = arith.constant 0 : index
    %swap3A_1246 = vector.load %arg2[%swap3A_1243, %swap3A_1244, %swap3A_1245] : memref<200x64x128xf32, #tpu.memory_space<vmem>>, vector<1x64x128xf32>
    %swap3A_1247 = vector.shape_cast %swap3A_1246 : vector<1x64x128xf32> to vector<64x128xf32>
    %swap3A_1248 = vector.shape_cast %slice3A_1242 : vector<64x128xf32> to vector<1x64x128xf32>
    tpu.vector_store %arg2[%swap3A_1243, %swap3A_1244, %swap3A_1245], %swap3A_1248 {strides = array<i32>} : memref<200x64x128xf32, #tpu.memory_space<vmem>>, vector<1x64x128xf32>,
    %slice3A_1249 = vector.extract_strided_slice %transpose3A_1241 {offsets = [64, 0], sizes = [64, 128], strides = [1, 1]} : vector<128x128xf32> to vector<64x128xf32>
    %swap3A_1250 = arith.constant 139 : index
    %swap3A_1251 = arith.constant 0 : index
    %swap3A_1252 = arith.constant 0 : index
    %swap3A_1253 = vector.load %arg2[%swap3A_1250, %swap3A_1251, %swap3A_1252] : memref<200x64x128xf32, #tpu.memory_space<vmem>>, vector<1x64x128xf32>
    %swap3A_1254 = vector.shape_cast %swap3A_1253 : vector<1x64x128xf32> to vector<64x128xf32>
    %swap3A_1255 = vector.shape_cast %slice3A_1249 : vector<64x128xf32> to vector<1x64x128xf32>
    tpu.vector_store %arg2[%swap3A_1250, %swap3A_1251, %swap3A_1252], %swap3A_1255 {strides = array<i32>} : memref<200x64x128xf32, #tpu.memory_space<vmem>>, vector<1x64x128xf32>,
    %get3A_1256 = arith.constant 70 : index
    %get3A_1257 = arith.constant 0 : index
    %get3A_1258 = tpu.strided_load %arg1[%get3A_1256, %get3A_1257] {strides = array<i32: 100, 1>} : memref<12800x128xf32, #tpu.memory_space<vmem>>, vector<128x128xf32>
    %transpose3A_1259 = tpu.transpose %get3A_1258, [1, 0] : vector<128x128xf32> -> vector<128x128xf32>
    %slice3A_1260 = vector.extract_strided_slice %transpose3A_1259 {offsets = [0, 0], sizes = [64, 128], strides = [1, 1]} : vector<128x128xf32> to vector<64x128xf32>
    %swap3A_1261 = arith.constant 140 : index
    %swap3A_1262 = arith.constant 0 : index
    %swap3A_1263 = arith.constant 0 : index
    %swap3A_1264 = vector.load %arg2[%swap3A_1261, %swap3A_1262, %swap3A_1263] : memref<200x64x128xf32, #tpu.memory_space<vmem>>, vector<1x64x128xf32>
    %swap3A_1265 = vector.shape_cast %swap3A_1264 : vector<1x64x128xf32> to vector<64x128xf32>
    %swap3A_1266 = vector.shape_cast %slice3A_1260 : vector<64x128xf32> to vector<1x64x128xf32>
    tpu.vector_store %arg2[%swap3A_1261, %swap3A_1262, %swap3A_1263], %swap3A_1266 {strides = array<i32>} : memref<200x64x128xf32, #tpu.memory_space<vmem>>, vector<1x64x128xf32>,
    %slice3A_1267 = vector.extract_strided_slice %transpose3A_1259 {offsets = [64, 0], sizes = [64, 128], strides = [1, 1]} : vector<128x128xf32> to vector<64x128xf32>
    %swap3A_1268 = arith.constant 141 : index
    %swap3A_1269 = arith.constant 0 : index
    %swap3A_1270 = arith.constant 0 : index
    %swap3A_1271 = vector.load %arg2[%swap3A_1268, %swap3A_1269, %swap3A_1270] : memref<200x64x128xf32, #tpu.memory_space<vmem>>, vector<1x64x128xf32>
    %swap3A_1272 = vector.shape_cast %swap3A_1271 : vector<1x64x128xf32> to vector<64x128xf32>
    %swap3A_1273 = vector.shape_cast %slice3A_1267 : vector<64x128xf32> to vector<1x64x128xf32>
    tpu.vector_store %arg2[%swap3A_1268, %swap3A_1269, %swap3A_1270], %swap3A_1273 {strides = array<i32>} : memref<200x64x128xf32, #tpu.memory_space<vmem>>, vector<1x64x128xf32>,
    %get3A_1274 = arith.constant 71 : index
    %get3A_1275 = arith.constant 0 : index
    %get3A_1276 = tpu.strided_load %arg1[%get3A_1274, %get3A_1275] {strides = array<i32: 100, 1>} : memref<12800x128xf32, #tpu.memory_space<vmem>>, vector<128x128xf32>
    %transpose3A_1277 = tpu.transpose %get3A_1276, [1, 0] : vector<128x128xf32> -> vector<128x128xf32>
    %slice3A_1278 = vector.extract_strided_slice %transpose3A_1277 {offsets = [0, 0], sizes = [64, 128], strides = [1, 1]} : vector<128x128xf32> to vector<64x128xf32>
    %swap3A_1279 = arith.constant 142 : index
    %swap3A_1280 = arith.constant 0 : index
    %swap3A_1281 = arith.constant 0 : index
    %swap3A_1282 = vector.load %arg2[%swap3A_1279, %swap3A_1280, %swap3A_1281] : memref<200x64x128xf32, #tpu.memory_space<vmem>>, vector<1x64x128xf32>
    %swap3A_1283 = vector.shape_cast %swap3A_1282 : vector<1x64x128xf32> to vector<64x128xf32>
    %swap3A_1284 = vector.shape_cast %slice3A_1278 : vector<64x128xf32> to vector<1x64x128xf32>
    tpu.vector_store %arg2[%swap3A_1279, %swap3A_1280, %swap3A_1281], %swap3A_1284 {strides = array<i32>} : memref<200x64x128xf32, #tpu.memory_space<vmem>>, vector<1x64x128xf32>,
    %slice3A_1285 = vector.extract_strided_slice %transpose3A_1277 {offsets = [64, 0], sizes = [64, 128], strides = [1, 1]} : vector<128x128xf32> to vector<64x128xf32>
    %swap3A_1286 = arith.constant 143 : index
    %swap3A_1287 = arith.constant 0 : index
    %swap3A_1288 = arith.constant 0 : index
    %swap3A_1289 = vector.load %arg2[%swap3A_1286, %swap3A_1287, %swap3A_1288] : memref<200x64x128xf32, #tpu.memory_space<vmem>>, vector<1x64x128xf32>
    %swap3A_1290 = vector.shape_cast %swap3A_1289 : vector<1x64x128xf32> to vector<64x128xf32>
    %swap3A_1291 = vector.shape_cast %slice3A_1285 : vector<64x128xf32> to vector<1x64x128xf32>
    tpu.vector_store %arg2[%swap3A_1286, %swap3A_1287, %swap3A_1288], %swap3A_1291 {strides = array<i32>} : memref<200x64x128xf32, #tpu.memory_space<vmem>>, vector<1x64x128xf32>,
    %get3A_1292 = arith.constant 72 : index
    %get3A_1293 = arith.constant 0 : index
    %get3A_1294 = tpu.strided_load %arg1[%get3A_1292, %get3A_1293] {strides = array<i32: 100, 1>} : memref<12800x128xf32, #tpu.memory_space<vmem>>, vector<128x128xf32>
    %transpose3A_1295 = tpu.transpose %get3A_1294, [1, 0] : vector<128x128xf32> -> vector<128x128xf32>
    %slice3A_1296 = vector.extract_strided_slice %transpose3A_1295 {offsets = [0, 0], sizes = [64, 128], strides = [1, 1]} : vector<128x128xf32> to vector<64x128xf32>
    %swap3A_1297 = arith.constant 144 : index
    %swap3A_1298 = arith.constant 0 : index
    %swap3A_1299 = arith.constant 0 : index
    %swap3A_1300 = vector.load %arg2[%swap3A_1297, %swap3A_1298, %swap3A_1299] : memref<200x64x128xf32, #tpu.memory_space<vmem>>, vector<1x64x128xf32>
    %swap3A_1301 = vector.shape_cast %swap3A_1300 : vector<1x64x128xf32> to vector<64x128xf32>
    %swap3A_1302 = vector.shape_cast %slice3A_1296 : vector<64x128xf32> to vector<1x64x128xf32>
    tpu.vector_store %arg2[%swap3A_1297, %swap3A_1298, %swap3A_1299], %swap3A_1302 {strides = array<i32>} : memref<200x64x128xf32, #tpu.memory_space<vmem>>, vector<1x64x128xf32>,
    %slice3A_1303 = vector.extract_strided_slice %transpose3A_1295 {offsets = [64, 0], sizes = [64, 128], strides = [1, 1]} : vector<128x128xf32> to vector<64x128xf32>
    %swap3A_1304 = arith.constant 145 : index
    %swap3A_1305 = arith.constant 0 : index
    %swap3A_1306 = arith.constant 0 : index
    %swap3A_1307 = vector.load %arg2[%swap3A_1304, %swap3A_1305, %swap3A_1306] : memref<200x64x128xf32, #tpu.memory_space<vmem>>, vector<1x64x128xf32>
    %swap3A_1308 = vector.shape_cast %swap3A_1307 : vector<1x64x128xf32> to vector<64x128xf32>
    %swap3A_1309 = vector.shape_cast %slice3A_1303 : vector<64x128xf32> to vector<1x64x128xf32>
    tpu.vector_store %arg2[%swap3A_1304, %swap3A_1305, %swap3A_1306], %swap3A_1309 {strides = array<i32>} : memref<200x64x128xf32, #tpu.memory_space<vmem>>, vector<1x64x128xf32>,
    %get3A_1310 = arith.constant 73 : index
    %get3A_1311 = arith.constant 0 : index
    %get3A_1312 = tpu.strided_load %arg1[%get3A_1310, %get3A_1311] {strides = array<i32: 100, 1>} : memref<12800x128xf32, #tpu.memory_space<vmem>>, vector<128x128xf32>
    %transpose3A_1313 = tpu.transpose %get3A_1312, [1, 0] : vector<128x128xf32> -> vector<128x128xf32>
    %slice3A_1314 = vector.extract_strided_slice %transpose3A_1313 {offsets = [0, 0], sizes = [64, 128], strides = [1, 1]} : vector<128x128xf32> to vector<64x128xf32>
    %swap3A_1315 = arith.constant 146 : index
    %swap3A_1316 = arith.constant 0 : index
    %swap3A_1317 = arith.constant 0 : index
    %swap3A_1318 = vector.load %arg2[%swap3A_1315, %swap3A_1316, %swap3A_1317] : memref<200x64x128xf32, #tpu.memory_space<vmem>>, vector<1x64x128xf32>
    %swap3A_1319 = vector.shape_cast %swap3A_1318 : vector<1x64x128xf32> to vector<64x128xf32>
    %swap3A_1320 = vector.shape_cast %slice3A_1314 : vector<64x128xf32> to vector<1x64x128xf32>
    tpu.vector_store %arg2[%swap3A_1315, %swap3A_1316, %swap3A_1317], %swap3A_1320 {strides = array<i32>} : memref<200x64x128xf32, #tpu.memory_space<vmem>>, vector<1x64x128xf32>,
    %slice3A_1321 = vector.extract_strided_slice %transpose3A_1313 {offsets = [64, 0], sizes = [64, 128], strides = [1, 1]} : vector<128x128xf32> to vector<64x128xf32>
    %swap3A_1322 = arith.constant 147 : index
    %swap3A_1323 = arith.constant 0 : index
    %swap3A_1324 = arith.constant 0 : index
    %swap3A_1325 = vector.load %arg2[%swap3A_1322, %swap3A_1323, %swap3A_1324] : memref<200x64x128xf32, #tpu.memory_space<vmem>>, vector<1x64x128xf32>
    %swap3A_1326 = vector.shape_cast %swap3A_1325 : vector<1x64x128xf32> to vector<64x128xf32>
    %swap3A_1327 = vector.shape_cast %slice3A_1321 : vector<64x128xf32> to vector<1x64x128xf32>
    tpu.vector_store %arg2[%swap3A_1322, %swap3A_1323, %swap3A_1324], %swap3A_1327 {strides = array<i32>} : memref<200x64x128xf32, #tpu.memory_space<vmem>>, vector<1x64x128xf32>,
    %get3A_1328 = arith.constant 74 : index
    %get3A_1329 = arith.constant 0 : index
    %get3A_1330 = tpu.strided_load %arg1[%get3A_1328, %get3A_1329] {strides = array<i32: 100, 1>} : memref<12800x128xf32, #tpu.memory_space<vmem>>, vector<128x128xf32>
    %transpose3A_1331 = tpu.transpose %get3A_1330, [1, 0] : vector<128x128xf32> -> vector<128x128xf32>
    %slice3A_1332 = vector.extract_strided_slice %transpose3A_1331 {offsets = [0, 0], sizes = [64, 128], strides = [1, 1]} : vector<128x128xf32> to vector<64x128xf32>
    %swap3A_1333 = arith.constant 148 : index
    %swap3A_1334 = arith.constant 0 : index
    %swap3A_1335 = arith.constant 0 : index
    %swap3A_1336 = vector.load %arg2[%swap3A_1333, %swap3A_1334, %swap3A_1335] : memref<200x64x128xf32, #tpu.memory_space<vmem>>, vector<1x64x128xf32>
    %swap3A_1337 = vector.shape_cast %swap3A_1336 : vector<1x64x128xf32> to vector<64x128xf32>
    %swap3A_1338 = vector.shape_cast %slice3A_1332 : vector<64x128xf32> to vector<1x64x128xf32>
    tpu.vector_store %arg2[%swap3A_1333, %swap3A_1334, %swap3A_1335], %swap3A_1338 {strides = array<i32>} : memref<200x64x128xf32, #tpu.memory_space<vmem>>, vector<1x64x128xf32>,
    %slice3A_1339 = vector.extract_strided_slice %transpose3A_1331 {offsets = [64, 0], sizes = [64, 128], strides = [1, 1]} : vector<128x128xf32> to vector<64x128xf32>
    %swap3A_1340 = arith.constant 149 : index
    %swap3A_1341 = arith.constant 0 : index
    %swap3A_1342 = arith.constant 0 : index
    %swap3A_1343 = vector.load %arg2[%swap3A_1340, %swap3A_1341, %swap3A_1342] : memref<200x64x128xf32, #tpu.memory_space<vmem>>, vector<1x64x128xf32>
    %swap3A_1344 = vector.shape_cast %swap3A_1343 : vector<1x64x128xf32> to vector<64x128xf32>
    %swap3A_1345 = vector.shape_cast %slice3A_1339 : vector<64x128xf32> to vector<1x64x128xf32>
    tpu.vector_store %arg2[%swap3A_1340, %swap3A_1341, %swap3A_1342], %swap3A_1345 {strides = array<i32>} : memref<200x64x128xf32, #tpu.memory_space<vmem>>, vector<1x64x128xf32>,
    %get3A_1346 = arith.constant 75 : index
    %get3A_1347 = arith.constant 0 : index
    %get3A_1348 = tpu.strided_load %arg1[%get3A_1346, %get3A_1347] {strides = array<i32: 100, 1>} : memref<12800x128xf32, #tpu.memory_space<vmem>>, vector<128x128xf32>
    %transpose3A_1349 = tpu.transpose %get3A_1348, [1, 0] : vector<128x128xf32> -> vector<128x128xf32>
    %slice3A_1350 = vector.extract_strided_slice %transpose3A_1349 {offsets = [0, 0], sizes = [64, 128], strides = [1, 1]} : vector<128x128xf32> to vector<64x128xf32>
    %swap3A_1351 = arith.constant 150 : index
    %swap3A_1352 = arith.constant 0 : index
    %swap3A_1353 = arith.constant 0 : index
    %swap3A_1354 = vector.load %arg2[%swap3A_1351, %swap3A_1352, %swap3A_1353] : memref<200x64x128xf32, #tpu.memory_space<vmem>>, vector<1x64x128xf32>
    %swap3A_1355 = vector.shape_cast %swap3A_1354 : vector<1x64x128xf32> to vector<64x128xf32>
    %swap3A_1356 = vector.shape_cast %slice3A_1350 : vector<64x128xf32> to vector<1x64x128xf32>
    tpu.vector_store %arg2[%swap3A_1351, %swap3A_1352, %swap3A_1353], %swap3A_1356 {strides = array<i32>} : memref<200x64x128xf32, #tpu.memory_space<vmem>>, vector<1x64x128xf32>,
    %slice3A_1357 = vector.extract_strided_slice %transpose3A_1349 {offsets = [64, 0], sizes = [64, 128], strides = [1, 1]} : vector<128x128xf32> to vector<64x128xf32>
    %swap3A_1358 = arith.constant 151 : index
    %swap3A_1359 = arith.constant 0 : index
    %swap3A_1360 = arith.constant 0 : index
    %swap3A_1361 = vector.load %arg2[%swap3A_1358, %swap3A_1359, %swap3A_1360] : memref<200x64x128xf32, #tpu.memory_space<vmem>>, vector<1x64x128xf32>
    %swap3A_1362 = vector.shape_cast %swap3A_1361 : vector<1x64x128xf32> to vector<64x128xf32>
    %swap3A_1363 = vector.shape_cast %slice3A_1357 : vector<64x128xf32> to vector<1x64x128xf32>
    tpu.vector_store %arg2[%swap3A_1358, %swap3A_1359, %swap3A_1360], %swap3A_1363 {strides = array<i32>} : memref<200x64x128xf32, #tpu.memory_space<vmem>>, vector<1x64x128xf32>,
    %get3A_1364 = arith.constant 76 : index
    %get3A_1365 = arith.constant 0 : index
    %get3A_1366 = tpu.strided_load %arg1[%get3A_1364, %get3A_1365] {strides = array<i32: 100, 1>} : memref<12800x128xf32, #tpu.memory_space<vmem>>, vector<128x128xf32>
    %transpose3A_1367 = tpu.transpose %get3A_1366, [1, 0] : vector<128x128xf32> -> vector<128x128xf32>
    %slice3A_1368 = vector.extract_strided_slice %transpose3A_1367 {offsets = [0, 0], sizes = [64, 128], strides = [1, 1]} : vector<128x128xf32> to vector<64x128xf32>
    %swap3A_1369 = arith.constant 152 : index
    %swap3A_1370 = arith.constant 0 : index
    %swap3A_1371 = arith.constant 0 : index
    %swap3A_1372 = vector.load %arg2[%swap3A_1369, %swap3A_1370, %swap3A_1371] : memref<200x64x128xf32, #tpu.memory_space<vmem>>, vector<1x64x128xf32>
    %swap3A_1373 = vector.shape_cast %swap3A_1372 : vector<1x64x128xf32> to vector<64x128xf32>
    %swap3A_1374 = vector.shape_cast %slice3A_1368 : vector<64x128xf32> to vector<1x64x128xf32>
    tpu.vector_store %arg2[%swap3A_1369, %swap3A_1370, %swap3A_1371], %swap3A_1374 {strides = array<i32>} : memref<200x64x128xf32, #tpu.memory_space<vmem>>, vector<1x64x128xf32>,
    %slice3A_1375 = vector.extract_strided_slice %transpose3A_1367 {offsets = [64, 0], sizes = [64, 128], strides = [1, 1]} : vector<128x128xf32> to vector<64x128xf32>
    %swap3A_1376 = arith.constant 153 : index
    %swap3A_1377 = arith.constant 0 : index
    %swap3A_1378 = arith.constant 0 : index
    %swap3A_1379 = vector.load %arg2[%swap3A_1376, %swap3A_1377, %swap3A_1378] : memref<200x64x128xf32, #tpu.memory_space<vmem>>, vector<1x64x128xf32>
    %swap3A_1380 = vector.shape_cast %swap3A_1379 : vector<1x64x128xf32> to vector<64x128xf32>
    %swap3A_1381 = vector.shape_cast %slice3A_1375 : vector<64x128xf32> to vector<1x64x128xf32>
    tpu.vector_store %arg2[%swap3A_1376, %swap3A_1377, %swap3A_1378], %swap3A_1381 {strides = array<i32>} : memref<200x64x128xf32, #tpu.memory_space<vmem>>, vector<1x64x128xf32>,
    %get3A_1382 = arith.constant 77 : index
    %get3A_1383 = arith.constant 0 : index
    %get3A_1384 = tpu.strided_load %arg1[%get3A_1382, %get3A_1383] {strides = array<i32: 100, 1>} : memref<12800x128xf32, #tpu.memory_space<vmem>>, vector<128x128xf32>
    %transpose3A_1385 = tpu.transpose %get3A_1384, [1, 0] : vector<128x128xf32> -> vector<128x128xf32>
    %slice3A_1386 = vector.extract_strided_slice %transpose3A_1385 {offsets = [0, 0], sizes = [64, 128], strides = [1, 1]} : vector<128x128xf32> to vector<64x128xf32>
    %swap3A_1387 = arith.constant 154 : index
    %swap3A_1388 = arith.constant 0 : index
    %swap3A_1389 = arith.constant 0 : index
    %swap3A_1390 = vector.load %arg2[%swap3A_1387, %swap3A_1388, %swap3A_1389] : memref<200x64x128xf32, #tpu.memory_space<vmem>>, vector<1x64x128xf32>
    %swap3A_1391 = vector.shape_cast %swap3A_1390 : vector<1x64x128xf32> to vector<64x128xf32>
    %swap3A_1392 = vector.shape_cast %slice3A_1386 : vector<64x128xf32> to vector<1x64x128xf32>
    tpu.vector_store %arg2[%swap3A_1387, %swap3A_1388, %swap3A_1389], %swap3A_1392 {strides = array<i32>} : memref<200x64x128xf32, #tpu.memory_space<vmem>>, vector<1x64x128xf32>,
    %slice3A_1393 = vector.extract_strided_slice %transpose3A_1385 {offsets = [64, 0], sizes = [64, 128], strides = [1, 1]} : vector<128x128xf32> to vector<64x128xf32>
    %swap3A_1394 = arith.constant 155 : index
    %swap3A_1395 = arith.constant 0 : index
    %swap3A_1396 = arith.constant 0 : index
    %swap3A_1397 = vector.load %arg2[%swap3A_1394, %swap3A_1395, %swap3A_1396] : memref<200x64x128xf32, #tpu.memory_space<vmem>>, vector<1x64x128xf32>
    %swap3A_1398 = vector.shape_cast %swap3A_1397 : vector<1x64x128xf32> to vector<64x128xf32>
    %swap3A_1399 = vector.shape_cast %slice3A_1393 : vector<64x128xf32> to vector<1x64x128xf32>
    tpu.vector_store %arg2[%swap3A_1394, %swap3A_1395, %swap3A_1396], %swap3A_1399 {strides = array<i32>} : memref<200x64x128xf32, #tpu.memory_space<vmem>>, vector<1x64x128xf32>,
    %get3A_1400 = arith.constant 78 : index
    %get3A_1401 = arith.constant 0 : index
    %get3A_1402 = tpu.strided_load %arg1[%get3A_1400, %get3A_1401] {strides = array<i32: 100, 1>} : memref<12800x128xf32, #tpu.memory_space<vmem>>, vector<128x128xf32>
    %transpose3A_1403 = tpu.transpose %get3A_1402, [1, 0] : vector<128x128xf32> -> vector<128x128xf32>
    %slice3A_1404 = vector.extract_strided_slice %transpose3A_1403 {offsets = [0, 0], sizes = [64, 128], strides = [1, 1]} : vector<128x128xf32> to vector<64x128xf32>
    %swap3A_1405 = arith.constant 156 : index
    %swap3A_1406 = arith.constant 0 : index
    %swap3A_1407 = arith.constant 0 : index
    %swap3A_1408 = vector.load %arg2[%swap3A_1405, %swap3A_1406, %swap3A_1407] : memref<200x64x128xf32, #tpu.memory_space<vmem>>, vector<1x64x128xf32>
    %swap3A_1409 = vector.shape_cast %swap3A_1408 : vector<1x64x128xf32> to vector<64x128xf32>
    %swap3A_1410 = vector.shape_cast %slice3A_1404 : vector<64x128xf32> to vector<1x64x128xf32>
    tpu.vector_store %arg2[%swap3A_1405, %swap3A_1406, %swap3A_1407], %swap3A_1410 {strides = array<i32>} : memref<200x64x128xf32, #tpu.memory_space<vmem>>, vector<1x64x128xf32>,
    %slice3A_1411 = vector.extract_strided_slice %transpose3A_1403 {offsets = [64, 0], sizes = [64, 128], strides = [1, 1]} : vector<128x128xf32> to vector<64x128xf32>
    %swap3A_1412 = arith.constant 157 : index
    %swap3A_1413 = arith.constant 0 : index
    %swap3A_1414 = arith.constant 0 : index
    %swap3A_1415 = vector.load %arg2[%swap3A_1412, %swap3A_1413, %swap3A_1414] : memref<200x64x128xf32, #tpu.memory_space<vmem>>, vector<1x64x128xf32>
    %swap3A_1416 = vector.shape_cast %swap3A_1415 : vector<1x64x128xf32> to vector<64x128xf32>
    %swap3A_1417 = vector.shape_cast %slice3A_1411 : vector<64x128xf32> to vector<1x64x128xf32>
    tpu.vector_store %arg2[%swap3A_1412, %swap3A_1413, %swap3A_1414], %swap3A_1417 {strides = array<i32>} : memref<200x64x128xf32, #tpu.memory_space<vmem>>, vector<1x64x128xf32>,
    %get3A_1418 = arith.constant 79 : index
    %get3A_1419 = arith.constant 0 : index
    %get3A_1420 = tpu.strided_load %arg1[%get3A_1418, %get3A_1419] {strides = array<i32: 100, 1>} : memref<12800x128xf32, #tpu.memory_space<vmem>>, vector<128x128xf32>
    %transpose3A_1421 = tpu.transpose %get3A_1420, [1, 0] : vector<128x128xf32> -> vector<128x128xf32>
    %slice3A_1422 = vector.extract_strided_slice %transpose3A_1421 {offsets = [0, 0], sizes = [64, 128], strides = [1, 1]} : vector<128x128xf32> to vector<64x128xf32>
    %swap3A_1423 = arith.constant 158 : index
    %swap3A_1424 = arith.constant 0 : index
    %swap3A_1425 = arith.constant 0 : index
    %swap3A_1426 = vector.load %arg2[%swap3A_1423, %swap3A_1424, %swap3A_1425] : memref<200x64x128xf32, #tpu.memory_space<vmem>>, vector<1x64x128xf32>
    %swap3A_1427 = vector.shape_cast %swap3A_1426 : vector<1x64x128xf32> to vector<64x128xf32>
    %swap3A_1428 = vector.shape_cast %slice3A_1422 : vector<64x128xf32> to vector<1x64x128xf32>
    tpu.vector_store %arg2[%swap3A_1423, %swap3A_1424, %swap3A_1425], %swap3A_1428 {strides = array<i32>} : memref<200x64x128xf32, #tpu.memory_space<vmem>>, vector<1x64x128xf32>,
    %slice3A_1429 = vector.extract_strided_slice %transpose3A_1421 {offsets = [64, 0], sizes = [64, 128], strides = [1, 1]} : vector<128x128xf32> to vector<64x128xf32>
    %swap3A_1430 = arith.constant 159 : index
    %swap3A_1431 = arith.constant 0 : index
    %swap3A_1432 = arith.constant 0 : index
    %swap3A_1433 = vector.load %arg2[%swap3A_1430, %swap3A_1431, %swap3A_1432] : memref<200x64x128xf32, #tpu.memory_space<vmem>>, vector<1x64x128xf32>
    %swap3A_1434 = vector.shape_cast %swap3A_1433 : vector<1x64x128xf32> to vector<64x128xf32>
    %swap3A_1435 = vector.shape_cast %slice3A_1429 : vector<64x128xf32> to vector<1x64x128xf32>
    tpu.vector_store %arg2[%swap3A_1430, %swap3A_1431, %swap3A_1432], %swap3A_1435 {strides = array<i32>} : memref<200x64x128xf32, #tpu.memory_space<vmem>>, vector<1x64x128xf32>,
    %get3A_1436 = arith.constant 80 : index
    %get3A_1437 = arith.constant 0 : index
    %get3A_1438 = tpu.strided_load %arg1[%get3A_1436, %get3A_1437] {strides = array<i32: 100, 1>} : memref<12800x128xf32, #tpu.memory_space<vmem>>, vector<128x128xf32>
    %transpose3A_1439 = tpu.transpose %get3A_1438, [1, 0] : vector<128x128xf32> -> vector<128x128xf32>
    %slice3A_1440 = vector.extract_strided_slice %transpose3A_1439 {offsets = [0, 0], sizes = [64, 128], strides = [1, 1]} : vector<128x128xf32> to vector<64x128xf32>
    %swap3A_1441 = arith.constant 160 : index
    %swap3A_1442 = arith.constant 0 : index
    %swap3A_1443 = arith.constant 0 : index
    %swap3A_1444 = vector.load %arg2[%swap3A_1441, %swap3A_1442, %swap3A_1443] : memref<200x64x128xf32, #tpu.memory_space<vmem>>, vector<1x64x128xf32>
    %swap3A_1445 = vector.shape_cast %swap3A_1444 : vector<1x64x128xf32> to vector<64x128xf32>
    %swap3A_1446 = vector.shape_cast %slice3A_1440 : vector<64x128xf32> to vector<1x64x128xf32>
    tpu.vector_store %arg2[%swap3A_1441, %swap3A_1442, %swap3A_1443], %swap3A_1446 {strides = array<i32>} : memref<200x64x128xf32, #tpu.memory_space<vmem>>, vector<1x64x128xf32>,
    %slice3A_1447 = vector.extract_strided_slice %transpose3A_1439 {offsets = [64, 0], sizes = [64, 128], strides = [1, 1]} : vector<128x128xf32> to vector<64x128xf32>
    %swap3A_1448 = arith.constant 161 : index
    %swap3A_1449 = arith.constant 0 : index
    %swap3A_1450 = arith.constant 0 : index
    %swap3A_1451 = vector.load %arg2[%swap3A_1448, %swap3A_1449, %swap3A_1450] : memref<200x64x128xf32, #tpu.memory_space<vmem>>, vector<1x64x128xf32>
    %swap3A_1452 = vector.shape_cast %swap3A_1451 : vector<1x64x128xf32> to vector<64x128xf32>
    %swap3A_1453 = vector.shape_cast %slice3A_1447 : vector<64x128xf32> to vector<1x64x128xf32>
    tpu.vector_store %arg2[%swap3A_1448, %swap3A_1449, %swap3A_1450], %swap3A_1453 {strides = array<i32>} : memref<200x64x128xf32, #tpu.memory_space<vmem>>, vector<1x64x128xf32>,
    %get3A_1454 = arith.constant 81 : index
    %get3A_1455 = arith.constant 0 : index
    %get3A_1456 = tpu.strided_load %arg1[%get3A_1454, %get3A_1455] {strides = array<i32: 100, 1>} : memref<12800x128xf32, #tpu.memory_space<vmem>>, vector<128x128xf32>
    %transpose3A_1457 = tpu.transpose %get3A_1456, [1, 0] : vector<128x128xf32> -> vector<128x128xf32>
    %slice3A_1458 = vector.extract_strided_slice %transpose3A_1457 {offsets = [0, 0], sizes = [64, 128], strides = [1, 1]} : vector<128x128xf32> to vector<64x128xf32>
    %swap3A_1459 = arith.constant 162 : index
    %swap3A_1460 = arith.constant 0 : index
    %swap3A_1461 = arith.constant 0 : index
    %swap3A_1462 = vector.load %arg2[%swap3A_1459, %swap3A_1460, %swap3A_1461] : memref<200x64x128xf32, #tpu.memory_space<vmem>>, vector<1x64x128xf32>
    %swap3A_1463 = vector.shape_cast %swap3A_1462 : vector<1x64x128xf32> to vector<64x128xf32>
    %swap3A_1464 = vector.shape_cast %slice3A_1458 : vector<64x128xf32> to vector<1x64x128xf32>
    tpu.vector_store %arg2[%swap3A_1459, %swap3A_1460, %swap3A_1461], %swap3A_1464 {strides = array<i32>} : memref<200x64x128xf32, #tpu.memory_space<vmem>>, vector<1x64x128xf32>,
    %slice3A_1465 = vector.extract_strided_slice %transpose3A_1457 {offsets = [64, 0], sizes = [64, 128], strides = [1, 1]} : vector<128x128xf32> to vector<64x128xf32>
    %swap3A_1466 = arith.constant 163 : index
    %swap3A_1467 = arith.constant 0 : index
    %swap3A_1468 = arith.constant 0 : index
    %swap3A_1469 = vector.load %arg2[%swap3A_1466, %swap3A_1467, %swap3A_1468] : memref<200x64x128xf32, #tpu.memory_space<vmem>>, vector<1x64x128xf32>
    %swap3A_1470 = vector.shape_cast %swap3A_1469 : vector<1x64x128xf32> to vector<64x128xf32>
    %swap3A_1471 = vector.shape_cast %slice3A_1465 : vector<64x128xf32> to vector<1x64x128xf32>
    tpu.vector_store %arg2[%swap3A_1466, %swap3A_1467, %swap3A_1468], %swap3A_1471 {strides = array<i32>} : memref<200x64x128xf32, #tpu.memory_space<vmem>>, vector<1x64x128xf32>,
    %get3A_1472 = arith.constant 82 : index
    %get3A_1473 = arith.constant 0 : index
    %get3A_1474 = tpu.strided_load %arg1[%get3A_1472, %get3A_1473] {strides = array<i32: 100, 1>} : memref<12800x128xf32, #tpu.memory_space<vmem>>, vector<128x128xf32>
    %transpose3A_1475 = tpu.transpose %get3A_1474, [1, 0] : vector<128x128xf32> -> vector<128x128xf32>
    %slice3A_1476 = vector.extract_strided_slice %transpose3A_1475 {offsets = [0, 0], sizes = [64, 128], strides = [1, 1]} : vector<128x128xf32> to vector<64x128xf32>
    %swap3A_1477 = arith.constant 164 : index
    %swap3A_1478 = arith.constant 0 : index
    %swap3A_1479 = arith.constant 0 : index
    %swap3A_1480 = vector.load %arg2[%swap3A_1477, %swap3A_1478, %swap3A_1479] : memref<200x64x128xf32, #tpu.memory_space<vmem>>, vector<1x64x128xf32>
    %swap3A_1481 = vector.shape_cast %swap3A_1480 : vector<1x64x128xf32> to vector<64x128xf32>
    %swap3A_1482 = vector.shape_cast %slice3A_1476 : vector<64x128xf32> to vector<1x64x128xf32>
    tpu.vector_store %arg2[%swap3A_1477, %swap3A_1478, %swap3A_1479], %swap3A_1482 {strides = array<i32>} : memref<200x64x128xf32, #tpu.memory_space<vmem>>, vector<1x64x128xf32>,
    %slice3A_1483 = vector.extract_strided_slice %transpose3A_1475 {offsets = [64, 0], sizes = [64, 128], strides = [1, 1]} : vector<128x128xf32> to vector<64x128xf32>
    %swap3A_1484 = arith.constant 165 : index
    %swap3A_1485 = arith.constant 0 : index
    %swap3A_1486 = arith.constant 0 : index
    %swap3A_1487 = vector.load %arg2[%swap3A_1484, %swap3A_1485, %swap3A_1486] : memref<200x64x128xf32, #tpu.memory_space<vmem>>, vector<1x64x128xf32>
    %swap3A_1488 = vector.shape_cast %swap3A_1487 : vector<1x64x128xf32> to vector<64x128xf32>
    %swap3A_1489 = vector.shape_cast %slice3A_1483 : vector<64x128xf32> to vector<1x64x128xf32>
    tpu.vector_store %arg2[%swap3A_1484, %swap3A_1485, %swap3A_1486], %swap3A_1489 {strides = array<i32>} : memref<200x64x128xf32, #tpu.memory_space<vmem>>, vector<1x64x128xf32>,
    %get3A_1490 = arith.constant 83 : index
    %get3A_1491 = arith.constant 0 : index
    %get3A_1492 = tpu.strided_load %arg1[%get3A_1490, %get3A_1491] {strides = array<i32: 100, 1>} : memref<12800x128xf32, #tpu.memory_space<vmem>>, vector<128x128xf32>
    %transpose3A_1493 = tpu.transpose %get3A_1492, [1, 0] : vector<128x128xf32> -> vector<128x128xf32>
    %slice3A_1494 = vector.extract_strided_slice %transpose3A_1493 {offsets = [0, 0], sizes = [64, 128], strides = [1, 1]} : vector<128x128xf32> to vector<64x128xf32>
    %swap3A_1495 = arith.constant 166 : index
    %swap3A_1496 = arith.constant 0 : index
    %swap3A_1497 = arith.constant 0 : index
    %swap3A_1498 = vector.load %arg2[%swap3A_1495, %swap3A_1496, %swap3A_1497] : memref<200x64x128xf32, #tpu.memory_space<vmem>>, vector<1x64x128xf32>
    %swap3A_1499 = vector.shape_cast %swap3A_1498 : vector<1x64x128xf32> to vector<64x128xf32>
    %swap3A_1500 = vector.shape_cast %slice3A_1494 : vector<64x128xf32> to vector<1x64x128xf32>
    tpu.vector_store %arg2[%swap3A_1495, %swap3A_1496, %swap3A_1497], %swap3A_1500 {strides = array<i32>} : memref<200x64x128xf32, #tpu.memory_space<vmem>>, vector<1x64x128xf32>,
    %slice3A_1501 = vector.extract_strided_slice %transpose3A_1493 {offsets = [64, 0], sizes = [64, 128], strides = [1, 1]} : vector<128x128xf32> to vector<64x128xf32>
    %swap3A_1502 = arith.constant 167 : index
    %swap3A_1503 = arith.constant 0 : index
    %swap3A_1504 = arith.constant 0 : index
    %swap3A_1505 = vector.load %arg2[%swap3A_1502, %swap3A_1503, %swap3A_1504] : memref<200x64x128xf32, #tpu.memory_space<vmem>>, vector<1x64x128xf32>
    %swap3A_1506 = vector.shape_cast %swap3A_1505 : vector<1x64x128xf32> to vector<64x128xf32>
    %swap3A_1507 = vector.shape_cast %slice3A_1501 : vector<64x128xf32> to vector<1x64x128xf32>
    tpu.vector_store %arg2[%swap3A_1502, %swap3A_1503, %swap3A_1504], %swap3A_1507 {strides = array<i32>} : memref<200x64x128xf32, #tpu.memory_space<vmem>>, vector<1x64x128xf32>,
    %get3A_1508 = arith.constant 84 : index
    %get3A_1509 = arith.constant 0 : index
    %get3A_1510 = tpu.strided_load %arg1[%get3A_1508, %get3A_1509] {strides = array<i32: 100, 1>} : memref<12800x128xf32, #tpu.memory_space<vmem>>, vector<128x128xf32>
    %transpose3A_1511 = tpu.transpose %get3A_1510, [1, 0] : vector<128x128xf32> -> vector<128x128xf32>
    %slice3A_1512 = vector.extract_strided_slice %transpose3A_1511 {offsets = [0, 0], sizes = [64, 128], strides = [1, 1]} : vector<128x128xf32> to vector<64x128xf32>
    %swap3A_1513 = arith.constant 168 : index
    %swap3A_1514 = arith.constant 0 : index
    %swap3A_1515 = arith.constant 0 : index
    %swap3A_1516 = vector.load %arg2[%swap3A_1513, %swap3A_1514, %swap3A_1515] : memref<200x64x128xf32, #tpu.memory_space<vmem>>, vector<1x64x128xf32>
    %swap3A_1517 = vector.shape_cast %swap3A_1516 : vector<1x64x128xf32> to vector<64x128xf32>
    %swap3A_1518 = vector.shape_cast %slice3A_1512 : vector<64x128xf32> to vector<1x64x128xf32>
    tpu.vector_store %arg2[%swap3A_1513, %swap3A_1514, %swap3A_1515], %swap3A_1518 {strides = array<i32>} : memref<200x64x128xf32, #tpu.memory_space<vmem>>, vector<1x64x128xf32>,
    %slice3A_1519 = vector.extract_strided_slice %transpose3A_1511 {offsets = [64, 0], sizes = [64, 128], strides = [1, 1]} : vector<128x128xf32> to vector<64x128xf32>
    %swap3A_1520 = arith.constant 169 : index
    %swap3A_1521 = arith.constant 0 : index
    %swap3A_1522 = arith.constant 0 : index
    %swap3A_1523 = vector.load %arg2[%swap3A_1520, %swap3A_1521, %swap3A_1522] : memref<200x64x128xf32, #tpu.memory_space<vmem>>, vector<1x64x128xf32>
    %swap3A_1524 = vector.shape_cast %swap3A_1523 : vector<1x64x128xf32> to vector<64x128xf32>
    %swap3A_1525 = vector.shape_cast %slice3A_1519 : vector<64x128xf32> to vector<1x64x128xf32>
    tpu.vector_store %arg2[%swap3A_1520, %swap3A_1521, %swap3A_1522], %swap3A_1525 {strides = array<i32>} : memref<200x64x128xf32, #tpu.memory_space<vmem>>, vector<1x64x128xf32>,
    %get3A_1526 = arith.constant 85 : index
    %get3A_1527 = arith.constant 0 : index
    %get3A_1528 = tpu.strided_load %arg1[%get3A_1526, %get3A_1527] {strides = array<i32: 100, 1>} : memref<12800x128xf32, #tpu.memory_space<vmem>>, vector<128x128xf32>
    %transpose3A_1529 = tpu.transpose %get3A_1528, [1, 0] : vector<128x128xf32> -> vector<128x128xf32>
    %slice3A_1530 = vector.extract_strided_slice %transpose3A_1529 {offsets = [0, 0], sizes = [64, 128], strides = [1, 1]} : vector<128x128xf32> to vector<64x128xf32>
    %swap3A_1531 = arith.constant 170 : index
    %swap3A_1532 = arith.constant 0 : index
    %swap3A_1533 = arith.constant 0 : index
    %swap3A_1534 = vector.load %arg2[%swap3A_1531, %swap3A_1532, %swap3A_1533] : memref<200x64x128xf32, #tpu.memory_space<vmem>>, vector<1x64x128xf32>
    %swap3A_1535 = vector.shape_cast %swap3A_1534 : vector<1x64x128xf32> to vector<64x128xf32>
    %swap3A_1536 = vector.shape_cast %slice3A_1530 : vector<64x128xf32> to vector<1x64x128xf32>
    tpu.vector_store %arg2[%swap3A_1531, %swap3A_1532, %swap3A_1533], %swap3A_1536 {strides = array<i32>} : memref<200x64x128xf32, #tpu.memory_space<vmem>>, vector<1x64x128xf32>,
    %slice3A_1537 = vector.extract_strided_slice %transpose3A_1529 {offsets = [64, 0], sizes = [64, 128], strides = [1, 1]} : vector<128x128xf32> to vector<64x128xf32>
    %swap3A_1538 = arith.constant 171 : index
    %swap3A_1539 = arith.constant 0 : index
    %swap3A_1540 = arith.constant 0 : index
    %swap3A_1541 = vector.load %arg2[%swap3A_1538, %swap3A_1539, %swap3A_1540] : memref<200x64x128xf32, #tpu.memory_space<vmem>>, vector<1x64x128xf32>
    %swap3A_1542 = vector.shape_cast %swap3A_1541 : vector<1x64x128xf32> to vector<64x128xf32>
    %swap3A_1543 = vector.shape_cast %slice3A_1537 : vector<64x128xf32> to vector<1x64x128xf32>
    tpu.vector_store %arg2[%swap3A_1538, %swap3A_1539, %swap3A_1540], %swap3A_1543 {strides = array<i32>} : memref<200x64x128xf32, #tpu.memory_space<vmem>>, vector<1x64x128xf32>,
    %get3A_1544 = arith.constant 86 : index
    %get3A_1545 = arith.constant 0 : index
    %get3A_1546 = tpu.strided_load %arg1[%get3A_1544, %get3A_1545] {strides = array<i32: 100, 1>} : memref<12800x128xf32, #tpu.memory_space<vmem>>, vector<128x128xf32>
    %transpose3A_1547 = tpu.transpose %get3A_1546, [1, 0] : vector<128x128xf32> -> vector<128x128xf32>
    %slice3A_1548 = vector.extract_strided_slice %transpose3A_1547 {offsets = [0, 0], sizes = [64, 128], strides = [1, 1]} : vector<128x128xf32> to vector<64x128xf32>
    %swap3A_1549 = arith.constant 172 : index
    %swap3A_1550 = arith.constant 0 : index
    %swap3A_1551 = arith.constant 0 : index
    %swap3A_1552 = vector.load %arg2[%swap3A_1549, %swap3A_1550, %swap3A_1551] : memref<200x64x128xf32, #tpu.memory_space<vmem>>, vector<1x64x128xf32>
    %swap3A_1553 = vector.shape_cast %swap3A_1552 : vector<1x64x128xf32> to vector<64x128xf32>
    %swap3A_1554 = vector.shape_cast %slice3A_1548 : vector<64x128xf32> to vector<1x64x128xf32>
    tpu.vector_store %arg2[%swap3A_1549, %swap3A_1550, %swap3A_1551], %swap3A_1554 {strides = array<i32>} : memref<200x64x128xf32, #tpu.memory_space<vmem>>, vector<1x64x128xf32>,
    %slice3A_1555 = vector.extract_strided_slice %transpose3A_1547 {offsets = [64, 0], sizes = [64, 128], strides = [1, 1]} : vector<128x128xf32> to vector<64x128xf32>
    %swap3A_1556 = arith.constant 173 : index
    %swap3A_1557 = arith.constant 0 : index
    %swap3A_1558 = arith.constant 0 : index
    %swap3A_1559 = vector.load %arg2[%swap3A_1556, %swap3A_1557, %swap3A_1558] : memref<200x64x128xf32, #tpu.memory_space<vmem>>, vector<1x64x128xf32>
    %swap3A_1560 = vector.shape_cast %swap3A_1559 : vector<1x64x128xf32> to vector<64x128xf32>
    %swap3A_1561 = vector.shape_cast %slice3A_1555 : vector<64x128xf32> to vector<1x64x128xf32>
    tpu.vector_store %arg2[%swap3A_1556, %swap3A_1557, %swap3A_1558], %swap3A_1561 {strides = array<i32>} : memref<200x64x128xf32, #tpu.memory_space<vmem>>, vector<1x64x128xf32>,
    %get3A_1562 = arith.constant 87 : index
    %get3A_1563 = arith.constant 0 : index
    %get3A_1564 = tpu.strided_load %arg1[%get3A_1562, %get3A_1563] {strides = array<i32: 100, 1>} : memref<12800x128xf32, #tpu.memory_space<vmem>>, vector<128x128xf32>
    %transpose3A_1565 = tpu.transpose %get3A_1564, [1, 0] : vector<128x128xf32> -> vector<128x128xf32>
    %slice3A_1566 = vector.extract_strided_slice %transpose3A_1565 {offsets = [0, 0], sizes = [64, 128], strides = [1, 1]} : vector<128x128xf32> to vector<64x128xf32>
    %swap3A_1567 = arith.constant 174 : index
    %swap3A_1568 = arith.constant 0 : index
    %swap3A_1569 = arith.constant 0 : index
    %swap3A_1570 = vector.load %arg2[%swap3A_1567, %swap3A_1568, %swap3A_1569] : memref<200x64x128xf32, #tpu.memory_space<vmem>>, vector<1x64x128xf32>
    %swap3A_1571 = vector.shape_cast %swap3A_1570 : vector<1x64x128xf32> to vector<64x128xf32>
    %swap3A_1572 = vector.shape_cast %slice3A_1566 : vector<64x128xf32> to vector<1x64x128xf32>
    tpu.vector_store %arg2[%swap3A_1567, %swap3A_1568, %swap3A_1569], %swap3A_1572 {strides = array<i32>} : memref<200x64x128xf32, #tpu.memory_space<vmem>>, vector<1x64x128xf32>,
    %slice3A_1573 = vector.extract_strided_slice %transpose3A_1565 {offsets = [64, 0], sizes = [64, 128], strides = [1, 1]} : vector<128x128xf32> to vector<64x128xf32>
    %swap3A_1574 = arith.constant 175 : index
    %swap3A_1575 = arith.constant 0 : index
    %swap3A_1576 = arith.constant 0 : index
    %swap3A_1577 = vector.load %arg2[%swap3A_1574, %swap3A_1575, %swap3A_1576] : memref<200x64x128xf32, #tpu.memory_space<vmem>>, vector<1x64x128xf32>
    %swap3A_1578 = vector.shape_cast %swap3A_1577 : vector<1x64x128xf32> to vector<64x128xf32>
    %swap3A_1579 = vector.shape_cast %slice3A_1573 : vector<64x128xf32> to vector<1x64x128xf32>
    tpu.vector_store %arg2[%swap3A_1574, %swap3A_1575, %swap3A_1576], %swap3A_1579 {strides = array<i32>} : memref<200x64x128xf32, #tpu.memory_space<vmem>>, vector<1x64x128xf32>,
    %get3A_1580 = arith.constant 88 : index
    %get3A_1581 = arith.constant 0 : index
    %get3A_1582 = tpu.strided_load %arg1[%get3A_1580, %get3A_1581] {strides = array<i32: 100, 1>} : memref<12800x128xf32, #tpu.memory_space<vmem>>, vector<128x128xf32>
    %transpose3A_1583 = tpu.transpose %get3A_1582, [1, 0] : vector<128x128xf32> -> vector<128x128xf32>
    %slice3A_1584 = vector.extract_strided_slice %transpose3A_1583 {offsets = [0, 0], sizes = [64, 128], strides = [1, 1]} : vector<128x128xf32> to vector<64x128xf32>
    %swap3A_1585 = arith.constant 176 : index
    %swap3A_1586 = arith.constant 0 : index
    %swap3A_1587 = arith.constant 0 : index
    %swap3A_1588 = vector.load %arg2[%swap3A_1585, %swap3A_1586, %swap3A_1587] : memref<200x64x128xf32, #tpu.memory_space<vmem>>, vector<1x64x128xf32>
    %swap3A_1589 = vector.shape_cast %swap3A_1588 : vector<1x64x128xf32> to vector<64x128xf32>
    %swap3A_1590 = vector.shape_cast %slice3A_1584 : vector<64x128xf32> to vector<1x64x128xf32>
    tpu.vector_store %arg2[%swap3A_1585, %swap3A_1586, %swap3A_1587], %swap3A_1590 {strides = array<i32>} : memref<200x64x128xf32, #tpu.memory_space<vmem>>, vector<1x64x128xf32>,
    %slice3A_1591 = vector.extract_strided_slice %transpose3A_1583 {offsets = [64, 0], sizes = [64, 128], strides = [1, 1]} : vector<128x128xf32> to vector<64x128xf32>
    %swap3A_1592 = arith.constant 177 : index
    %swap3A_1593 = arith.constant 0 : index
    %swap3A_1594 = arith.constant 0 : index
    %swap3A_1595 = vector.load %arg2[%swap3A_1592, %swap3A_1593, %swap3A_1594] : memref<200x64x128xf32, #tpu.memory_space<vmem>>, vector<1x64x128xf32>
    %swap3A_1596 = vector.shape_cast %swap3A_1595 : vector<1x64x128xf32> to vector<64x128xf32>
    %swap3A_1597 = vector.shape_cast %slice3A_1591 : vector<64x128xf32> to vector<1x64x128xf32>
    tpu.vector_store %arg2[%swap3A_1592, %swap3A_1593, %swap3A_1594], %swap3A_1597 {strides = array<i32>} : memref<200x64x128xf32, #tpu.memory_space<vmem>>, vector<1x64x128xf32>,
    %get3A_1598 = arith.constant 89 : index
    %get3A_1599 = arith.constant 0 : index
    %get3A_1600 = tpu.strided_load %arg1[%get3A_1598, %get3A_1599] {strides = array<i32: 100, 1>} : memref<12800x128xf32, #tpu.memory_space<vmem>>, vector<128x128xf32>
    %transpose3A_1601 = tpu.transpose %get3A_1600, [1, 0] : vector<128x128xf32> -> vector<128x128xf32>
    %slice3A_1602 = vector.extract_strided_slice %transpose3A_1601 {offsets = [0, 0], sizes = [64, 128], strides = [1, 1]} : vector<128x128xf32> to vector<64x128xf32>
    %swap3A_1603 = arith.constant 178 : index
    %swap3A_1604 = arith.constant 0 : index
    %swap3A_1605 = arith.constant 0 : index
    %swap3A_1606 = vector.load %arg2[%swap3A_1603, %swap3A_1604, %swap3A_1605] : memref<200x64x128xf32, #tpu.memory_space<vmem>>, vector<1x64x128xf32>
    %swap3A_1607 = vector.shape_cast %swap3A_1606 : vector<1x64x128xf32> to vector<64x128xf32>
    %swap3A_1608 = vector.shape_cast %slice3A_1602 : vector<64x128xf32> to vector<1x64x128xf32>
    tpu.vector_store %arg2[%swap3A_1603, %swap3A_1604, %swap3A_1605], %swap3A_1608 {strides = array<i32>} : memref<200x64x128xf32, #tpu.memory_space<vmem>>, vector<1x64x128xf32>,
    %slice3A_1609 = vector.extract_strided_slice %transpose3A_1601 {offsets = [64, 0], sizes = [64, 128], strides = [1, 1]} : vector<128x128xf32> to vector<64x128xf32>
    %swap3A_1610 = arith.constant 179 : index
    %swap3A_1611 = arith.constant 0 : index
    %swap3A_1612 = arith.constant 0 : index
    %swap3A_1613 = vector.load %arg2[%swap3A_1610, %swap3A_1611, %swap3A_1612] : memref<200x64x128xf32, #tpu.memory_space<vmem>>, vector<1x64x128xf32>
    %swap3A_1614 = vector.shape_cast %swap3A_1613 : vector<1x64x128xf32> to vector<64x128xf32>
    %swap3A_1615 = vector.shape_cast %slice3A_1609 : vector<64x128xf32> to vector<1x64x128xf32>
    tpu.vector_store %arg2[%swap3A_1610, %swap3A_1611, %swap3A_1612], %swap3A_1615 {strides = array<i32>} : memref<200x64x128xf32, #tpu.memory_space<vmem>>, vector<1x64x128xf32>,
    %get3A_1616 = arith.constant 90 : index
    %get3A_1617 = arith.constant 0 : index
    %get3A_1618 = tpu.strided_load %arg1[%get3A_1616, %get3A_1617] {strides = array<i32: 100, 1>} : memref<12800x128xf32, #tpu.memory_space<vmem>>, vector<128x128xf32>
    %transpose3A_1619 = tpu.transpose %get3A_1618, [1, 0] : vector<128x128xf32> -> vector<128x128xf32>
    %slice3A_1620 = vector.extract_strided_slice %transpose3A_1619 {offsets = [0, 0], sizes = [64, 128], strides = [1, 1]} : vector<128x128xf32> to vector<64x128xf32>
    %swap3A_1621 = arith.constant 180 : index
    %swap3A_1622 = arith.constant 0 : index
    %swap3A_1623 = arith.constant 0 : index
    %swap3A_1624 = vector.load %arg2[%swap3A_1621, %swap3A_1622, %swap3A_1623] : memref<200x64x128xf32, #tpu.memory_space<vmem>>, vector<1x64x128xf32>
    %swap3A_1625 = vector.shape_cast %swap3A_1624 : vector<1x64x128xf32> to vector<64x128xf32>
    %swap3A_1626 = vector.shape_cast %slice3A_1620 : vector<64x128xf32> to vector<1x64x128xf32>
    tpu.vector_store %arg2[%swap3A_1621, %swap3A_1622, %swap3A_1623], %swap3A_1626 {strides = array<i32>} : memref<200x64x128xf32, #tpu.memory_space<vmem>>, vector<1x64x128xf32>,
    %slice3A_1627 = vector.extract_strided_slice %transpose3A_1619 {offsets = [64, 0], sizes = [64, 128], strides = [1, 1]} : vector<128x128xf32> to vector<64x128xf32>
    %swap3A_1628 = arith.constant 181 : index
    %swap3A_1629 = arith.constant 0 : index
    %swap3A_1630 = arith.constant 0 : index
    %swap3A_1631 = vector.load %arg2[%swap3A_1628, %swap3A_1629, %swap3A_1630] : memref<200x64x128xf32, #tpu.memory_space<vmem>>, vector<1x64x128xf32>
    %swap3A_1632 = vector.shape_cast %swap3A_1631 : vector<1x64x128xf32> to vector<64x128xf32>
    %swap3A_1633 = vector.shape_cast %slice3A_1627 : vector<64x128xf32> to vector<1x64x128xf32>
    tpu.vector_store %arg2[%swap3A_1628, %swap3A_1629, %swap3A_1630], %swap3A_1633 {strides = array<i32>} : memref<200x64x128xf32, #tpu.memory_space<vmem>>, vector<1x64x128xf32>,
    %get3A_1634 = arith.constant 91 : index
    %get3A_1635 = arith.constant 0 : index
    %get3A_1636 = tpu.strided_load %arg1[%get3A_1634, %get3A_1635] {strides = array<i32: 100, 1>} : memref<12800x128xf32, #tpu.memory_space<vmem>>, vector<128x128xf32>
    %transpose3A_1637 = tpu.transpose %get3A_1636, [1, 0] : vector<128x128xf32> -> vector<128x128xf32>
    %slice3A_1638 = vector.extract_strided_slice %transpose3A_1637 {offsets = [0, 0], sizes = [64, 128], strides = [1, 1]} : vector<128x128xf32> to vector<64x128xf32>
    %swap3A_1639 = arith.constant 182 : index
    %swap3A_1640 = arith.constant 0 : index
    %swap3A_1641 = arith.constant 0 : index
    %swap3A_1642 = vector.load %arg2[%swap3A_1639, %swap3A_1640, %swap3A_1641] : memref<200x64x128xf32, #tpu.memory_space<vmem>>, vector<1x64x128xf32>
    %swap3A_1643 = vector.shape_cast %swap3A_1642 : vector<1x64x128xf32> to vector<64x128xf32>
    %swap3A_1644 = vector.shape_cast %slice3A_1638 : vector<64x128xf32> to vector<1x64x128xf32>
    tpu.vector_store %arg2[%swap3A_1639, %swap3A_1640, %swap3A_1641], %swap3A_1644 {strides = array<i32>} : memref<200x64x128xf32, #tpu.memory_space<vmem>>, vector<1x64x128xf32>,
    %slice3A_1645 = vector.extract_strided_slice %transpose3A_1637 {offsets = [64, 0], sizes = [64, 128], strides = [1, 1]} : vector<128x128xf32> to vector<64x128xf32>
    %swap3A_1646 = arith.constant 183 : index
    %swap3A_1647 = arith.constant 0 : index
    %swap3A_1648 = arith.constant 0 : index
    %swap3A_1649 = vector.load %arg2[%swap3A_1646, %swap3A_1647, %swap3A_1648] : memref<200x64x128xf32, #tpu.memory_space<vmem>>, vector<1x64x128xf32>
    %swap3A_1650 = vector.shape_cast %swap3A_1649 : vector<1x64x128xf32> to vector<64x128xf32>
    %swap3A_1651 = vector.shape_cast %slice3A_1645 : vector<64x128xf32> to vector<1x64x128xf32>
    tpu.vector_store %arg2[%swap3A_1646, %swap3A_1647, %swap3A_1648], %swap3A_1651 {strides = array<i32>} : memref<200x64x128xf32, #tpu.memory_space<vmem>>, vector<1x64x128xf32>,
    %get3A_1652 = arith.constant 92 : index
    %get3A_1653 = arith.constant 0 : index
    %get3A_1654 = tpu.strided_load %arg1[%get3A_1652, %get3A_1653] {strides = array<i32: 100, 1>} : memref<12800x128xf32, #tpu.memory_space<vmem>>, vector<128x128xf32>
    %transpose3A_1655 = tpu.transpose %get3A_1654, [1, 0] : vector<128x128xf32> -> vector<128x128xf32>
    %slice3A_1656 = vector.extract_strided_slice %transpose3A_1655 {offsets = [0, 0], sizes = [64, 128], strides = [1, 1]} : vector<128x128xf32> to vector<64x128xf32>
    %swap3A_1657 = arith.constant 184 : index
    %swap3A_1658 = arith.constant 0 : index
    %swap3A_1659 = arith.constant 0 : index
    %swap3A_1660 = vector.load %arg2[%swap3A_1657, %swap3A_1658, %swap3A_1659] : memref<200x64x128xf32, #tpu.memory_space<vmem>>, vector<1x64x128xf32>
    %swap3A_1661 = vector.shape_cast %swap3A_1660 : vector<1x64x128xf32> to vector<64x128xf32>
    %swap3A_1662 = vector.shape_cast %slice3A_1656 : vector<64x128xf32> to vector<1x64x128xf32>
    tpu.vector_store %arg2[%swap3A_1657, %swap3A_1658, %swap3A_1659], %swap3A_1662 {strides = array<i32>} : memref<200x64x128xf32, #tpu.memory_space<vmem>>, vector<1x64x128xf32>,
    %slice3A_1663 = vector.extract_strided_slice %transpose3A_1655 {offsets = [64, 0], sizes = [64, 128], strides = [1, 1]} : vector<128x128xf32> to vector<64x128xf32>
    %swap3A_1664 = arith.constant 185 : index
    %swap3A_1665 = arith.constant 0 : index
    %swap3A_1666 = arith.constant 0 : index
    %swap3A_1667 = vector.load %arg2[%swap3A_1664, %swap3A_1665, %swap3A_1666] : memref<200x64x128xf32, #tpu.memory_space<vmem>>, vector<1x64x128xf32>
    %swap3A_1668 = vector.shape_cast %swap3A_1667 : vector<1x64x128xf32> to vector<64x128xf32>
    %swap3A_1669 = vector.shape_cast %slice3A_1663 : vector<64x128xf32> to vector<1x64x128xf32>
    tpu.vector_store %arg2[%swap3A_1664, %swap3A_1665, %swap3A_1666], %swap3A_1669 {strides = array<i32>} : memref<200x64x128xf32, #tpu.memory_space<vmem>>, vector<1x64x128xf32>,
    %get3A_1670 = arith.constant 93 : index
    %get3A_1671 = arith.constant 0 : index
    %get3A_1672 = tpu.strided_load %arg1[%get3A_1670, %get3A_1671] {strides = array<i32: 100, 1>} : memref<12800x128xf32, #tpu.memory_space<vmem>>, vector<128x128xf32>
    %transpose3A_1673 = tpu.transpose %get3A_1672, [1, 0] : vector<128x128xf32> -> vector<128x128xf32>
    %slice3A_1674 = vector.extract_strided_slice %transpose3A_1673 {offsets = [0, 0], sizes = [64, 128], strides = [1, 1]} : vector<128x128xf32> to vector<64x128xf32>
    %swap3A_1675 = arith.constant 186 : index
    %swap3A_1676 = arith.constant 0 : index
    %swap3A_1677 = arith.constant 0 : index
    %swap3A_1678 = vector.load %arg2[%swap3A_1675, %swap3A_1676, %swap3A_1677] : memref<200x64x128xf32, #tpu.memory_space<vmem>>, vector<1x64x128xf32>
    %swap3A_1679 = vector.shape_cast %swap3A_1678 : vector<1x64x128xf32> to vector<64x128xf32>
    %swap3A_1680 = vector.shape_cast %slice3A_1674 : vector<64x128xf32> to vector<1x64x128xf32>
    tpu.vector_store %arg2[%swap3A_1675, %swap3A_1676, %swap3A_1677], %swap3A_1680 {strides = array<i32>} : memref<200x64x128xf32, #tpu.memory_space<vmem>>, vector<1x64x128xf32>,
    %slice3A_1681 = vector.extract_strided_slice %transpose3A_1673 {offsets = [64, 0], sizes = [64, 128], strides = [1, 1]} : vector<128x128xf32> to vector<64x128xf32>
    %swap3A_1682 = arith.constant 187 : index
    %swap3A_1683 = arith.constant 0 : index
    %swap3A_1684 = arith.constant 0 : index
    %swap3A_1685 = vector.load %arg2[%swap3A_1682, %swap3A_1683, %swap3A_1684] : memref<200x64x128xf32, #tpu.memory_space<vmem>>, vector<1x64x128xf32>
    %swap3A_1686 = vector.shape_cast %swap3A_1685 : vector<1x64x128xf32> to vector<64x128xf32>
    %swap3A_1687 = vector.shape_cast %slice3A_1681 : vector<64x128xf32> to vector<1x64x128xf32>
    tpu.vector_store %arg2[%swap3A_1682, %swap3A_1683, %swap3A_1684], %swap3A_1687 {strides = array<i32>} : memref<200x64x128xf32, #tpu.memory_space<vmem>>, vector<1x64x128xf32>,
    %get3A_1688 = arith.constant 94 : index
    %get3A_1689 = arith.constant 0 : index
    %get3A_1690 = tpu.strided_load %arg1[%get3A_1688, %get3A_1689] {strides = array<i32: 100, 1>} : memref<12800x128xf32, #tpu.memory_space<vmem>>, vector<128x128xf32>
    %transpose3A_1691 = tpu.transpose %get3A_1690, [1, 0] : vector<128x128xf32> -> vector<128x128xf32>
    %slice3A_1692 = vector.extract_strided_slice %transpose3A_1691 {offsets = [0, 0], sizes = [64, 128], strides = [1, 1]} : vector<128x128xf32> to vector<64x128xf32>
    %swap3A_1693 = arith.constant 188 : index
    %swap3A_1694 = arith.constant 0 : index
    %swap3A_1695 = arith.constant 0 : index
    %swap3A_1696 = vector.load %arg2[%swap3A_1693, %swap3A_1694, %swap3A_1695] : memref<200x64x128xf32, #tpu.memory_space<vmem>>, vector<1x64x128xf32>
    %swap3A_1697 = vector.shape_cast %swap3A_1696 : vector<1x64x128xf32> to vector<64x128xf32>
    %swap3A_1698 = vector.shape_cast %slice3A_1692 : vector<64x128xf32> to vector<1x64x128xf32>
    tpu.vector_store %arg2[%swap3A_1693, %swap3A_1694, %swap3A_1695], %swap3A_1698 {strides = array<i32>} : memref<200x64x128xf32, #tpu.memory_space<vmem>>, vector<1x64x128xf32>,
    %slice3A_1699 = vector.extract_strided_slice %transpose3A_1691 {offsets = [64, 0], sizes = [64, 128], strides = [1, 1]} : vector<128x128xf32> to vector<64x128xf32>
    %swap3A_1700 = arith.constant 189 : index
    %swap3A_1701 = arith.constant 0 : index
    %swap3A_1702 = arith.constant 0 : index
    %swap3A_1703 = vector.load %arg2[%swap3A_1700, %swap3A_1701, %swap3A_1702] : memref<200x64x128xf32, #tpu.memory_space<vmem>>, vector<1x64x128xf32>
    %swap3A_1704 = vector.shape_cast %swap3A_1703 : vector<1x64x128xf32> to vector<64x128xf32>
    %swap3A_1705 = vector.shape_cast %slice3A_1699 : vector<64x128xf32> to vector<1x64x128xf32>
    tpu.vector_store %arg2[%swap3A_1700, %swap3A_1701, %swap3A_1702], %swap3A_1705 {strides = array<i32>} : memref<200x64x128xf32, #tpu.memory_space<vmem>>, vector<1x64x128xf32>,
    %get3A_1706 = arith.constant 95 : index
    %get3A_1707 = arith.constant 0 : index
    %get3A_1708 = tpu.strided_load %arg1[%get3A_1706, %get3A_1707] {strides = array<i32: 100, 1>} : memref<12800x128xf32, #tpu.memory_space<vmem>>, vector<128x128xf32>
    %transpose3A_1709 = tpu.transpose %get3A_1708, [1, 0] : vector<128x128xf32> -> vector<128x128xf32>
    %slice3A_1710 = vector.extract_strided_slice %transpose3A_1709 {offsets = [0, 0], sizes = [64, 128], strides = [1, 1]} : vector<128x128xf32> to vector<64x128xf32>
    %swap3A_1711 = arith.constant 190 : index
    %swap3A_1712 = arith.constant 0 : index
    %swap3A_1713 = arith.constant 0 : index
    %swap3A_1714 = vector.load %arg2[%swap3A_1711, %swap3A_1712, %swap3A_1713] : memref<200x64x128xf32, #tpu.memory_space<vmem>>, vector<1x64x128xf32>
    %swap3A_1715 = vector.shape_cast %swap3A_1714 : vector<1x64x128xf32> to vector<64x128xf32>
    %swap3A_1716 = vector.shape_cast %slice3A_1710 : vector<64x128xf32> to vector<1x64x128xf32>
    tpu.vector_store %arg2[%swap3A_1711, %swap3A_1712, %swap3A_1713], %swap3A_1716 {strides = array<i32>} : memref<200x64x128xf32, #tpu.memory_space<vmem>>, vector<1x64x128xf32>,
    %slice3A_1717 = vector.extract_strided_slice %transpose3A_1709 {offsets = [64, 0], sizes = [64, 128], strides = [1, 1]} : vector<128x128xf32> to vector<64x128xf32>
    %swap3A_1718 = arith.constant 191 : index
    %swap3A_1719 = arith.constant 0 : index
    %swap3A_1720 = arith.constant 0 : index
    %swap3A_1721 = vector.load %arg2[%swap3A_1718, %swap3A_1719, %swap3A_1720] : memref<200x64x128xf32, #tpu.memory_space<vmem>>, vector<1x64x128xf32>
    %swap3A_1722 = vector.shape_cast %swap3A_1721 : vector<1x64x128xf32> to vector<64x128xf32>
    %swap3A_1723 = vector.shape_cast %slice3A_1717 : vector<64x128xf32> to vector<1x64x128xf32>
    tpu.vector_store %arg2[%swap3A_1718, %swap3A_1719, %swap3A_1720], %swap3A_1723 {strides = array<i32>} : memref<200x64x128xf32, #tpu.memory_space<vmem>>, vector<1x64x128xf32>,
    %get3A_1724 = arith.constant 96 : index
    %get3A_1725 = arith.constant 0 : index
    %get3A_1726 = tpu.strided_load %arg1[%get3A_1724, %get3A_1725] {strides = array<i32: 100, 1>} : memref<12800x128xf32, #tpu.memory_space<vmem>>, vector<128x128xf32>
    %transpose3A_1727 = tpu.transpose %get3A_1726, [1, 0] : vector<128x128xf32> -> vector<128x128xf32>
    %slice3A_1728 = vector.extract_strided_slice %transpose3A_1727 {offsets = [0, 0], sizes = [64, 128], strides = [1, 1]} : vector<128x128xf32> to vector<64x128xf32>
    %swap3A_1729 = arith.constant 192 : index
    %swap3A_1730 = arith.constant 0 : index
    %swap3A_1731 = arith.constant 0 : index
    %swap3A_1732 = vector.load %arg2[%swap3A_1729, %swap3A_1730, %swap3A_1731] : memref<200x64x128xf32, #tpu.memory_space<vmem>>, vector<1x64x128xf32>
    %swap3A_1733 = vector.shape_cast %swap3A_1732 : vector<1x64x128xf32> to vector<64x128xf32>
    %swap3A_1734 = vector.shape_cast %slice3A_1728 : vector<64x128xf32> to vector<1x64x128xf32>
    tpu.vector_store %arg2[%swap3A_1729, %swap3A_1730, %swap3A_1731], %swap3A_1734 {strides = array<i32>} : memref<200x64x128xf32, #tpu.memory_space<vmem>>, vector<1x64x128xf32>,
    %slice3A_1735 = vector.extract_strided_slice %transpose3A_1727 {offsets = [64, 0], sizes = [64, 128], strides = [1, 1]} : vector<128x128xf32> to vector<64x128xf32>
    %swap3A_1736 = arith.constant 193 : index
    %swap3A_1737 = arith.constant 0 : index
    %swap3A_1738 = arith.constant 0 : index
    %swap3A_1739 = vector.load %arg2[%swap3A_1736, %swap3A_1737, %swap3A_1738] : memref<200x64x128xf32, #tpu.memory_space<vmem>>, vector<1x64x128xf32>
    %swap3A_1740 = vector.shape_cast %swap3A_1739 : vector<1x64x128xf32> to vector<64x128xf32>
    %swap3A_1741 = vector.shape_cast %slice3A_1735 : vector<64x128xf32> to vector<1x64x128xf32>
    tpu.vector_store %arg2[%swap3A_1736, %swap3A_1737, %swap3A_1738], %swap3A_1741 {strides = array<i32>} : memref<200x64x128xf32, #tpu.memory_space<vmem>>, vector<1x64x128xf32>,
    %get3A_1742 = arith.constant 97 : index
    %get3A_1743 = arith.constant 0 : index
    %get3A_1744 = tpu.strided_load %arg1[%get3A_1742, %get3A_1743] {strides = array<i32: 100, 1>} : memref<12800x128xf32, #tpu.memory_space<vmem>>, vector<128x128xf32>
    %transpose3A_1745 = tpu.transpose %get3A_1744, [1, 0] : vector<128x128xf32> -> vector<128x128xf32>
    %slice3A_1746 = vector.extract_strided_slice %transpose3A_1745 {offsets = [0, 0], sizes = [64, 128], strides = [1, 1]} : vector<128x128xf32> to vector<64x128xf32>
    %swap3A_1747 = arith.constant 194 : index
    %swap3A_1748 = arith.constant 0 : index
    %swap3A_1749 = arith.constant 0 : index
    %swap3A_1750 = vector.load %arg2[%swap3A_1747, %swap3A_1748, %swap3A_1749] : memref<200x64x128xf32, #tpu.memory_space<vmem>>, vector<1x64x128xf32>
    %swap3A_1751 = vector.shape_cast %swap3A_1750 : vector<1x64x128xf32> to vector<64x128xf32>
    %swap3A_1752 = vector.shape_cast %slice3A_1746 : vector<64x128xf32> to vector<1x64x128xf32>
    tpu.vector_store %arg2[%swap3A_1747, %swap3A_1748, %swap3A_1749], %swap3A_1752 {strides = array<i32>} : memref<200x64x128xf32, #tpu.memory_space<vmem>>, vector<1x64x128xf32>,
    %slice3A_1753 = vector.extract_strided_slice %transpose3A_1745 {offsets = [64, 0], sizes = [64, 128], strides = [1, 1]} : vector<128x128xf32> to vector<64x128xf32>
    %swap3A_1754 = arith.constant 195 : index
    %swap3A_1755 = arith.constant 0 : index
    %swap3A_1756 = arith.constant 0 : index
    %swap3A_1757 = vector.load %arg2[%swap3A_1754, %swap3A_1755, %swap3A_1756] : memref<200x64x128xf32, #tpu.memory_space<vmem>>, vector<1x64x128xf32>
    %swap3A_1758 = vector.shape_cast %swap3A_1757 : vector<1x64x128xf32> to vector<64x128xf32>
    %swap3A_1759 = vector.shape_cast %slice3A_1753 : vector<64x128xf32> to vector<1x64x128xf32>
    tpu.vector_store %arg2[%swap3A_1754, %swap3A_1755, %swap3A_1756], %swap3A_1759 {strides = array<i32>} : memref<200x64x128xf32, #tpu.memory_space<vmem>>, vector<1x64x128xf32>,
    %get3A_1760 = arith.constant 98 : index
    %get3A_1761 = arith.constant 0 : index
    %get3A_1762 = tpu.strided_load %arg1[%get3A_1760, %get3A_1761] {strides = array<i32: 100, 1>} : memref<12800x128xf32, #tpu.memory_space<vmem>>, vector<128x128xf32>
    %transpose3A_1763 = tpu.transpose %get3A_1762, [1, 0] : vector<128x128xf32> -> vector<128x128xf32>
    %slice3A_1764 = vector.extract_strided_slice %transpose3A_1763 {offsets = [0, 0], sizes = [64, 128], strides = [1, 1]} : vector<128x128xf32> to vector<64x128xf32>
    %swap3A_1765 = arith.constant 196 : index
    %swap3A_1766 = arith.constant 0 : index
    %swap3A_1767 = arith.constant 0 : index
    %swap3A_1768 = vector.load %arg2[%swap3A_1765, %swap3A_1766, %swap3A_1767] : memref<200x64x128xf32, #tpu.memory_space<vmem>>, vector<1x64x128xf32>
    %swap3A_1769 = vector.shape_cast %swap3A_1768 : vector<1x64x128xf32> to vector<64x128xf32>
    %swap3A_1770 = vector.shape_cast %slice3A_1764 : vector<64x128xf32> to vector<1x64x128xf32>
    tpu.vector_store %arg2[%swap3A_1765, %swap3A_1766, %swap3A_1767], %swap3A_1770 {strides = array<i32>} : memref<200x64x128xf32, #tpu.memory_space<vmem>>, vector<1x64x128xf32>,
    %slice3A_1771 = vector.extract_strided_slice %transpose3A_1763 {offsets = [64, 0], sizes = [64, 128], strides = [1, 1]} : vector<128x128xf32> to vector<64x128xf32>
    %swap3A_1772 = arith.constant 197 : index
    %swap3A_1773 = arith.constant 0 : index
    %swap3A_1774 = arith.constant 0 : index
    %swap3A_1775 = vector.load %arg2[%swap3A_1772, %swap3A_1773, %swap3A_1774] : memref<200x64x128xf32, #tpu.memory_space<vmem>>, vector<1x64x128xf32>
    %swap3A_1776 = vector.shape_cast %swap3A_1775 : vector<1x64x128xf32> to vector<64x128xf32>
    %swap3A_1777 = vector.shape_cast %slice3A_1771 : vector<64x128xf32> to vector<1x64x128xf32>
    tpu.vector_store %arg2[%swap3A_1772, %swap3A_1773, %swap3A_1774], %swap3A_1777 {strides = array<i32>} : memref<200x64x128xf32, #tpu.memory_space<vmem>>, vector<1x64x128xf32>,
    %get3A_1778 = arith.constant 99 : index
    %get3A_1779 = arith.constant 0 : index
    %get3A_1780 = tpu.strided_load %arg1[%get3A_1778, %get3A_1779] {strides = array<i32: 100, 1>} : memref<12800x128xf32, #tpu.memory_space<vmem>>, vector<128x128xf32>
    %transpose3A_1781 = tpu.transpose %get3A_1780, [1, 0] : vector<128x128xf32> -> vector<128x128xf32>
    %slice3A_1782 = vector.extract_strided_slice %transpose3A_1781 {offsets = [0, 0], sizes = [64, 128], strides = [1, 1]} : vector<128x128xf32> to vector<64x128xf32>
    %swap3A_1783 = arith.constant 198 : index
    %swap3A_1784 = arith.constant 0 : index
    %swap3A_1785 = arith.constant 0 : index
    %swap3A_1786 = vector.load %arg2[%swap3A_1783, %swap3A_1784, %swap3A_1785] : memref<200x64x128xf32, #tpu.memory_space<vmem>>, vector<1x64x128xf32>
    %swap3A_1787 = vector.shape_cast %swap3A_1786 : vector<1x64x128xf32> to vector<64x128xf32>
    %swap3A_1788 = vector.shape_cast %slice3A_1782 : vector<64x128xf32> to vector<1x64x128xf32>
    tpu.vector_store %arg2[%swap3A_1783, %swap3A_1784, %swap3A_1785], %swap3A_1788 {strides = array<i32>} : memref<200x64x128xf32, #tpu.memory_space<vmem>>, vector<1x64x128xf32>,
    %slice3A_1789 = vector.extract_strided_slice %transpose3A_1781 {offsets = [64, 0], sizes = [64, 128], strides = [1, 1]} : vector<128x128xf32> to vector<64x128xf32>
    %swap3A_1790 = arith.constant 199 : index
    %swap3A_1791 = arith.constant 0 : index
    %swap3A_1792 = arith.constant 0 : index
    %swap3A_1793 = vector.load %arg2[%swap3A_1790, %swap3A_1791, %swap3A_1792] : memref<200x64x128xf32, #tpu.memory_space<vmem>>, vector<1x64x128xf32>
    %swap3A_1794 = vector.shape_cast %swap3A_1793 : vector<1x64x128xf32> to vector<64x128xf32>
    %swap3A_1795 = vector.shape_cast %slice3A_1789 : vector<64x128xf32> to vector<1x64x128xf32>
    tpu.vector_store %arg2[%swap3A_1790, %swap3A_1791, %swap3A_1792], %swap3A_1795 {strides = array<i32>} : memref<200x64x128xf32, #tpu.memory_space<vmem>>, vector<1x64x128xf32>,
    return
  }
  func.func @transform_0(%arg0: i32) -> (i32, i32) {
    %c0_i32 = arith.constant 0 : i32
    %c0_i32_0 = arith.constant 0 : i32
    return %arg0, %c0_i32 : i32, i32
  }
  func.func @transform_1(%arg0: i32) -> (i32, i32, i32) {
    %c0_i32 = arith.constant 0 : i32
    %c0_i32_0 = arith.constant 0 : i32
    %c0_i32_1 = arith.constant 0 : i32
    return %c0_i32, %c0_i32_0, %arg0 : i32, i32, i32
  }
}

</mosaic_0001>

<sc_bundles>
// kernel: kernel.5.cloned.1.call-start
scs
__scs_entry_jumppad:
0x0: {  	(pc) =	sbr.rel $0x88, $3  }
0x1: {  	(tag) =	ssettag $0x0;
	lr =	simm.s32 $0x1  }
0x2: {  	[smem:$0x3F9E] =	sst lr;
	_ =	strace $0xD0000000  }
0x3: {  	_ = 	snop  }
0x4: {  	_ = 	snop  }
0x5: {  	_ = 	snop  }
0x6: {  	_ = 	snop  }
0x7: {  	_ = 	snop  }
__scs_overlays_trampoline_lowered:
0x8: {  	[smem:$0x3FAD] =	sst s0  }
0x9: {  	[smem:$0x3FAE] =	sst s1  }
0xa: {  	[smem:$0x3FAF] =	sst s2  }
0xb: {  	[smem:$0x3FB0] =	sst s3  }
0xc: {  	[smem:$0x3FB1] =	sst s4  }
0xd: {  	[smem:$0x3FB2] =	sst s5  }
0xe: {  	[smem:$0x3FB3] =	sst s6  }
0xf: {  	[smem:$0x3FB4] =	sst s7  }
0x10: {  	[smem:$0x3FB5] =	sst s8  }
0x11: {  	[smem:$0x3FB6] =	sst s9;
	s0 =	simm.s32 @!p0 $0x0  }
0x12: {  	s1 =	sld [smem:$0x3F9C];
	s0 =	simm.s32 @p0 $0x1  }
0x13: {  	[smem:$0x3FB7] =	sst s0;
	s0 =	simm.s32 @!p1 $0x0  }
0x14: {  	s2 =	sld [smem:$0x3F9B];
	s0 =	simm.s32 @p1 $0x1  }
0x15: {  	[smem:$0x3FB8] =	sst s0;
	s0 =	simm.s32 @!p2 $0x0  }
0x16: {  	s3 =	sld [smem:$0x3FDB];
	s0 =	simm.s32 @p2 $0x1  }
0x17: {  	s4 =	simm.s32 $0x1BF5;
	[smem:$0x3FBA] =	sst s0  }
0x18: {  	s0 =	sld [smem:$0x3F9D];
	_ =	swait.ge [sflag:s4], $0x0  }
0x19: {  	s7 =	sld [smem:$0x3F9E]  }
0x1a: {  	s8 =	sadd.s32 $0xFFFFE003, lr  }
0x1b: {  	s9 =	sadd.s32 $0xFFFFFEF7, lr;
	s5 =	simm.s32 $0xFFFFFFFF;
	p2 =	slt.u32 s8, $0xFFFFF086  }
0x1c: {  	p1 =	slt.u32 s9, $0xF7A;
	s5 =	simm.s32 @!p2 $0x0  }
0x1d: {  	s5 =	simm.s32 @p1 $0x1;
	p0 =	seq.s32 s7, s2  }
0x1e: {  	s7 =	smul.u32 @!p0 $0xF7A, s2;
	p2 =	seq.s32 @!p0 s5, $0x0  }
0x1f: {  	s9 =	smul.u32 $0xF7A, s1;
	s8 =	simm.s32 @!p0 $0x1BF5;
	p2 =	por !p2, p0  }
0x20: {  	[sflag:s8] =	ssyncset.s32 @!p0 $0xFFFFF086;
	s6 =	sadd.s32 @!p0 s3, s7;
	s7 =	simm.s32 @!p0 $0x108  }
0x21: {  	s3 =	sadd.s32 s3, s9;
	s6 =	sadd.s32 @!p0 $0x88, s6;
	s7 =	simm.s32 @p2 $0x1082  }
0x22: {  	[simem:s7], [sflag:s8] =	dma.local @!p0 [hbm:s6], $0xF7A  }
0x23: {  	s9 =	sor.u32 $0xD0000000, s2;
	s6 =	simm.s32 $0x108;
	_ =	swait.ge @!p0 [sflag:s8], $0x0  }
0x24: {  	s3 =	sadd.s32 $0x88, s3;
	s6 =	simm.s32 @!p1 $0x1082;
	[sflag:s4] =	ssyncset.s32 $0xFFFFF086  }
0x25: {  	[simem:s6], [sflag:s4] =	dma.local [hbm:s3], $0xF7A  }
0x26: {  	[smem:$0x3F9E] =	sst s1;
	(tag) =	ssettag s2;
	_ =	strace s9  }
0x27: {  	s1 =	sld [smem:$0x3FAE]  }
0x28: {  	s2 =	sld [smem:$0x3FAF]  }
0x29: {  	s4 =	sld [smem:$0x3FB1]  }
0x2a: {  	p0 =	seq.s32 s5, $0x0;
	s5 =	sld [smem:$0x3FB2]  }
0x2b: {  	s6 =	sld [smem:$0x3FB3]  }
0x2c: {  	s7 =	sld [smem:$0x3FB4]  }
0x2d: {  	s3 =	simm.s32 $0x108;
	s8 =	sld [smem:$0x3FB5]  }
0x2e: {  	s3 =	simm.s32 @!p0 $0x1082;
	s9 =	sld [smem:$0x3FB6]  }
0x2f: {  	lr =	sadd.s32 s0, s3;
	s0 =	sld [smem:$0x3FAD]  }
0x30: {  	s3 =	sld [smem:$0x3FB0]  }
0x31: {  	[smem:$0x3FB9] =	sst s10  }
0x32: {  	s10 =	sld [smem:$0x3FB7];
	_ =	sdelay $0x3  }
0x33: {  	p0 =	seq.s32 s10, $0x1;
	s10 =	sld [smem:$0x3FB9];
	_ =	sdelay $0x3  }
0x34: {  	[smem:$0x3FB9] =	sst s10  }
0x35: {  	s10 =	sld [smem:$0x3FB8];
	_ =	sdelay $0x3  }
0x36: {  	p1 =	seq.s32 s10, $0x1;
	s10 =	sld [smem:$0x3FB9];
	_ =	sdelay $0x3  }
0x37: {  	[smem:$0x3FB9] =	sst s10  }
0x38: {  	s10 =	sld [smem:$0x3FBA]  }
0x39: {  	_ = 	snop;
	(pc) =	sbr.ind lr, $3  }
0x3a: {  	_ = 	snop  }
0x3b: {  	_ = 	snop  }
0x3c: {  	p2 =	seq.s32 s10, $0x1;
	s10 =	sld [smem:$0x3FB9]  }
0x3d: {  	_ =	shalt  }
0x3e: {  	_ =	shalt  }
0x3f: {  	_ =	shalt  }
0x40: {  	_ =	shalt  }
0x41: {  	_ =	shalt  }
0x42: {  	_ =	shalt  }
0x43: {  	_ =	shalt  }
0x44: {  	_ =	shalt  }
0x45: {  	_ =	shalt  }
0x46: {  	_ =	shalt  }
0x47: {  	_ =	shalt  }
0x48: {  	_ =	shalt  }
0x49: {  	_ =	shalt  }
0x4a: {  	_ =	shalt  }
0x4b: {  	_ =	shalt  }
0x4c: {  	_ =	shalt  }
0x4d: {  	_ =	shalt  }
0x4e: {  	_ =	shalt  }
0x4f: {  	_ =	shalt  }
0x50: {  	_ =	shalt  }
0x51: {  	_ =	shalt  }
0x52: {  	_ =	shalt  }
0x53: {  	_ =	shalt  }
0x54: {  	_ =	shalt  }
0x55: {  	_ =	shalt  }
0x56: {  	_ =	shalt  }
0x57: {  	_ =	shalt  }
0x58: {  	_ =	shalt  }
0x59: {  	_ =	shalt  }
0x5a: {  	_ =	shalt  }
0x5b: {  	_ =	shalt  }
0x5c: {  	_ =	shalt  }
0x5d: {  	_ =	shalt  }
0x5e: {  	_ =	shalt  }
0x5f: {  	_ =	shalt  }
0x60: {  	_ =	shalt  }
0x61: {  	_ =	shalt  }
0x62: {  	_ =	shalt  }
0x63: {  	_ =	shalt  }
0x64: {  	_ =	shalt  }
0x65: {  	_ =	shalt  }
0x66: {  	_ =	shalt  }
0x67: {  	_ =	shalt  }
0x68: {  	_ =	shalt  }
0x69: {  	_ =	shalt  }
0x6a: {  	_ =	shalt  }
0x6b: {  	_ =	shalt  }
0x6c: {  	_ =	shalt  }
0x6d: {  	_ =	shalt  }
0x6e: {  	_ =	shalt  }
0x6f: {  	_ =	shalt  }
0x70: {  	_ =	shalt  }
0x71: {  	_ =	shalt  }
0x72: {  	_ =	shalt  }
0x73: {  	_ =	shalt  }
0x74: {  	_ =	shalt  }
0x75: {  	_ =	shalt  }
0x76: {  	_ =	shalt  }
0x77: {  	_ =	shalt  }
0x78: {  	_ =	shalt  }
0x79: {  	_ =	shalt  }
0x7a: {  	_ =	shalt  }
0x7b: {  	_ =	shalt  }
0x7c: {  	_ =	shalt  }
0x7d: {  	_ =	shalt  }
0x7e: {  	_ =	shalt  }
0x7f: {  	_ =	shalt  }
0x80: {  	_ =	shalt  }
0x81: {  	_ =	shalt  }
0x82: {  	_ =	shalt  }
0x83: {  	_ =	shalt  }
0x84: {  	_ =	shalt  }
0x85: {  	_ =	shalt  }
0x86: {  	_ =	shalt  }
0x87: {  	_ =	shalt  }
.Lfunc_end0:
.L_simem_size_0:
called_computation_lowered:
.L_overlay_start_0:
0x88: {  	s2 =	sld [smem:$0x3FD9]  }
0x89: {  	s3 =	sld [smem:$0x3FFE];
	_ =	sdelay $0x1  }
0x8a: {  	s1 =	srdreg.scid  }
0x8b: {  	s0 =	sand.u32 $0x1, s1  }
0x8c: {  	s17 =	sshll.u32 s0, $0xA;
	s2 =	sadd.s32 s3, s2  }
0x8d: {  	s2 =	sadd.s32 s2, s17  }
0x8e: {  	[smem:$0x3FC5] =	sst s2  }
0x8f: {  	_ = 	snop  }
0x90: {  	s2 =	sld [smem:$0x3FD0];
	(tm) =	ssettm $0x1  }
0x91: {  	s18 =	sld [smem:$0x3FFB];
	_ =	sdelay $0x3  }
0x92: {  	_ =	strace s18  }
0x93: {  	s3 =	sld [smem:$0x3FFC];
	_ =	sdelay $0x3  }
0x94: {  	_ =	strace s3  }
0x95: {  	s3 =	sld [smem:$0x3FFD];
	_ =	sdelay $0x3  }
0x96: {  	_ =	strace s3  }
0x97: {  	_ =	strace $0x8FFFFFFF  }
0x98: {  	s19 =	sld [smem:$0x3FDB];
	_ =	sdelay $0x1  }
0x99: {  	s4 =	simm.s32 $_scs_section_size  }
0x9a: {  	s5 =	simm.s32 $_size__tile_overlayer_lowered;
	s6 =	simm.s32 $_tile_overlayer_lowered  }
0x9b: {  	s22 =	simm.s32 $0x1BFF;
	s21 =	sshll.u32 s6, $0x1;
	s3 =	sadd.s32 s4, s19  }
0x9c: {  	s7 =	simm.s32 $0x0;
	s20 =	sshll.u32 s5, $0x1;
	s5 =	sadd.s32 s21, s3  }
0x9d: {  	[timem:s7], [sflag:s22] =	dma.local [hbm:s5], s20  }
0x9e: {  	_ =	swait.ge [sflag:s22], s20  }
0x9f: {  	s4 =	ssub.s32 $0x0, s20;
	[sflag:s22] =	ssyncset.done $0x0  }
0xa0: {  	[sflag:s22] =	ssyncadd.s32 s4;
	_ =	sdelay $0x1  }
0xa1: {  	s23 =	simm.s32 $0x1B8B  }
0xa2: {  	_ =	swait.ge [sflag:s23], $0x1  }
0xa3: {  	[sflag:s23] =	ssyncset.done $0x0  }
0xa4: {  	s25 =	simm.s32 $0x1B8E;
	s24 =	sld [smem:$0x3FFE];
	[sflag:s23] =	ssyncadd.s32 $0xFFFFFFFF  }
0xa5: {  	s26 =	simm.s32 $execute0_lowered;
	[smem:$0x3FD2] =	sst s25  }
0xa6: {  	s5 =	sshll.u32 s26, $0x1;
	_ =	strace $0x80000046;
	[dreg:$0x1] =	wrdreg $0xFFFFFFFF  }
0xa7: {  	s28 =	simm.s32 $_size_execute0_lowered;
	s3 =	sadd.s32 s3, s5;
	[dreg:$0x0] =	wrdreg $0x0  }
0xa8: {  	s5 =	sshll.u32 s28, $0x1;
	[dreg:$0x2] =	wrdreg s3  }
0xa9: {  	[dreg:$0x3] =	wrdreg s5  }
0xaa: {  	[dreg:$0x4] =	wrdreg $0xC0  }
0xab: {  	_ =	task [dreg:s7], $0x5FFFF  }
0xac: {  	[dreg:$0x1] =	wrdreg $0xFFFFFFFF  }
0xad: {  	[dreg:$0x0] =	wrdreg $0x60  }
0xae: {  	[dreg:$0x2] =	wrdreg s2  }
0xaf: {  	[dreg:$0x3] =	wrdreg s24  }
0xb0: {  	[dreg:$0x4] =	wrdreg $0x9  }
0xb1: {  	_ =	task.clear_ibuf [dreg:s7], $0x5FFFF;
	_ =	strace $0x90000046  }
0xb2: {  	s29 =	simm.s32 $0x9;
	_ =	strace $0x80000048  }
0xb3: {  	_ =	swait.ge [sflag:s29], $0x1  }
0xb4: {  	[sflag:s29] =	ssyncadd.s32 $0xFFFFFFFF  }
0xb5: {  	_ =	strace $0x90000048  }
0xb6: {  	_ =	sfence  }
0xb7: {  	s30 =	sld [smem:$0x0];
	_ =	sdelay $0x2  }
0xb8: {  	s31 =	sshll.u32 s1, $0xD;
	s1 =	sshrl.u32 s1, $0x2  }
0xb9: {  	s3 =	sand.u32 $0x4000, s31;
	s1 =	sadd.s32 s1, s30  }
0xba: {  	s0 =	sor.u32 s3, s0;
	s1 =	sshll.u32 s1, $0x11  }
0xbb: {  	s0 =	sor.u32 s1, s0  }
0xbc: {  	s0 =	sadd.s32 $0x8F2B, s0  }
0xbd: {  	[sflag:s0] =	ssyncadd.remote.s32 $0x1  }
0xbe: {  	_ =	sfence.sel $0xFFFF  }
0xbf: {  	[dreg:$0x0] =	wrdreg $0xFFFFFFFF;
	(pc) =	sbr.abs _section_cstart, $3  }
0xc0: {  	[dreg:$0x1] =	wrdreg $0xFFFFFFFF  }
0xc1: {  	_ =	task.clear_ibuf [dreg:s7], $0x2FFFF;
	_ =	strace $0x9FFFFFFF  }
0xc2: {  	(tm) =	ssettm $0x7FFFFFFF  }
0xc3: {  	_ =	shalt  }
tec
execute0_lowered:
.L_overlay_start_1:
0x0: {  	(tag) =	ssettag $0x1  }
0x1: {  	s0 =	srdreg.scid;
	s2 =	rddreg [dreg:$0x0]  }
0x2: {  	s11 =	stileid.u32;
	s5 =	rddreg [dreg:$0x1]  }
0x3: {  	s3 =	simm.s32 $0x0;
	s12 =	simm.s32 $0x2400;
	s13 =	simm.s32 $0x100  }
0x4: {  	s14 =	simm.s32 $0x4400;
	s15 =	simm.s32 $0x180;
	s16 =	simm.s32 $0x6400  }
0x5: {  	s17 =	simm.s32 $0x200;
	s18 =	simm.s32 $0x8400;
	s19 =	simm.s32 $0x280  }
0x6: {  	s20 =	simm.s32 $0xA400;
	s21 =	simm.s32 $0x300;
	s22 =	simm.s32 $0xC400  }
0x7: {  	s23 =	simm.s32 $0x380;
	s24 =	simm.s32 $0xE400;
	s28 =	simm.s32 $0x3  }
0x8: {  	s29 =	simm.s32 $0x400;
	s30 =	simm.s32 $0x4;
	s31 =	simm.s32 $0x0  }
0x9: {  	s0 =	sand.u32 $0x1, s0;
	s1 =	sshll.u32 s11, $0x1;
	s7 =	smul.u32 $0x64000, s11  }
0xa: {  	[smem:$0x7FF] =	sst s3;
	s4 =	sadd.s32 $0x600, s5;
	s11 =	smul.u32 $0xC800, s11  }
0xb: {  	s5 =	sadd.s32 $0x19600, s5;
	s1 =	sor.u32 s0, s1;
	s9 =	smul.u32 $0x32000, s0  }
0xc: {  	_ =	strace $0x80000047;
	s8 =	ssub.s32 $0x2, s0;
	s0 =	smul.u32 $0x6400, s0  }
0xd: {  	s6 =	smul.u32 $0x6400, s1;
	s10 =	sshrl.u32 s8, $0x1;
	s25 =	sadd.s32 s7, s5  }
0xe: {  	s1 =	smul.u32 $0x32000, s1;
	s8 =	ssub.s32 s8, s10;
	s26 =	sadd.s32 s9, s25  }
0xf: {  	s0 =	sadd.s32 s0, s11;
	s10 =	simm.s32 $0x5;
	s11 =	simm.s32 $0x80  }
0x10: {  	s6 =	sshrl.u32 s6, $0x3;
	s8 =	smax.u32 s8, $0x1;
	[dreg:$0x3] =	wrdreg s0  }
0x11: {  	s7 =	sadd.s32 s5, s1;
	[dreg:$0x4] =	wrdreg s8;
	s6 =	sadd.s32 s4, s6  }
0x12: {  	s25 =	simm.s32 $0x1;
	s5 =	sadd.s32 $0x1000, s7;
	[dreg:$0x5] =	wrdreg s6  }
0x13: {  	s9 =	sadd.s32 $0x2000, s26;
	s26 =	simm.s32 $0x2;
	[dreg:$0x6] =	wrdreg s5  }
.LBB2_1:
0x14: {  	s0 =	rddreg [dreg:$0x5]  }
0x15: {  	[tilespmem:s3], [sflag:$0x5] =	stream.linear.gather [hbm4b:s0+s3], $0x400, $0x38;
	[tilespmem:$0x10400] =	vst v63  }
0x16: {  	_ =	swait.ge [sflag:s10], $0x400  }
0x17: {  	[sflag:s10] =	ssyncset.done $0x0  }
0x18: {  	[sflag:s10] =	ssyncadd.s32 $0xFFFFFC00  }
0x19: {  	[tilespmem:s29], [sflag:$0x1] =	stream.indirect.gather [hbm4b:s2+s11], $0x40, s3, s11, $0xb8;
	[tilespmem:$0x10400] =	vst v63  }
0x1a: {  	_ = 	snop  }
0x1b: {  	[tilespmem:s12], [sflag:$0x1] =	stream.indirect.gather [hbm4b:s2+s11], $0x40, s11, s11, $0xb8;
	[tilespmem:$0x10400] =	vst v63  }
0x1c: {  	_ = 	snop  }
0x1d: {  	[tilespmem:s14], [sflag:$0x1] =	stream.indirect.gather [hbm4b:s2+s11], $0x40, s13, s11, $0xb8;
	[tilespmem:$0x10400] =	vst v63  }
0x1e: {  	_ = 	snop  }
0x1f: {  	[tilespmem:s16], [sflag:$0x1] =	stream.indirect.gather [hbm4b:s2+s11], $0x40, s15, s11, $0xb8;
	[tilespmem:$0x10400] =	vst v63  }
0x20: {  	_ = 	snop  }
0x21: {  	[tilespmem:s18], [sflag:$0x2] =	stream.indirect.gather [hbm4b:s2+s11], $0x40, s17, s11, $0xb8;
	[tilespmem:$0x10400] =	vst v63  }
0x22: {  	_ = 	snop  }
0x23: {  	[tilespmem:s20], [sflag:$0x2] =	stream.indirect.gather [hbm4b:s2+s11], $0x40, s19, s11, $0xb8;
	[tilespmem:$0x10400] =	vst v63  }
0x24: {  	_ = 	snop  }
0x25: {  	[tilespmem:s22], [sflag:$0x2] =	stream.indirect.gather [hbm4b:s2+s11], $0x40, s21, s11, $0xb8;
	[tilespmem:$0x10400] =	vst v63  }
0x26: {  	_ = 	snop  }
0x27: {  	[tilespmem:s24], [sflag:$0x2] =	stream.indirect.gather [hbm4b:s2+s11], $0x40, s23, s11, $0xb8;
	[tilespmem:$0x10400] =	vst v63  }
0x28: {  	_ =	swait.ge [sflag:s25], $0x2000  }
0x29: {  	[sflag:s25] =	ssyncset.done $0x0  }
0x2a: {  	[sflag:s25] =	ssyncadd.s32 $0xFFFFE000  }
0x2b: {  	_ =	swait.ge [sflag:s25], $0x2000  }
0x2c: {  	[sflag:s25] =	ssyncset.done $0x0  }
0x2d: {  	[sflag:s25] =	ssyncadd.s32 $0xFFFFE000  }
0x2e: {  	_ =	swait.ge [sflag:s25], $0x2000  }
0x2f: {  	[sflag:s25] =	ssyncset.done $0x0  }
0x30: {  	[sflag:s25] =	ssyncadd.s32 $0xFFFFE000  }
0x31: {  	_ =	swait.ge [sflag:s25], $0x2000  }
0x32: {  	[sflag:s25] =	ssyncset.done $0x0  }
0x33: {  	[sflag:s25] =	ssyncadd.s32 $0xFFFFE000  }
0x34: {  	[hbm4b:s7+s3] =	stream.linear.scatter [tilespmem:s29], [sflag:$0x3], $0x8000, $0x38;
	[tilespmem:$0x10400] =	vst v63  }
0x35: {  	_ =	swait.ge [sflag:s26], $0x2000  }
0x36: {  	[sflag:s26] =	ssyncset.done $0x0  }
0x37: {  	[sflag:s26] =	ssyncadd.s32 $0xFFFFE000  }
0x38: {  	_ =	swait.ge [sflag:s26], $0x2000  }
0x39: {  	[sflag:s26] =	ssyncset.done $0x0  }
0x3a: {  	[sflag:s26] =	ssyncadd.s32 $0xFFFFE000  }
0x3b: {  	_ =	swait.ge [sflag:s26], $0x2000  }
0x3c: {  	[sflag:s26] =	ssyncset.done $0x0  }
0x3d: {  	[sflag:s26] =	ssyncadd.s32 $0xFFFFE000  }
0x3e: {  	_ =	swait.ge [sflag:s26], $0x2000  }
0x3f: {  	[sflag:s26] =	ssyncset.done $0x0;
	s8 =	rddreg [dreg:$0x3]  }
0x40: {  	s1 =	rddreg [dreg:$0x6];
	[sflag:s26] =	ssyncadd.s32 $0xFFFFE000;
	s0 =	sadd.s32 $0x400, s8  }
0x41: {  	[hbm4b:s1+s3] =	stream.linear.scatter [tilespmem:s18], [sflag:$0x4], $0x8000, $0x38;
	[tilespmem:$0x10400] =	vst v63  }
0x42: {  	s0 =	sshrl.u32 s0, $0x3  }
0x43: {  	s0 =	sadd.s32 s4, s0  }
0x44: {  	[tilespmem:s3], [sflag:$0x5] =	stream.linear.gather [hbm4b:s0+s3], $0x400, $0x38;
	[tilespmem:$0x10400] =	vst v63  }
0x45: {  	_ =	swait.ge [sflag:s10], $0x400  }
0x46: {  	[sflag:s10] =	ssyncset.done $0x0  }
0x47: {  	[sflag:s10] =	ssyncadd.s32 $0xFFFFFC00  }
0x48: {  	_ =	swait.ge [sflag:s28], $0x8000  }
0x49: {  	[sflag:s28] =	ssyncset.done $0x0  }
0x4a: {  	[sflag:s28] =	ssyncadd.s32 $0xFFFF8000  }
0x4b: {  	[tilespmem:s29], [sflag:$0x1] =	stream.indirect.gather [hbm4b:s2+s11], $0x40, s3, s11, $0xb8;
	[tilespmem:$0x10400] =	vst v63  }
0x4c: {  	_ = 	snop  }
0x4d: {  	[tilespmem:s12], [sflag:$0x1] =	stream.indirect.gather [hbm4b:s2+s11], $0x40, s11, s11, $0xb8;
	[tilespmem:$0x10400] =	vst v63  }
0x4e: {  	_ = 	snop  }
0x4f: {  	[tilespmem:s14], [sflag:$0x1] =	stream.indirect.gather [hbm4b:s2+s11], $0x40, s13, s11, $0xb8;
	[tilespmem:$0x10400] =	vst v63  }
0x50: {  	_ = 	snop  }
0x51: {  	[tilespmem:s16], [sflag:$0x1] =	stream.indirect.gather [hbm4b:s2+s11], $0x40, s15, s11, $0xb8;
	[tilespmem:$0x10400] =	vst v63  }
0x52: {  	_ =	swait.ge [sflag:s30], $0x8000  }
0x53: {  	[sflag:s30] =	ssyncset.done $0x0  }
0x54: {  	[sflag:s30] =	ssyncadd.s32 $0xFFFF8000  }
0x55: {  	[tilespmem:s18], [sflag:$0x2] =	stream.indirect.gather [hbm4b:s2+s11], $0x40, s17, s11, $0xb8;
	[tilespmem:$0x10400] =	vst v63  }
0x56: {  	_ = 	snop  }
0x57: {  	[tilespmem:s20], [sflag:$0x2] =	stream.indirect.gather [hbm4b:s2+s11], $0x40, s19, s11, $0xb8;
	[tilespmem:$0x10400] =	vst v63  }
0x58: {  	_ = 	snop  }
0x59: {  	[tilespmem:s22], [sflag:$0x2] =	stream.indirect.gather [hbm4b:s2+s11], $0x40, s21, s11, $0xb8;
	[tilespmem:$0x10400] =	vst v63  }
0x5a: {  	_ = 	snop  }
0x5b: {  	[tilespmem:s24], [sflag:$0x2] =	stream.indirect.gather [hbm4b:s2+s11], $0x40, s23, s11, $0xb8;
	[tilespmem:$0x10400] =	vst v63  }
0x5c: {  	_ =	swait.ge [sflag:s25], $0x2000  }
0x5d: {  	[sflag:s25] =	ssyncset.done $0x0  }
0x5e: {  	[sflag:s25] =	ssyncadd.s32 $0xFFFFE000  }
0x5f: {  	_ =	swait.ge [sflag:s25], $0x2000  }
0x60: {  	[sflag:s25] =	ssyncset.done $0x0  }
0x61: {  	[sflag:s25] =	ssyncadd.s32 $0xFFFFE000  }
0x62: {  	_ =	swait.ge [sflag:s25], $0x2000  }
0x63: {  	[sflag:s25] =	ssyncset.done $0x0  }
0x64: {  	[sflag:s25] =	ssyncadd.s32 $0xFFFFE000  }
0x65: {  	_ =	swait.ge [sflag:s25], $0x2000  }
0x66: {  	[sflag:s25] =	ssyncset.done $0x0  }
0x67: {  	[sflag:s25] =	ssyncadd.s32 $0xFFFFE000  }
0x68: {  	[hbm4b:s9+s3] =	stream.linear.scatter [tilespmem:s29], [sflag:$0x3], $0x8000, $0x38;
	[tilespmem:$0x10400] =	vst v63  }
0x69: {  	_ =	swait.ge [sflag:s26], $0x2000  }
0x6a: {  	[sflag:s26] =	ssyncset.done $0x0  }
0x6b: {  	[sflag:s26] =	ssyncadd.s32 $0xFFFFE000  }
0x6c: {  	_ =	swait.ge [sflag:s26], $0x2000  }
0x6d: {  	[sflag:s26] =	ssyncset.done $0x0  }
0x6e: {  	[sflag:s26] =	ssyncadd.s32 $0xFFFFE000  }
0x6f: {  	_ =	swait.ge [sflag:s26], $0x2000  }
0x70: {  	[sflag:s26] =	ssyncset.done $0x0  }
0x71: {  	[sflag:s26] =	ssyncadd.s32 $0xFFFFE000  }
0x72: {  	s5 =	simm.s32 $0xC00;
	_ =	swait.ge [sflag:s26], $0x2000  }
0x73: {  	s8 =	sadd.s32 $0x1000, s9;
	s1 =	sadd.s32 $0x2000, s9;
	[sflag:s26] =	ssyncset.done $0x0  }
0x74: {  	s0 =	simm.s32 $0x800;
	s6 =	rddreg [dreg:$0x3];
	[sflag:s26] =	ssyncadd.s32 $0xFFFFE000  }
.LBB2_2:
0x75: {  	[hbm4b:s8+s3] =	stream.linear.scatter [tilespmem:s18], [sflag:$0x4], $0x8000, $0x38;
	[tilespmem:$0x10400] =	vst v63  }
0x76: {  	s0 =	sadd.s32 s0, s6  }
0x77: {  	s6 =	sshrl.u32 s0, $0x3  }
0x78: {  	s6 =	sadd.s32 s4, s6  }
0x79: {  	[tilespmem:s3], [sflag:$0x5] =	stream.linear.gather [hbm4b:s6+s3], $0x400, $0x38;
	[tilespmem:$0x10400] =	vst v63  }
0x7a: {  	_ =	swait.ge [sflag:s10], $0x400  }
0x7b: {  	[sflag:s10] =	ssyncset.done $0x0  }
0x7c: {  	[sflag:s10] =	ssyncadd.s32 $0xFFFFFC00  }
0x7d: {  	_ =	swait.ge [sflag:s28], $0x8000  }
0x7e: {  	[sflag:s28] =	ssyncset.done $0x0  }
0x7f: {  	[sflag:s28] =	ssyncadd.s32 $0xFFFF8000  }
0x80: {  	[tilespmem:s29], [sflag:$0x1] =	stream.indirect.gather [hbm4b:s2+s11], $0x40, s3, s11, $0xb8;
	[tilespmem:$0x10400] =	vst v63  }
0x81: {  	_ = 	snop  }
0x82: {  	[tilespmem:s12], [sflag:$0x1] =	stream.indirect.gather [hbm4b:s2+s11], $0x40, s11, s11, $0xb8;
	[tilespmem:$0x10400] =	vst v63  }
0x83: {  	_ = 	snop  }
0x84: {  	[tilespmem:s14], [sflag:$0x1] =	stream.indirect.gather [hbm4b:s2+s11], $0x40, s13, s11, $0xb8;
	[tilespmem:$0x10400] =	vst v63  }
0x85: {  	_ = 	snop  }
0x86: {  	[tilespmem:s16], [sflag:$0x1] =	stream.indirect.gather [hbm4b:s2+s11], $0x40, s15, s11, $0xb8;
	[tilespmem:$0x10400] =	vst v63  }
0x87: {  	_ =	swait.ge [sflag:s30], $0x8000  }
0x88: {  	[sflag:s30] =	ssyncset.done $0x0  }
0x89: {  	[sflag:s30] =	ssyncadd.s32 $0xFFFF8000  }
0x8a: {  	[tilespmem:s18], [sflag:$0x2] =	stream.indirect.gather [hbm4b:s2+s11], $0x40, s17, s11, $0xb8;
	[tilespmem:$0x10400] =	vst v63  }
0x8b: {  	_ = 	snop  }
0x8c: {  	[tilespmem:s20], [sflag:$0x2] =	stream.indirect.gather [hbm4b:s2+s11], $0x40, s19, s11, $0xb8;
	[tilespmem:$0x10400] =	vst v63  }
0x8d: {  	_ = 	snop  }
0x8e: {  	[tilespmem:s22], [sflag:$0x2] =	stream.indirect.gather [hbm4b:s2+s11], $0x40, s21, s11, $0xb8;
	[tilespmem:$0x10400] =	vst v63  }
0x8f: {  	_ = 	snop  }
0x90: {  	[tilespmem:s24], [sflag:$0x2] =	stream.indirect.gather [hbm4b:s2+s11], $0x40, s23, s11, $0xb8;
	[tilespmem:$0x10400] =	vst v63  }
0x91: {  	_ =	swait.ge [sflag:s25], $0x2000  }
0x92: {  	[sflag:s25] =	ssyncset.done $0x0  }
0x93: {  	[sflag:s25] =	ssyncadd.s32 $0xFFFFE000  }
0x94: {  	_ =	swait.ge [sflag:s25], $0x2000  }
0x95: {  	[sflag:s25] =	ssyncset.done $0x0  }
0x96: {  	[sflag:s25] =	ssyncadd.s32 $0xFFFFE000  }
0x97: {  	_ =	swait.ge [sflag:s25], $0x2000  }
0x98: {  	[sflag:s25] =	ssyncset.done $0x0  }
0x99: {  	[sflag:s25] =	ssyncadd.s32 $0xFFFFE000  }
0x9a: {  	_ =	swait.ge [sflag:s25], $0x2000  }
0x9b: {  	[sflag:s25] =	ssyncset.done $0x0  }
0x9c: {  	[sflag:s25] =	ssyncadd.s32 $0xFFFFE000  }
0x9d: {  	[hbm4b:s1+s3] =	stream.linear.scatter [tilespmem:s29], [sflag:$0x3], $0x8000, $0x38;
	[tilespmem:$0x10400] =	vst v63  }
0x9e: {  	_ =	swait.ge [sflag:s26], $0x2000  }
0x9f: {  	[sflag:s26] =	ssyncset.done $0x0  }
0xa0: {  	[sflag:s26] =	ssyncadd.s32 $0xFFFFE000  }
0xa1: {  	_ =	swait.ge [sflag:s26], $0x2000  }
0xa2: {  	[sflag:s26] =	ssyncset.done $0x0  }
0xa3: {  	[sflag:s26] =	ssyncadd.s32 $0xFFFFE000  }
0xa4: {  	p0 =	sne.s32 s5, $0x6000;
	_ =	swait.ge [sflag:s26], $0x2000  }
.Ltmp0:
0xa5: {  	[sflag:s26] =	ssyncset.done $0x0;
	(pc) =	sbr.rel @p0 .LBB2_2-.Ltmp0, $4  }
0xa6: {  	[sflag:s26] =	ssyncadd.s32 $0xFFFFE000  }
0xa7: {  	s8 =	smov.u32 s5;
	s5 =	sadd.s32 $0x400, s5;
	_ =	swait.ge [sflag:s26], $0x2000  }
0xa8: {  	s0 =	smov.u32 s8;
	s8 =	sadd.s32 $0x1000, s1;
	[sflag:s26] =	ssyncset.done $0x0  }
0xa9: {  	s1 =	sadd.s32 $0x2000, s1;
	s6 =	rddreg [dreg:$0x3];
	[sflag:s26] =	ssyncadd.s32 $0xFFFFE000  }
0xaa: {  	[hbm4b:s8+s3] =	stream.linear.scatter [tilespmem:s18], [sflag:$0x4], $0x8000, $0x38;
	[tilespmem:$0x10400] =	vst v63  }
0xab: {  	s0 =	sadd.s32 s0, s6  }
0xac: {  	s0 =	sshrl.u32 s0, $0x3  }
0xad: {  	s0 =	sadd.s32 s4, s0  }
0xae: {  	[tilespmem:s3], [sflag:$0x5] =	stream.linear.gather [hbm4b:s0+s3], $0x400, $0x38;
	[tilespmem:$0x10400] =	vst v63  }
0xaf: {  	_ =	swait.ge [sflag:s10], $0x400  }
0xb0: {  	[sflag:s10] =	ssyncset.done $0x0  }
0xb1: {  	[sflag:s10] =	ssyncadd.s32 $0xFFFFFC00  }
0xb2: {  	_ =	swait.ge [sflag:s28], $0x8000  }
0xb3: {  	[sflag:s28] =	ssyncset.done $0x0  }
0xb4: {  	[sflag:s28] =	ssyncadd.s32 $0xFFFF8000  }
0xb5: {  	[tilespmem:s29], [sflag:$0x1] =	stream.indirect.gather [hbm4b:s2+s11], $0x40, s3, s11, $0xb8;
	[tilespmem:$0x10400] =	vst v63  }
0xb6: {  	_ = 	snop  }
0xb7: {  	[tilespmem:s12], [sflag:$0x1] =	stream.indirect.gather [hbm4b:s2+s11], $0x40, s11, s11, $0xb8;
	[tilespmem:$0x10400] =	vst v63  }
0xb8: {  	_ = 	snop  }
0xb9: {  	[tilespmem:s14], [sflag:$0x1] =	stream.indirect.gather [hbm4b:s2+s11], $0x40, s13, s11, $0xb8;
	[tilespmem:$0x10400] =	vst v63  }
0xba: {  	_ = 	snop  }
0xbb: {  	[tilespmem:s16], [sflag:$0x1] =	stream.indirect.gather [hbm4b:s2+s11], $0x40, s15, s11, $0xb8;
	[tilespmem:$0x10400] =	vst v63  }
0xbc: {  	_ =	swait.ge [sflag:s30], $0x8000  }
0xbd: {  	[sflag:s30] =	ssyncset.done $0x0  }
0xbe: {  	[sflag:s30] =	ssyncadd.s32 $0xFFFF8000  }
0xbf: {  	[tilespmem:s18], [sflag:$0x2] =	stream.indirect.gather [hbm4b:s2+s11], $0x40, s17, s11, $0xb8;
	[tilespmem:$0x10400] =	vst v63  }
0xc0: {  	_ = 	snop  }
0xc1: {  	[tilespmem:s20], [sflag:$0x2] =	stream.indirect.gather [hbm4b:s2+s11], $0x40, s19, s11, $0xb8;
	[tilespmem:$0x10400] =	vst v63  }
0xc2: {  	_ = 	snop  }
0xc3: {  	[tilespmem:s22], [sflag:$0x2] =	stream.indirect.gather [hbm4b:s2+s11], $0x40, s21, s11, $0xb8;
	[tilespmem:$0x10400] =	vst v63  }
0xc4: {  	_ = 	snop  }
0xc5: {  	[tilespmem:s24], [sflag:$0x2] =	stream.indirect.gather [hbm4b:s2+s11], $0x40, s23, s11, $0xb8;
	[tilespmem:$0x10400] =	vst v63  }
0xc6: {  	_ =	swait.ge [sflag:s25], $0x2000  }
0xc7: {  	[sflag:s25] =	ssyncset.done $0x0  }
0xc8: {  	[sflag:s25] =	ssyncadd.s32 $0xFFFFE000  }
0xc9: {  	_ =	swait.ge [sflag:s25], $0x2000  }
0xca: {  	[sflag:s25] =	ssyncset.done $0x0  }
0xcb: {  	[sflag:s25] =	ssyncadd.s32 $0xFFFFE000  }
0xcc: {  	_ =	swait.ge [sflag:s25], $0x2000  }
0xcd: {  	[sflag:s25] =	ssyncset.done $0x0  }
0xce: {  	[sflag:s25] =	ssyncadd.s32 $0xFFFFE000  }
0xcf: {  	_ =	swait.ge [sflag:s25], $0x2000  }
0xd0: {  	[sflag:s25] =	ssyncset.done $0x0  }
0xd1: {  	[sflag:s25] =	ssyncadd.s32 $0xFFFFE000  }
0xd2: {  	[hbm4b:s1+s3] =	stream.linear.scatter [tilespmem:s29], [sflag:$0x3], $0x8000, $0x38;
	[tilespmem:$0x10400] =	vst v63  }
0xd3: {  	_ =	swait.ge [sflag:s26], $0x2000  }
0xd4: {  	[sflag:s26] =	ssyncset.done $0x0  }
0xd5: {  	[sflag:s26] =	ssyncadd.s32 $0xFFFFE000  }
0xd6: {  	_ =	swait.ge [sflag:s26], $0x2000  }
0xd7: {  	[sflag:s26] =	ssyncset.done $0x0  }
0xd8: {  	[sflag:s26] =	ssyncadd.s32 $0xFFFFE000  }
0xd9: {  	_ =	swait.ge [sflag:s26], $0x2000  }
0xda: {  	[sflag:s26] =	ssyncset.done $0x0  }
0xdb: {  	[sflag:s26] =	ssyncadd.s32 $0xFFFFE000  }
0xdc: {  	_ =	swait.ge [sflag:s26], $0x2000  }
0xdd: {  	[sflag:s26] =	ssyncset.done $0x0  }
0xde: {  	s6 =	sadd.s32 $0x1000, s1;
	[sflag:s26] =	ssyncadd.s32 $0xFFFFE000  }
0xdf: {  	[hbm4b:s6+s3] =	stream.linear.scatter [tilespmem:s18], [sflag:$0x4], $0x8000, $0x38;
	[tilespmem:$0x10400] =	vst v63  }
0xe0: {  	_ =	swait.ge [sflag:s28], $0x8000  }
0xe1: {  	[sflag:s28] =	ssyncset.done $0x0  }
0xe2: {  	[sflag:s28] =	ssyncadd.s32 $0xFFFF8000  }
0xe3: {  	_ =	swait.ge [sflag:s30], $0x8000  }
0xe4: {  	s31 =	sadd.s32 $0x1, s31;
	s8 =	rddreg [dreg:$0x4]  }
0xe5: {  	p0 =	sne.s32 s31, s8  }
.Ltmp1:
0xe6: {  	_ = 	snop;
	(pc) =	sbr.rel @p0 .LBB2_1-.Ltmp1, $3  }
0xe7: {  	_ =	sdelay $0x1  }
0xe8: {  	[sflag:s30] =	ssyncset.done $0x0  }
0xe9: {  	[sflag:s30] =	ssyncadd.s32 $0xFFFF8000  }
0xea: {  	_ =	sfence.sel $0x180000  }
0xeb: {  	[bflag:$0x0] =	sbarrier.arrive $0xFFFF  }
0xec: {  	_ =	strace $0x90000047  }
0xed: {  	s0 =	stileid.u32;
	[bflag:$0x2] =	sbarrier.arrive $0xFFFF  }
0xee: {  	p0 =	sne.s32 s0, $0x0;
	s0 =	rddreg [dreg:$0x2]  }
0xef: {  	s0 =	sadd.s32 @!p0 $0x100000, s0  }
0xf0: {  	[sflag:s0] =	ssyncadd.tile.s32 @!p0 $0x1;
	_ =	shalt  }
.Lfunc_end2:
_tile_overlayer_lowered:
.L_overlay_start_2:
0xf1: {  	(tag) =	ssettag $0x2  }
0xf2: {  	s0 =	rddreg [dreg:$0x0];
	s2 =	stileid.u32  }
0xf3: {  	s1 =	rddreg [dreg:$0x1];
	p0 =	sne.s32 s2, $0x0  }
0xf4: {  	s3 =	rddreg [dreg:$0x2];
	[bflag:$0x3] =	sbarrier.arrive $0xFFFF;
	s2 =	simm.s32 @!p0 $0x1C05  }
0xf5: {  	[timem:s3], [sflag:s2] =	dma.local @!p0 [hbm:s0], s1  }
0xf6: {  	s0 =	simm.s32 @!p0 $0x5  }
0xf7: {  	_ =	swait.ge @!p0 [sflag:s0], s1  }
0xf8: {  	s1 =	ssub.s32 @!p0 $0x0, s1;
	[sflag:s0] =	ssyncset.done @!p0 $0x0  }
0xf9: {  	[sflag:s0] =	ssyncadd.s32 @!p0 s1  }
0xfa: {  	[bflag:$0x3] =	sbarrier.arrive $0xFFFF  }
0xfb: {  	_ =	shalt  }

</sc_bundles>
